<compile_context>
chip_gen: v7x
topology: tpu7x:2x2x1
jax: 0.10.2.dev20260603
libtpu: 0.0.44.dev20260713+nightly
codegen_flags: <defaults>
</compile_context>

<pallas_src>
import functools

import jax
import jax.numpy as jnp
from jax import lax
from jax.experimental import pallas as pl
from jax.experimental.pallas import tpu as pltpu
from jax.experimental.pallas import tpu_sc as plsc

NC = 2
NS = 16
NW = NC * NS
BB = 128


def _body(L, D_char, srcT_r, fT_r, char_r, ftab_r, out_r,
          sidx_v, fidx_v, ftab_v, char_v, asm_v, g0, g1, w0, w1):
    F = ftab_v.shape[1]
    DG_C = D_char // 8
    DG = asm_v.shape[1]
    gsem = (g0, g1)
    wsem = (w0, w1)
    w = lax.axis_index("s") * NC + lax.axis_index("c")
    wb = w * BB

    pltpu.sync_copy(srcT_r.at[:, pl.ds(wb, BB)], sidx_v)
    pltpu.sync_copy(fT_r.at[:, :, pl.ds(wb, BB)], fidx_v)
    pltpu.sync_copy(ftab_r, ftab_v)

    iota = lax.iota(jnp.int32, 16)
    rowv = [bg * 16 + iota for bg in range(BB // 16)]

    def fire_gather(l, p):
        pltpu.async_copy(char_r.at[sidx_v.at[l, :]], char_v.at[p], gsem[p])

    def wait_gather(p):
        pltpu.make_async_copy(char_r.at[pl.ds(0, BB), :],
                              char_v.at[p], gsem[p]).wait()

    def fire_write(l, p):
        pltpu.async_copy(asm_v.at[p], out_r.at[l, :, w], wsem[p])

    def drain_write(p):
        pltpu.make_async_copy(asm_v.at[p], out_r.at[0, :, 0], wsem[p]).wait()

    fire_gather(0, 0)

    def outer(l2, carry):
        for p in range(2):
            l = l2 * 2 + p

            @pl.when(l + 1 < L)
            def _():
                fire_gather(l + 1, 1 - p)

            wait_gather(p)

            @pl.when(l >= 2)
            def _():
                drain_write(p)

            cb = char_v.at[p]
            ab = asm_v.at[p]

            @plsc.parallel_loop(0, D_char, unroll=2)
            def _(d):
                dv = jnp.full((16,), d, jnp.int32)
                dg = d // 8
                dr = d % 8
                for bg in range(BB // 16):
                    v = plsc.load_gather(cb, [rowv[bg], dv])
                    ab[dg, dr, pl.ds(bg * 16, 16)] = v

            @plsc.parallel_loop(0, DG * 8 - D_char, unroll=2)
            def _(e):
                i = e // 16
                kv = jnp.full((16,), e % 16, jnp.int32)
                iv = jnp.full((16,), i, jnp.int32)
                d = D_char + e
                dg = d // 8
                dr = d % 8
                for bg in range(BB // 16):
                    fi = fidx_v[l, i, pl.ds(bg * 16, 16)]
                    v = plsc.load_gather(ftab_v, [kv, iv, fi])
                    ab[dg, dr, pl.ds(bg * 16, 16)] = v

            fire_write(l, p)
        return carry

    lax.fori_loop(0, L // 2, outer, 0)
    drain_write(0)
    drain_write(1)


def kernel(src, feats, char_table, feat_tables):
    B, L = src.shape
    assert B == NW * BB and L % 2 == 0
    F, V_f, D_feat = feat_tables.shape
    D_char = char_table.shape[1]
    D = D_char + F * D_feat
    assert D % 8 == 0 and D_char % 8 == 0 and BB % 128 == 0

    srcT = src.astype(jnp.int32).T
    fT = feats.astype(jnp.int32).transpose(2, 0, 1)
    ftabT = feat_tables.transpose(2, 0, 1)

    mesh = plsc.VectorSubcoreMesh(
        core_axis_name="c", subcore_axis_name="s",
        num_cores=NC, num_subcores=NS)

    run = pl.kernel(
        functools.partial(_body, L, D_char),
        out_type=jax.ShapeDtypeStruct((L, D // 8, NW, 8, BB), jnp.float32),
        mesh=mesh,
        scratch_types=[
            pltpu.VMEM((L, BB), jnp.int32),
            pltpu.VMEM((L, F, BB), jnp.int32),
            pltpu.VMEM((D_feat, F, V_f), jnp.float32),
            pltpu.VMEM((2, BB, D_char), jnp.float32),
            pltpu.VMEM((2, D // 8, 8, BB), jnp.float32),
        ] + [pltpu.SemaphoreType.DMA] * 4,
        compiler_params=pltpu.CompilerParams(use_tc_tiling_on_sc=False,
                                             needs_layout_passes=False),
    )
    out5 = run(srcT, fT, char_table, ftabT)
    return out5.transpose(2, 4, 0, 1, 3).reshape(B, L, D)

# --- scband reference (transcript-rebuilt; emitter-appended) ---
"""Pipeline reference for scband-embedding-64699387347568 (READ-ONLY COPY).

The authoritative reference and input builder live on the scoring server;
editing this copy changes nothing except your own understanding.
"""

import jax, jax.numpy as jnp
import numpy as np

def setup_inputs(seed: int = 0) -> dict:
    key = jax.random.key(seed)
    k1, k2, k3, k4 = jax.random.split(key, 4)
    src = jax.random.randint(k1, (4096, 50), 0, 100000)
    feats = jax.random.randint(k2, (3, 4096, 50), 0, 1000)
    char_table = jax.random.normal(k3, (100000, 64), dtype=jnp.float32)
    char_table = char_table.at[1].set(0.0)  # padding_idx=1 row zeroed
    feat_tables = jax.random.normal(k4, (3, 1000, 16), dtype=jnp.float32)
    feat_tables = feat_tables.at[:, 1, :].set(0.0)  # padding_idx=1 rows zeroed
    return {"src": src, "feats": feats, "char_table": char_table, "feat_tables": feat_tables}

def reference(src, feats, char_table, feat_tables):
    # char embedding lookup
    ex = jnp.take(char_table, src, axis=0)  # [B, L, 64]
    # feature embedding lookups, one table per feature, concatenated on dim 2
    embeddings = [ex]
    for i in range(feat_tables.shape[0]):
        embeddings.append(jnp.take(feat_tables[i], feats[i], axis=0))  # [B, L, 16]
    ex = jnp.concatenate(embeddings, axis=2)  # [B, L, 64 + 3*16]
    # dropout is identity in eval mode
    return ex

if __name__ == "__main__":
    import jax
    _d = setup_inputs()
    print(jax.jit(kernel)(*tuple(_d.values())))

</pallas_src>

<mosaic_0001>
#map = affine_map<(d0, d1) -> (0, 0)>
#map1 = affine_map<(d0, d1) -> (0, 0, 0)>
#map2 = affine_map<(d0, d1) -> (0, 0, 0, 0, 0)>
module attributes {stable_mosaic.version = 14 : i64} {
  func.func @_body(%arg0: i32, %arg1: i32, %arg2: memref<50x4096xi32, #tpu.memory_space<hbm>>, %arg3: memref<50x3x4096xi32, #tpu.memory_space<hbm>>, %arg4: memref<100000x64xf32, #tpu.memory_space<hbm>>, %arg5: memref<16x3x1000xf32, #tpu.memory_space<hbm>>, %arg6: memref<50x14x32x8x128xf32, #tpu.memory_space<hbm>>, %arg7: memref<50x128xi32, #tpu.memory_space<vmem>>, %arg8: memref<50x3x128xi32, #tpu.memory_space<vmem>>, %arg9: memref<16x3x1000xf32, #tpu.memory_space<vmem>>, %arg10: memref<2x128x64xf32, #tpu.memory_space<vmem>>, %arg11: memref<2x14x8x128xf32, #tpu.memory_space<vmem>>, %arg12: memref<!tpu.dma_semaphore, #tpu.memory_space<semaphore_mem>>, %arg13: memref<!tpu.dma_semaphore, #tpu.memory_space<semaphore_mem>>, %arg14: memref<!tpu.dma_semaphore, #tpu.memory_space<semaphore_mem>>, %arg15: memref<!tpu.dma_semaphore, #tpu.memory_space<semaphore_mem>>) attributes {dimension_semantics = [#tpu.dimension_semantics<core_parallel>, #tpu.dimension_semantics<subcore_parallel>], iteration_bounds = array<i64: 2, 16>, scalar_prefetch = 0 : i64, scratch_operands = 9 : i64, tpu.core_type = #tpu.core_type<sc_vector_subcore>, window_params = [{transform_indices = #map}, {transform_indices = #map1}, {transform_indices = #map}, {transform_indices = #map1}, {transform_indices = #map2}]} {
    %mul3A = arith.constant 2 : i32
    %mul3A_0 = arith.muli %arg1, %mul3A : i32
    %add3A = arith.addi %mul3A_0, %arg0 : i32
    %mul3A_1 = arith.constant 128 : i32
    %mul3A_2 = arith.muli %add3A, %mul3A_1 : i32
    "tpu.region"() ({
      %run_scoped3A = tpu.sem_alloc : memref<!tpu.dma_semaphore, #tpu.memory_space<semaphore_mem>>
      %dma_start3A_88 = arith.constant 0 : i32
      %dma_start3A_89 = tpu.memref_slice %arg2[%dma_start3A_88, %mul3A_2] : memref<50x4096xi32, #tpu.memory_space<hbm>> -> memref<50x128xi32, #tpu.memory_space<hbm>>
      %dma_start3A_90 = arith.constant 0 : i32
      %dma_start3A_91 = tpu.memref_slice %arg2[%dma_start3A_90, %mul3A_2] : memref<50x4096xi32, #tpu.memory_space<hbm>> -> memref<50x128xi32, #tpu.memory_space<hbm>>
      tpu.enqueue_dma source(%dma_start3A_91 : memref<50x128xi32, #tpu.memory_space<hbm>>) target(%arg7 : memref<50x128xi32, #tpu.memory_space<vmem>>) target_semaphore(%run_scoped3A : memref<!tpu.dma_semaphore, #tpu.memory_space<semaphore_mem>>)
      %dma_wait3A_92 = arith.constant 0 : i32
      %dma_wait3A_93 = tpu.memref_slice %arg2[%dma_wait3A_92, %mul3A_2] : memref<50x4096xi32, #tpu.memory_space<hbm>> -> memref<50x128xi32, #tpu.memory_space<hbm>>
      %dma_wait3A_94 = arith.constant 0 : i32
      %dma_wait3A_95 = tpu.memref_slice %arg2[%dma_wait3A_94, %mul3A_2] : memref<50x4096xi32, #tpu.memory_space<hbm>> -> memref<50x128xi32, #tpu.memory_space<hbm>>
      tpu.wait_dma2 semaphore(%run_scoped3A : memref<!tpu.dma_semaphore, #tpu.memory_space<semaphore_mem>>) src(%dma_wait3A_95 : memref<50x128xi32, #tpu.memory_space<hbm>>) dst(%arg7 : memref<50x128xi32, #tpu.memory_space<vmem>>)
      tpu.yield
    }) : () -> ()
    "tpu.region"() ({
      %run_scoped3A = tpu.sem_alloc : memref<!tpu.dma_semaphore, #tpu.memory_space<semaphore_mem>>
      %dma_start3A_88 = arith.constant 0 : i32
      %dma_start3A_89 = arith.constant 0 : i32
      %dma_start3A_90 = tpu.memref_slice %arg3[%dma_start3A_88, %dma_start3A_89, %mul3A_2] : memref<50x3x4096xi32, #tpu.memory_space<hbm>> -> memref<50x3x128xi32, #tpu.memory_space<hbm>>
      %dma_start3A_91 = arith.constant 0 : i32
      %dma_start3A_92 = arith.constant 0 : i32
      %dma_start3A_93 = tpu.memref_slice %arg3[%dma_start3A_91, %dma_start3A_92, %mul3A_2] : memref<50x3x4096xi32, #tpu.memory_space<hbm>> -> memref<50x3x128xi32, #tpu.memory_space<hbm>>
      tpu.enqueue_dma source(%dma_start3A_93 : memref<50x3x128xi32, #tpu.memory_space<hbm>>) target(%arg8 : memref<50x3x128xi32, #tpu.memory_space<vmem>>) target_semaphore(%run_scoped3A : memref<!tpu.dma_semaphore, #tpu.memory_space<semaphore_mem>>)
      %dma_wait3A_94 = arith.constant 0 : i32
      %dma_wait3A_95 = arith.constant 0 : i32
      %dma_wait3A_96 = tpu.memref_slice %arg3[%dma_wait3A_94, %dma_wait3A_95, %mul3A_2] : memref<50x3x4096xi32, #tpu.memory_space<hbm>> -> memref<50x3x128xi32, #tpu.memory_space<hbm>>
      %dma_wait3A_97 = arith.constant 0 : i32
      %dma_wait3A_98 = arith.constant 0 : i32
      %dma_wait3A_99 = tpu.memref_slice %arg3[%dma_wait3A_97, %dma_wait3A_98, %mul3A_2] : memref<50x3x4096xi32, #tpu.memory_space<hbm>> -> memref<50x3x128xi32, #tpu.memory_space<hbm>>
      tpu.wait_dma2 semaphore(%run_scoped3A : memref<!tpu.dma_semaphore, #tpu.memory_space<semaphore_mem>>) src(%dma_wait3A_99 : memref<50x3x128xi32, #tpu.memory_space<hbm>>) dst(%arg8 : memref<50x3x128xi32, #tpu.memory_space<vmem>>)
      tpu.yield
    }) : () -> ()
    "tpu.region"() ({
      %run_scoped3A = tpu.sem_alloc : memref<!tpu.dma_semaphore, #tpu.memory_space<semaphore_mem>>
      tpu.enqueue_dma source(%arg5 : memref<16x3x1000xf32, #tpu.memory_space<hbm>>) target(%arg9 : memref<16x3x1000xf32, #tpu.memory_space<vmem>>) target_semaphore(%run_scoped3A : memref<!tpu.dma_semaphore, #tpu.memory_space<semaphore_mem>>)
      tpu.wait_dma2 semaphore(%run_scoped3A : memref<!tpu.dma_semaphore, #tpu.memory_space<semaphore_mem>>) src(%arg5 : memref<16x3x1000xf32, #tpu.memory_space<hbm>>) dst(%arg9 : memref<16x3x1000xf32, #tpu.memory_space<vmem>>)
      tpu.yield
    }) : () -> ()
    %iota3A = tpu.iota {dimensions = array<i32: 0>} : vector<16xi32>
    %add3A_3 = arith.constant 0 : i32
    %add3A_4 = vector.broadcast %add3A_3 : i32 to vector<16xi32>
    %add3A_5 = arith.addi %add3A_4, %iota3A : vector<16xi32>
    %add3A_6 = arith.constant 16 : i32
    %add3A_7 = vector.broadcast %add3A_6 : i32 to vector<16xi32>
    %add3A_8 = arith.addi %add3A_7, %iota3A : vector<16xi32>
    %add3A_9 = arith.constant 32 : i32
    %add3A_10 = vector.broadcast %add3A_9 : i32 to vector<16xi32>
    %add3A_11 = arith.addi %add3A_10, %iota3A : vector<16xi32>
    %add3A_12 = arith.constant 48 : i32
    %add3A_13 = vector.broadcast %add3A_12 : i32 to vector<16xi32>
    %add3A_14 = arith.addi %add3A_13, %iota3A : vector<16xi32>
    %add3A_15 = arith.constant 64 : i32
    %add3A_16 = vector.broadcast %add3A_15 : i32 to vector<16xi32>
    %add3A_17 = arith.addi %add3A_16, %iota3A : vector<16xi32>
    %add3A_18 = arith.constant 80 : i32
    %add3A_19 = vector.broadcast %add3A_18 : i32 to vector<16xi32>
    %add3A_20 = arith.addi %add3A_19, %iota3A : vector<16xi32>
    %add3A_21 = arith.constant 96 : i32
    %add3A_22 = vector.broadcast %add3A_21 : i32 to vector<16xi32>
    %add3A_23 = arith.addi %add3A_22, %iota3A : vector<16xi32>
    %add3A_24 = arith.constant 112 : i32
    %add3A_25 = vector.broadcast %add3A_24 : i32 to vector<16xi32>
    %add3A_26 = arith.addi %add3A_25, %iota3A : vector<16xi32>
    %dma_start3A = arith.constant 0 : i32
    %dma_start3A_27 = arith.constant 0 : i32
    %dma_start3A_28 = arith.constant 0 : i32
    %dma_start3A_29 = arith.constant 0 : i32
    %dma_start3A_30 = tpu.memref_slice %arg10[%dma_start3A_27, %dma_start3A_28, %dma_start3A_29] : memref<2x128x64xf32, #tpu.memory_space<vmem>> -> memref<1x128x64xf32, #tpu.memory_space<vmem>>
    %dma_start3A_31 = tpu.memref_squeeze %dma_start3A_30 : memref<1x128x64xf32, #tpu.memory_space<vmem>> -> memref<128x64xf32, #tpu.memory_space<vmem>>
    %dma_start3A_32 = arith.constant 0 : i32
    %dma_start3A_33 = tpu.memref_slice %arg7[%dma_start3A, %dma_start3A_32] : memref<50x128xi32, #tpu.memory_space<vmem>> -> memref<1x128xi32, #tpu.memory_space<vmem>>
    %dma_start3A_34 = tpu.memref_squeeze %dma_start3A_33 : memref<1x128xi32, #tpu.memory_space<vmem>> -> memref<128xi32, #tpu.memory_space<vmem>>
    %dma_start3A_35 = arith.constant 0 : i32
    %dma_start3A_36 = arith.constant 0 : i32
    %dma_start3A_37 = tpu.memref_slice %arg4[%dma_start3A_35, %dma_start3A_36] : memref<100000x64xf32, #tpu.memory_space<hbm>> -> memref<100000x64xf32, #tpu.memory_space<hbm>>
    tpu.enqueue_indirect_dma source(%dma_start3A_37 : memref<100000x64xf32, #tpu.memory_space<hbm>>) target(%dma_start3A_31 : memref<128x64xf32, #tpu.memory_space<vmem>>) offsets(%dma_start3A_34 : memref<128xi32, #tpu.memory_space<vmem>>) semaphore(%arg12 : memref<!tpu.dma_semaphore, #tpu.memory_space<semaphore_mem>>)
    %scan3A = arith.constant 0 : i32
    %scan3A_38 = arith.constant 0 : i32
    %scan3A_39 = arith.constant 25 : i32
    %scan3A_40 = arith.addi %scan3A_38, %scan3A_39 : i32
    %scan3A_41 = arith.constant 1 : i32
    scf.for %scan3A_88 = %scan3A_38 to %scan3A_40 step %scan3A_41  : i32 {
      %mul3A_89 = arith.constant 2 : i32
      %mul3A_90 = arith.muli %scan3A_88, %mul3A_89 : i32
      %add3A_91 = arith.constant 0 : i32
      %add3A_92 = arith.addi %mul3A_90, %add3A_91 : i32
      %add3A_93 = arith.constant 1 : i32
      %add3A_94 = arith.addi %add3A_92, %add3A_93 : i32
      %lt3A = arith.constant 50 : i32
      %lt3A_95 = arith.cmpi slt, %add3A_94, %lt3A : i32
      %convert_element_type3A = arith.extui %lt3A_95 : i1 to i32
      %cond3A = arith.constant 0 : i32
      %cond3A_96 = arith.cmpi ne, %convert_element_type3A, %cond3A : i32
      scf.if %cond3A_96 {
        %add3A_206 = arith.constant 1 : i32
        %add3A_207 = arith.addi %add3A_92, %add3A_206 : i32
        %dma_start3A_208 = arith.constant 1 : i32
        %dma_start3A_209 = arith.constant 0 : i32
        %dma_start3A_210 = arith.constant 0 : i32
        %dma_start3A_211 = tpu.memref_slice %arg10[%dma_start3A_208, %dma_start3A_209, %dma_start3A_210] : memref<2x128x64xf32, #tpu.memory_space<vmem>> -> memref<1x128x64xf32, #tpu.memory_space<vmem>>
        %dma_start3A_212 = tpu.memref_squeeze %dma_start3A_211 : memref<1x128x64xf32, #tpu.memory_space<vmem>> -> memref<128x64xf32, #tpu.memory_space<vmem>>
        %dma_start3A_213 = arith.constant 0 : i32
        %dma_start3A_214 = tpu.memref_slice %arg7[%add3A_207, %dma_start3A_213] : memref<50x128xi32, #tpu.memory_space<vmem>> -> memref<1x128xi32, #tpu.memory_space<vmem>>
        %dma_start3A_215 = tpu.memref_squeeze %dma_start3A_214 : memref<1x128xi32, #tpu.memory_space<vmem>> -> memref<128xi32, #tpu.memory_space<vmem>>
        %dma_start3A_216 = arith.constant 0 : i32
        %dma_start3A_217 = arith.constant 0 : i32
        %dma_start3A_218 = tpu.memref_slice %arg4[%dma_start3A_216, %dma_start3A_217] : memref<100000x64xf32, #tpu.memory_space<hbm>> -> memref<100000x64xf32, #tpu.memory_space<hbm>>
        tpu.enqueue_indirect_dma source(%dma_start3A_218 : memref<100000x64xf32, #tpu.memory_space<hbm>>) target(%dma_start3A_212 : memref<128x64xf32, #tpu.memory_space<vmem>>) offsets(%dma_start3A_215 : memref<128xi32, #tpu.memory_space<vmem>>) semaphore(%arg13 : memref<!tpu.dma_semaphore, #tpu.memory_space<semaphore_mem>>)
      } else {
      }
      %dma_wait3A_97 = arith.constant 0 : i32
      %dma_wait3A_98 = arith.constant 0 : i32
      %dma_wait3A_99 = arith.constant 0 : i32
      %dma_wait3A_100 = tpu.memref_slice %arg10[%dma_wait3A_97, %dma_wait3A_98, %dma_wait3A_99] : memref<2x128x64xf32, #tpu.memory_space<vmem>> -> memref<1x128x64xf32, #tpu.memory_space<vmem>>
      %dma_wait3A_101 = tpu.memref_squeeze %dma_wait3A_100 : memref<1x128x64xf32, #tpu.memory_space<vmem>> -> memref<128x64xf32, #tpu.memory_space<vmem>>
      %dma_wait3A_102 = arith.constant 0 : i32
      %dma_wait3A_103 = arith.constant 0 : i32
      %dma_wait3A_104 = tpu.memref_slice %arg4[%dma_wait3A_102, %dma_wait3A_103] : memref<100000x64xf32, #tpu.memory_space<hbm>> -> memref<128x64xf32, #tpu.memory_space<hbm>>
      %dma_wait3A_105 = arith.constant 0 : i32
      %dma_wait3A_106 = arith.constant 0 : i32
      %dma_wait3A_107 = tpu.memref_slice %arg10[%dma_wait3A_97, %dma_wait3A_105, %dma_wait3A_106] : memref<2x128x64xf32, #tpu.memory_space<vmem>> -> memref<1x128x64xf32, #tpu.memory_space<vmem>>
      %dma_wait3A_108 = tpu.memref_squeeze %dma_wait3A_107 : memref<1x128x64xf32, #tpu.memory_space<vmem>> -> memref<128x64xf32, #tpu.memory_space<vmem>>
      %dma_wait3A_109 = arith.constant 0 : i32
      %dma_wait3A_110 = arith.constant 0 : i32
      %dma_wait3A_111 = tpu.memref_slice %arg4[%dma_wait3A_109, %dma_wait3A_110] : memref<100000x64xf32, #tpu.memory_space<hbm>> -> memref<128x64xf32, #tpu.memory_space<hbm>>
      tpu.wait_dma2 semaphore(%arg12 : memref<!tpu.dma_semaphore, #tpu.memory_space<semaphore_mem>>) src(%dma_wait3A_111 : memref<128x64xf32, #tpu.memory_space<hbm>>) dst(%dma_wait3A_108 : memref<128x64xf32, #tpu.memory_space<vmem>>)
      %ge3A = arith.constant 2 : i32
      %ge3A_112 = arith.cmpi sge, %add3A_92, %ge3A : i32
      %convert_element_type3A_113 = arith.extui %ge3A_112 : i1 to i32
      %cond3A_114 = arith.constant 0 : i32
      %cond3A_115 = arith.cmpi ne, %convert_element_type3A_113, %cond3A_114 : i32
      scf.if %cond3A_115 {
        %dma_wait3A_206 = arith.constant 0 : i32
        %dma_wait3A_207 = arith.constant 0 : i32
        %dma_wait3A_208 = arith.constant 0 : i32
        %dma_wait3A_209 = arith.constant 0 : i32
        %dma_wait3A_210 = arith.constant 0 : i32
        %dma_wait3A_211 = arith.constant 0 : i32
        %dma_wait3A_212 = tpu.memref_slice %arg11[%dma_wait3A_206, %dma_wait3A_209, %dma_wait3A_210, %dma_wait3A_211] : memref<2x14x8x128xf32, #tpu.memory_space<vmem>> -> memref<1x14x8x128xf32, #tpu.memory_space<vmem>>
        %dma_wait3A_213 = tpu.memref_squeeze %dma_wait3A_212 : memref<1x14x8x128xf32, #tpu.memory_space<vmem>> -> memref<14x8x128xf32, #tpu.memory_space<vmem>>
        %dma_wait3A_214 = arith.constant 0 : i32
        %dma_wait3A_215 = arith.constant 0 : i32
        %dma_wait3A_216 = arith.constant 0 : i32
        %dma_wait3A_217 = tpu.memref_slice %arg6[%dma_wait3A_207, %dma_wait3A_214, %dma_wait3A_208, %dma_wait3A_215, %dma_wait3A_216] : memref<50x14x32x8x128xf32, #tpu.memory_space<hbm>> -> memref<1x14x1x8x128xf32, #tpu.memory_space<hbm>>
        %dma_wait3A_218 = tpu.memref_squeeze %dma_wait3A_217 : memref<1x14x1x8x128xf32, #tpu.memory_space<hbm>> -> memref<14x8x128xf32, #tpu.memory_space<hbm>>
        %dma_wait3A_219 = arith.constant 0 : i32
        %dma_wait3A_220 = arith.constant 0 : i32
        %dma_wait3A_221 = arith.constant 0 : i32
        %dma_wait3A_222 = tpu.memref_slice %arg6[%dma_wait3A_207, %dma_wait3A_219, %dma_wait3A_208, %dma_wait3A_220, %dma_wait3A_221] : memref<50x14x32x8x128xf32, #tpu.memory_space<hbm>> -> memref<1x14x1x8x128xf32, #tpu.memory_space<hbm>>
        %dma_wait3A_223 = tpu.memref_squeeze %dma_wait3A_222 : memref<1x14x1x8x128xf32, #tpu.memory_space<hbm>> -> memref<14x8x128xf32, #tpu.memory_space<hbm>>
        %dma_wait3A_224 = arith.constant 0 : i32
        %dma_wait3A_225 = arith.constant 0 : i32
        %dma_wait3A_226 = arith.constant 0 : i32
        %dma_wait3A_227 = tpu.memref_slice %arg11[%dma_wait3A_206, %dma_wait3A_224, %dma_wait3A_225, %dma_wait3A_226] : memref<2x14x8x128xf32, #tpu.memory_space<vmem>> -> memref<1x14x8x128xf32, #tpu.memory_space<vmem>>
        %dma_wait3A_228 = tpu.memref_squeeze %dma_wait3A_227 : memref<1x14x8x128xf32, #tpu.memory_space<vmem>> -> memref<14x8x128xf32, #tpu.memory_space<vmem>>
        tpu.wait_dma2 semaphore(%arg14 : memref<!tpu.dma_semaphore, #tpu.memory_space<semaphore_mem>>) src(%dma_wait3A_228 : memref<14x8x128xf32, #tpu.memory_space<vmem>>) dst(%dma_wait3A_223 : memref<14x8x128xf32, #tpu.memory_space<hbm>>)
      } else {
      }
      %parallel_loop3A = arith.constant 0 : i32
      %parallel_loop3A_116 = arith.constant 64 : i32
      %parallel_loop3A_117 = arith.constant 1 : i32
      %parallel_loop3A_118 = arith.constant 0 : i32
      %parallel_loop3A_119 = arith.constant 0 : i32
      scf.for %parallel_loop3A_206 = %parallel_loop3A to %parallel_loop3A_116 step %parallel_loop3A_117  : i32 {
        %parallel_loop3A_207 = vector.broadcast %parallel_loop3A_206 : i32 to vector<16xi32>
        %parallel_loop3A_208 = arith.constant 8 : i32
        %parallel_loop3A_209 = arith.divsi %parallel_loop3A_206, %parallel_loop3A_208 : i32
        %parallel_loop3A_210 = arith.constant 0 : i32
        %parallel_loop3A_211 = arith.cmpi sgt, %parallel_loop3A_206, %parallel_loop3A_210 : i32
        %parallel_loop3A_212 = arith.extui %parallel_loop3A_211 : i1 to i32
        %parallel_loop3A_213 = arith.constant 0 : i32
        %parallel_loop3A_214 = arith.cmpi slt, %parallel_loop3A_206, %parallel_loop3A_213 : i32
        %parallel_loop3A_215 = arith.extui %parallel_loop3A_214 : i1 to i32
        %parallel_loop3A_216 = arith.subi %parallel_loop3A_212, %parallel_loop3A_215 : i32
        %parallel_loop3A_217 = arith.constant 0 : i32
        %parallel_loop3A_218 = arith.cmpi sgt, %parallel_loop3A_208, %parallel_loop3A_217 : i32
        %parallel_loop3A_219 = arith.extui %parallel_loop3A_218 : i1 to i32
        %parallel_loop3A_220 = arith.constant 0 : i32
        %parallel_loop3A_221 = arith.cmpi slt, %parallel_loop3A_208, %parallel_loop3A_220 : i32
        %parallel_loop3A_222 = arith.extui %parallel_loop3A_221 : i1 to i32
        %parallel_loop3A_223 = arith.subi %parallel_loop3A_219, %parallel_loop3A_222 : i32
        %parallel_loop3A_224 = arith.cmpi ne, %parallel_loop3A_216, %parallel_loop3A_223 : i32
        %parallel_loop3A_225 = arith.remsi %parallel_loop3A_206, %parallel_loop3A_208 : i32
        %parallel_loop3A_226 = arith.constant 0 : i32
        %parallel_loop3A_227 = arith.cmpi ne, %parallel_loop3A_225, %parallel_loop3A_226 : i32
        %parallel_loop3A_228 = arith.andi %parallel_loop3A_224, %parallel_loop3A_227 : i1
        %parallel_loop3A_229 = arith.constant 1 : i32
        %parallel_loop3A_230 = arith.subi %parallel_loop3A_209, %parallel_loop3A_229 : i32
        %parallel_loop3A_231 = arith.select %parallel_loop3A_228, %parallel_loop3A_230, %parallel_loop3A_209 : i32
        %parallel_loop3A_232 = arith.constant 8 : i32
        %parallel_loop3A_233 = arith.constant 0 : i32
        %parallel_loop3A_234 = arith.cmpi eq, %parallel_loop3A_232, %parallel_loop3A_233 : i32
        %parallel_loop3A_235 = arith.constant 1 : i32
        %parallel_loop3A_236 = arith.select %parallel_loop3A_234, %parallel_loop3A_235, %parallel_loop3A_232 : i32
        %parallel_loop3A_237 = arith.remsi %parallel_loop3A_206, %parallel_loop3A_236 : i32
        %parallel_loop3A_238 = arith.constant 0 : i32
        %parallel_loop3A_239 = arith.cmpi ne, %parallel_loop3A_237, %parallel_loop3A_238 : i32
        %parallel_loop3A_240 = arith.constant 0 : i32
        %parallel_loop3A_241 = arith.cmpi slt, %parallel_loop3A_237, %parallel_loop3A_240 : i32
        %parallel_loop3A_242 = arith.constant 0 : i32
        %parallel_loop3A_243 = arith.cmpi slt, %parallel_loop3A_236, %parallel_loop3A_242 : i32
        %parallel_loop3A_244 = arith.xori %parallel_loop3A_241, %parallel_loop3A_243 : i1
        %parallel_loop3A_245 = arith.andi %parallel_loop3A_244, %parallel_loop3A_239 : i1
        %parallel_loop3A_246 = arith.addi %parallel_loop3A_237, %parallel_loop3A_236 : i32
        %parallel_loop3A_247 = arith.select %parallel_loop3A_245, %parallel_loop3A_246, %parallel_loop3A_237 : i32
        %parallel_loop3A_248 = arith.constant 0 : i32
        %parallel_loop3A_249 = arith.constant 0 : i32
        %parallel_loop3A_250 = tpu.memref_slice %arg10[%parallel_loop3A_118, %parallel_loop3A_248, %parallel_loop3A_249] : memref<2x128x64xf32, #tpu.memory_space<vmem>> -> memref<1x128x64xf32, #tpu.memory_space<vmem>>
        %parallel_loop3A_251 = tpu.memref_squeeze %parallel_loop3A_250 : memref<1x128x64xf32, #tpu.memory_space<vmem>> -> memref<128x64xf32, #tpu.memory_space<vmem>>
        %parallel_loop3A_252 = tpu.vector_load_idx %parallel_loop3A_251[%add3A_5, %parallel_loop3A_207] : memref<128x64xf32, #tpu.memory_space<vmem>>[vector<16xi32>, vector<16xi32>], vector<16xf32>,
        %parallel_loop3A_253 = arith.constant 0 : i32
        %parallel_loop3A_254 = arith.constant 0 : i32
        %parallel_loop3A_255 = arith.constant 0 : i32
        %parallel_loop3A_256 = tpu.memref_slice %arg11[%parallel_loop3A_119, %parallel_loop3A_253, %parallel_loop3A_254, %parallel_loop3A_255] : memref<2x14x8x128xf32, #tpu.memory_space<vmem>> -> memref<1x14x8x128xf32, #tpu.memory_space<vmem>>
        %parallel_loop3A_257 = tpu.memref_squeeze %parallel_loop3A_256 : memref<1x14x8x128xf32, #tpu.memory_space<vmem>> -> memref<14x8x128xf32, #tpu.memory_space<vmem>>
        %parallel_loop3A_258 = arith.index_cast %parallel_loop3A_231 : i32 to index
        %parallel_loop3A_259 = arith.index_cast %parallel_loop3A_247 : i32 to index
        %parallel_loop3A_260 = arith.constant 0 : index
        %parallel_loop3A_261 = tpu.vector_load %parallel_loop3A_257[%parallel_loop3A_258, %parallel_loop3A_259, %parallel_loop3A_260] {strides = array<i32>} : memref<14x8x128xf32, #tpu.memory_space<vmem>>, vector<16xf32>,
        tpu.vector_store %parallel_loop3A_257[%parallel_loop3A_258, %parallel_loop3A_259, %parallel_loop3A_260], %parallel_loop3A_252 {strides = array<i32>} : memref<14x8x128xf32, #tpu.memory_space<vmem>>, vector<16xf32>,
        %parallel_loop3A_262 = arith.constant 0 : i32
        %parallel_loop3A_263 = arith.constant 0 : i32
        %parallel_loop3A_264 = tpu.memref_slice %arg10[%parallel_loop3A_118, %parallel_loop3A_262, %parallel_loop3A_263] : memref<2x128x64xf32, #tpu.memory_space<vmem>> -> memref<1x128x64xf32, #tpu.memory_space<vmem>>
        %parallel_loop3A_265 = tpu.memref_squeeze %parallel_loop3A_264 : memref<1x128x64xf32, #tpu.memory_space<vmem>> -> memref<128x64xf32, #tpu.memory_space<vmem>>
        %parallel_loop3A_266 = tpu.vector_load_idx %parallel_loop3A_265[%add3A_8, %parallel_loop3A_207] : memref<128x64xf32, #tpu.memory_space<vmem>>[vector<16xi32>, vector<16xi32>], vector<16xf32>,
        %parallel_loop3A_267 = arith.constant 0 : i32
        %parallel_loop3A_268 = arith.constant 0 : i32
        %parallel_loop3A_269 = arith.constant 0 : i32
        %parallel_loop3A_270 = tpu.memref_slice %arg11[%parallel_loop3A_119, %parallel_loop3A_267, %parallel_loop3A_268, %parallel_loop3A_269] : memref<2x14x8x128xf32, #tpu.memory_space<vmem>> -> memref<1x14x8x128xf32, #tpu.memory_space<vmem>>
        %parallel_loop3A_271 = tpu.memref_squeeze %parallel_loop3A_270 : memref<1x14x8x128xf32, #tpu.memory_space<vmem>> -> memref<14x8x128xf32, #tpu.memory_space<vmem>>
        %parallel_loop3A_272 = arith.index_cast %parallel_loop3A_231 : i32 to index
        %parallel_loop3A_273 = arith.index_cast %parallel_loop3A_247 : i32 to index
        %parallel_loop3A_274 = arith.constant 16 : index
        %parallel_loop3A_275 = tpu.vector_load %parallel_loop3A_271[%parallel_loop3A_272, %parallel_loop3A_273, %parallel_loop3A_274] {strides = array<i32>} : memref<14x8x128xf32, #tpu.memory_space<vmem>>, vector<16xf32>,
        tpu.vector_store %parallel_loop3A_271[%parallel_loop3A_272, %parallel_loop3A_273, %parallel_loop3A_274], %parallel_loop3A_266 {strides = array<i32>} : memref<14x8x128xf32, #tpu.memory_space<vmem>>, vector<16xf32>,
        %parallel_loop3A_276 = arith.constant 0 : i32
        %parallel_loop3A_277 = arith.constant 0 : i32
        %parallel_loop3A_278 = tpu.memref_slice %arg10[%parallel_loop3A_118, %parallel_loop3A_276, %parallel_loop3A_277] : memref<2x128x64xf32, #tpu.memory_space<vmem>> -> memref<1x128x64xf32, #tpu.memory_space<vmem>>
        %parallel_loop3A_279 = tpu.memref_squeeze %parallel_loop3A_278 : memref<1x128x64xf32, #tpu.memory_space<vmem>> -> memref<128x64xf32, #tpu.memory_space<vmem>>
        %parallel_loop3A_280 = tpu.vector_load_idx %parallel_loop3A_279[%add3A_11, %parallel_loop3A_207] : memref<128x64xf32, #tpu.memory_space<vmem>>[vector<16xi32>, vector<16xi32>], vector<16xf32>,
        %parallel_loop3A_281 = arith.constant 0 : i32
        %parallel_loop3A_282 = arith.constant 0 : i32
        %parallel_loop3A_283 = arith.constant 0 : i32
        %parallel_loop3A_284 = tpu.memref_slice %arg11[%parallel_loop3A_119, %parallel_loop3A_281, %parallel_loop3A_282, %parallel_loop3A_283] : memref<2x14x8x128xf32, #tpu.memory_space<vmem>> -> memref<1x14x8x128xf32, #tpu.memory_space<vmem>>
        %parallel_loop3A_285 = tpu.memref_squeeze %parallel_loop3A_284 : memref<1x14x8x128xf32, #tpu.memory_space<vmem>> -> memref<14x8x128xf32, #tpu.memory_space<vmem>>
        %parallel_loop3A_286 = arith.index_cast %parallel_loop3A_231 : i32 to index
        %parallel_loop3A_287 = arith.index_cast %parallel_loop3A_247 : i32 to index
        %parallel_loop3A_288 = arith.constant 32 : index
        %parallel_loop3A_289 = tpu.vector_load %parallel_loop3A_285[%parallel_loop3A_286, %parallel_loop3A_287, %parallel_loop3A_288] {strides = array<i32>} : memref<14x8x128xf32, #tpu.memory_space<vmem>>, vector<16xf32>,
        tpu.vector_store %parallel_loop3A_285[%parallel_loop3A_286, %parallel_loop3A_287, %parallel_loop3A_288], %parallel_loop3A_280 {strides = array<i32>} : memref<14x8x128xf32, #tpu.memory_space<vmem>>, vector<16xf32>,
        %parallel_loop3A_290 = arith.constant 0 : i32
        %parallel_loop3A_291 = arith.constant 0 : i32
        %parallel_loop3A_292 = tpu.memref_slice %arg10[%parallel_loop3A_118, %parallel_loop3A_290, %parallel_loop3A_291] : memref<2x128x64xf32, #tpu.memory_space<vmem>> -> memref<1x128x64xf32, #tpu.memory_space<vmem>>
        %parallel_loop3A_293 = tpu.memref_squeeze %parallel_loop3A_292 : memref<1x128x64xf32, #tpu.memory_space<vmem>> -> memref<128x64xf32, #tpu.memory_space<vmem>>
        %parallel_loop3A_294 = tpu.vector_load_idx %parallel_loop3A_293[%add3A_14, %parallel_loop3A_207] : memref<128x64xf32, #tpu.memory_space<vmem>>[vector<16xi32>, vector<16xi32>], vector<16xf32>,
        %parallel_loop3A_295 = arith.constant 0 : i32
        %parallel_loop3A_296 = arith.constant 0 : i32
        %parallel_loop3A_297 = arith.constant 0 : i32
        %parallel_loop3A_298 = tpu.memref_slice %arg11[%parallel_loop3A_119, %parallel_loop3A_295, %parallel_loop3A_296, %parallel_loop3A_297] : memref<2x14x8x128xf32, #tpu.memory_space<vmem>> -> memref<1x14x8x128xf32, #tpu.memory_space<vmem>>
        %parallel_loop3A_299 = tpu.memref_squeeze %parallel_loop3A_298 : memref<1x14x8x128xf32, #tpu.memory_space<vmem>> -> memref<14x8x128xf32, #tpu.memory_space<vmem>>
        %parallel_loop3A_300 = arith.index_cast %parallel_loop3A_231 : i32 to index
        %parallel_loop3A_301 = arith.index_cast %parallel_loop3A_247 : i32 to index
        %parallel_loop3A_302 = arith.constant 48 : index
        %parallel_loop3A_303 = tpu.vector_load %parallel_loop3A_299[%parallel_loop3A_300, %parallel_loop3A_301, %parallel_loop3A_302] {strides = array<i32>} : memref<14x8x128xf32, #tpu.memory_space<vmem>>, vector<16xf32>,
        tpu.vector_store %parallel_loop3A_299[%parallel_loop3A_300, %parallel_loop3A_301, %parallel_loop3A_302], %parallel_loop3A_294 {strides = array<i32>} : memref<14x8x128xf32, #tpu.memory_space<vmem>>, vector<16xf32>,
        %parallel_loop3A_304 = arith.constant 0 : i32
        %parallel_loop3A_305 = arith.constant 0 : i32
        %parallel_loop3A_306 = tpu.memref_slice %arg10[%parallel_loop3A_118, %parallel_loop3A_304, %parallel_loop3A_305] : memref<2x128x64xf32, #tpu.memory_space<vmem>> -> memref<1x128x64xf32, #tpu.memory_space<vmem>>
        %parallel_loop3A_307 = tpu.memref_squeeze %parallel_loop3A_306 : memref<1x128x64xf32, #tpu.memory_space<vmem>> -> memref<128x64xf32, #tpu.memory_space<vmem>>
        %parallel_loop3A_308 = tpu.vector_load_idx %parallel_loop3A_307[%add3A_17, %parallel_loop3A_207] : memref<128x64xf32, #tpu.memory_space<vmem>>[vector<16xi32>, vector<16xi32>], vector<16xf32>,
        %parallel_loop3A_309 = arith.constant 0 : i32
        %parallel_loop3A_310 = arith.constant 0 : i32
        %parallel_loop3A_311 = arith.constant 0 : i32
        %parallel_loop3A_312 = tpu.memref_slice %arg11[%parallel_loop3A_119, %parallel_loop3A_309, %parallel_loop3A_310, %parallel_loop3A_311] : memref<2x14x8x128xf32, #tpu.memory_space<vmem>> -> memref<1x14x8x128xf32, #tpu.memory_space<vmem>>
        %parallel_loop3A_313 = tpu.memref_squeeze %parallel_loop3A_312 : memref<1x14x8x128xf32, #tpu.memory_space<vmem>> -> memref<14x8x128xf32, #tpu.memory_space<vmem>>
        %parallel_loop3A_314 = arith.index_cast %parallel_loop3A_231 : i32 to index
        %parallel_loop3A_315 = arith.index_cast %parallel_loop3A_247 : i32 to index
        %parallel_loop3A_316 = arith.constant 64 : index
        %parallel_loop3A_317 = tpu.vector_load %parallel_loop3A_313[%parallel_loop3A_314, %parallel_loop3A_315, %parallel_loop3A_316] {strides = array<i32>} : memref<14x8x128xf32, #tpu.memory_space<vmem>>, vector<16xf32>,
        tpu.vector_store %parallel_loop3A_313[%parallel_loop3A_314, %parallel_loop3A_315, %parallel_loop3A_316], %parallel_loop3A_308 {strides = array<i32>} : memref<14x8x128xf32, #tpu.memory_space<vmem>>, vector<16xf32>,
        %parallel_loop3A_318 = arith.constant 0 : i32
        %parallel_loop3A_319 = arith.constant 0 : i32
        %parallel_loop3A_320 = tpu.memref_slice %arg10[%parallel_loop3A_118, %parallel_loop3A_318, %parallel_loop3A_319] : memref<2x128x64xf32, #tpu.memory_space<vmem>> -> memref<1x128x64xf32, #tpu.memory_space<vmem>>
        %parallel_loop3A_321 = tpu.memref_squeeze %parallel_loop3A_320 : memref<1x128x64xf32, #tpu.memory_space<vmem>> -> memref<128x64xf32, #tpu.memory_space<vmem>>
        %parallel_loop3A_322 = tpu.vector_load_idx %parallel_loop3A_321[%add3A_20, %parallel_loop3A_207] : memref<128x64xf32, #tpu.memory_space<vmem>>[vector<16xi32>, vector<16xi32>], vector<16xf32>,
        %parallel_loop3A_323 = arith.constant 0 : i32
        %parallel_loop3A_324 = arith.constant 0 : i32
        %parallel_loop3A_325 = arith.constant 0 : i32
        %parallel_loop3A_326 = tpu.memref_slice %arg11[%parallel_loop3A_119, %parallel_loop3A_323, %parallel_loop3A_324, %parallel_loop3A_325] : memref<2x14x8x128xf32, #tpu.memory_space<vmem>> -> memref<1x14x8x128xf32, #tpu.memory_space<vmem>>
        %parallel_loop3A_327 = tpu.memref_squeeze %parallel_loop3A_326 : memref<1x14x8x128xf32, #tpu.memory_space<vmem>> -> memref<14x8x128xf32, #tpu.memory_space<vmem>>
        %parallel_loop3A_328 = arith.index_cast %parallel_loop3A_231 : i32 to index
        %parallel_loop3A_329 = arith.index_cast %parallel_loop3A_247 : i32 to index
        %parallel_loop3A_330 = arith.constant 80 : index
        %parallel_loop3A_331 = tpu.vector_load %parallel_loop3A_327[%parallel_loop3A_328, %parallel_loop3A_329, %parallel_loop3A_330] {strides = array<i32>} : memref<14x8x128xf32, #tpu.memory_space<vmem>>, vector<16xf32>,
        tpu.vector_store %parallel_loop3A_327[%parallel_loop3A_328, %parallel_loop3A_329, %parallel_loop3A_330], %parallel_loop3A_322 {strides = array<i32>} : memref<14x8x128xf32, #tpu.memory_space<vmem>>, vector<16xf32>,
        %parallel_loop3A_332 = arith.constant 0 : i32
        %parallel_loop3A_333 = arith.constant 0 : i32
        %parallel_loop3A_334 = tpu.memref_slice %arg10[%parallel_loop3A_118, %parallel_loop3A_332, %parallel_loop3A_333] : memref<2x128x64xf32, #tpu.memory_space<vmem>> -> memref<1x128x64xf32, #tpu.memory_space<vmem>>
        %parallel_loop3A_335 = tpu.memref_squeeze %parallel_loop3A_334 : memref<1x128x64xf32, #tpu.memory_space<vmem>> -> memref<128x64xf32, #tpu.memory_space<vmem>>
        %parallel_loop3A_336 = tpu.vector_load_idx %parallel_loop3A_335[%add3A_23, %parallel_loop3A_207] : memref<128x64xf32, #tpu.memory_space<vmem>>[vector<16xi32>, vector<16xi32>], vector<16xf32>,
        %parallel_loop3A_337 = arith.constant 0 : i32
        %parallel_loop3A_338 = arith.constant 0 : i32
        %parallel_loop3A_339 = arith.constant 0 : i32
        %parallel_loop3A_340 = tpu.memref_slice %arg11[%parallel_loop3A_119, %parallel_loop3A_337, %parallel_loop3A_338, %parallel_loop3A_339] : memref<2x14x8x128xf32, #tpu.memory_space<vmem>> -> memref<1x14x8x128xf32, #tpu.memory_space<vmem>>
        %parallel_loop3A_341 = tpu.memref_squeeze %parallel_loop3A_340 : memref<1x14x8x128xf32, #tpu.memory_space<vmem>> -> memref<14x8x128xf32, #tpu.memory_space<vmem>>
        %parallel_loop3A_342 = arith.index_cast %parallel_loop3A_231 : i32 to index
        %parallel_loop3A_343 = arith.index_cast %parallel_loop3A_247 : i32 to index
        %parallel_loop3A_344 = arith.constant 96 : index
        %parallel_loop3A_345 = tpu.vector_load %parallel_loop3A_341[%parallel_loop3A_342, %parallel_loop3A_343, %parallel_loop3A_344] {strides = array<i32>} : memref<14x8x128xf32, #tpu.memory_space<vmem>>, vector<16xf32>,
        tpu.vector_store %parallel_loop3A_341[%parallel_loop3A_342, %parallel_loop3A_343, %parallel_loop3A_344], %parallel_loop3A_336 {strides = array<i32>} : memref<14x8x128xf32, #tpu.memory_space<vmem>>, vector<16xf32>,
        %parallel_loop3A_346 = arith.constant 0 : i32
        %parallel_loop3A_347 = arith.constant 0 : i32
        %parallel_loop3A_348 = tpu.memref_slice %arg10[%parallel_loop3A_118, %parallel_loop3A_346, %parallel_loop3A_347] : memref<2x128x64xf32, #tpu.memory_space<vmem>> -> memref<1x128x64xf32, #tpu.memory_space<vmem>>
        %parallel_loop3A_349 = tpu.memref_squeeze %parallel_loop3A_348 : memref<1x128x64xf32, #tpu.memory_space<vmem>> -> memref<128x64xf32, #tpu.memory_space<vmem>>
        %parallel_loop3A_350 = tpu.vector_load_idx %parallel_loop3A_349[%add3A_26, %parallel_loop3A_207] : memref<128x64xf32, #tpu.memory_space<vmem>>[vector<16xi32>, vector<16xi32>], vector<16xf32>,
        %parallel_loop3A_351 = arith.constant 0 : i32
        %parallel_loop3A_352 = arith.constant 0 : i32
        %parallel_loop3A_353 = arith.constant 0 : i32
        %parallel_loop3A_354 = tpu.memref_slice %arg11[%parallel_loop3A_119, %parallel_loop3A_351, %parallel_loop3A_352, %parallel_loop3A_353] : memref<2x14x8x128xf32, #tpu.memory_space<vmem>> -> memref<1x14x8x128xf32, #tpu.memory_space<vmem>>
        %parallel_loop3A_355 = tpu.memref_squeeze %parallel_loop3A_354 : memref<1x14x8x128xf32, #tpu.memory_space<vmem>> -> memref<14x8x128xf32, #tpu.memory_space<vmem>>
        %parallel_loop3A_356 = arith.index_cast %parallel_loop3A_231 : i32 to index
        %parallel_loop3A_357 = arith.index_cast %parallel_loop3A_247 : i32 to index
        %parallel_loop3A_358 = arith.constant 112 : index
        %parallel_loop3A_359 = tpu.vector_load %parallel_loop3A_355[%parallel_loop3A_356, %parallel_loop3A_357, %parallel_loop3A_358] {strides = array<i32>} : memref<14x8x128xf32, #tpu.memory_space<vmem>>, vector<16xf32>,
        tpu.vector_store %parallel_loop3A_355[%parallel_loop3A_356, %parallel_loop3A_357, %parallel_loop3A_358], %parallel_loop3A_350 {strides = array<i32>} : memref<14x8x128xf32, #tpu.memory_space<vmem>>, vector<16xf32>,
      } {sc.loop_unroll_factor = 2 : i64, sc.parallel_access}
      %parallel_loop3A_120 = arith.constant 0 : i32
      %parallel_loop3A_121 = arith.constant 48 : i32
      %parallel_loop3A_122 = arith.constant 1 : i32
      %parallel_loop3A_123 = arith.constant 0 : i32
      scf.for %parallel_loop3A_206 = %parallel_loop3A_120 to %parallel_loop3A_121 step %parallel_loop3A_122  : i32 {
        %parallel_loop3A_207 = arith.constant 16 : i32
        %parallel_loop3A_208 = arith.divsi %parallel_loop3A_206, %parallel_loop3A_207 : i32
        %parallel_loop3A_209 = arith.constant 0 : i32
        %parallel_loop3A_210 = arith.cmpi sgt, %parallel_loop3A_206, %parallel_loop3A_209 : i32
        %parallel_loop3A_211 = arith.extui %parallel_loop3A_210 : i1 to i32
        %parallel_loop3A_212 = arith.constant 0 : i32
        %parallel_loop3A_213 = arith.cmpi slt, %parallel_loop3A_206, %parallel_loop3A_212 : i32
        %parallel_loop3A_214 = arith.extui %parallel_loop3A_213 : i1 to i32
        %parallel_loop3A_215 = arith.subi %parallel_loop3A_211, %parallel_loop3A_214 : i32
        %parallel_loop3A_216 = arith.constant 0 : i32
        %parallel_loop3A_217 = arith.cmpi sgt, %parallel_loop3A_207, %parallel_loop3A_216 : i32
        %parallel_loop3A_218 = arith.extui %parallel_loop3A_217 : i1 to i32
        %parallel_loop3A_219 = arith.constant 0 : i32
        %parallel_loop3A_220 = arith.cmpi slt, %parallel_loop3A_207, %parallel_loop3A_219 : i32
        %parallel_loop3A_221 = arith.extui %parallel_loop3A_220 : i1 to i32
        %parallel_loop3A_222 = arith.subi %parallel_loop3A_218, %parallel_loop3A_221 : i32
        %parallel_loop3A_223 = arith.cmpi ne, %parallel_loop3A_215, %parallel_loop3A_222 : i32
        %parallel_loop3A_224 = arith.remsi %parallel_loop3A_206, %parallel_loop3A_207 : i32
        %parallel_loop3A_225 = arith.constant 0 : i32
        %parallel_loop3A_226 = arith.cmpi ne, %parallel_loop3A_224, %parallel_loop3A_225 : i32
        %parallel_loop3A_227 = arith.andi %parallel_loop3A_223, %parallel_loop3A_226 : i1
        %parallel_loop3A_228 = arith.constant 1 : i32
        %parallel_loop3A_229 = arith.subi %parallel_loop3A_208, %parallel_loop3A_228 : i32
        %parallel_loop3A_230 = arith.select %parallel_loop3A_227, %parallel_loop3A_229, %parallel_loop3A_208 : i32
        %parallel_loop3A_231 = arith.constant 16 : i32
        %parallel_loop3A_232 = arith.constant 0 : i32
        %parallel_loop3A_233 = arith.cmpi eq, %parallel_loop3A_231, %parallel_loop3A_232 : i32
        %parallel_loop3A_234 = arith.constant 1 : i32
        %parallel_loop3A_235 = arith.select %parallel_loop3A_233, %parallel_loop3A_234, %parallel_loop3A_231 : i32
        %parallel_loop3A_236 = arith.remsi %parallel_loop3A_206, %parallel_loop3A_235 : i32
        %parallel_loop3A_237 = arith.constant 0 : i32
        %parallel_loop3A_238 = arith.cmpi ne, %parallel_loop3A_236, %parallel_loop3A_237 : i32
        %parallel_loop3A_239 = arith.constant 0 : i32
        %parallel_loop3A_240 = arith.cmpi slt, %parallel_loop3A_236, %parallel_loop3A_239 : i32
        %parallel_loop3A_241 = arith.constant 0 : i32
        %parallel_loop3A_242 = arith.cmpi slt, %parallel_loop3A_235, %parallel_loop3A_241 : i32
        %parallel_loop3A_243 = arith.xori %parallel_loop3A_240, %parallel_loop3A_242 : i1
        %parallel_loop3A_244 = arith.andi %parallel_loop3A_243, %parallel_loop3A_238 : i1
        %parallel_loop3A_245 = arith.addi %parallel_loop3A_236, %parallel_loop3A_235 : i32
        %parallel_loop3A_246 = arith.select %parallel_loop3A_244, %parallel_loop3A_245, %parallel_loop3A_236 : i32
        %parallel_loop3A_247 = vector.broadcast %parallel_loop3A_246 : i32 to vector<16xi32>
        %parallel_loop3A_248 = vector.broadcast %parallel_loop3A_230 : i32 to vector<16xi32>
        %parallel_loop3A_249 = arith.constant 64 : i32
        %parallel_loop3A_250 = arith.addi %parallel_loop3A_249, %parallel_loop3A_206 : i32
        %parallel_loop3A_251 = arith.constant 8 : i32
        %parallel_loop3A_252 = arith.divsi %parallel_loop3A_250, %parallel_loop3A_251 : i32
        %parallel_loop3A_253 = arith.constant 0 : i32
        %parallel_loop3A_254 = arith.cmpi sgt, %parallel_loop3A_250, %parallel_loop3A_253 : i32
        %parallel_loop3A_255 = arith.extui %parallel_loop3A_254 : i1 to i32
        %parallel_loop3A_256 = arith.constant 0 : i32
        %parallel_loop3A_257 = arith.cmpi slt, %parallel_loop3A_250, %parallel_loop3A_256 : i32
        %parallel_loop3A_258 = arith.extui %parallel_loop3A_257 : i1 to i32
        %parallel_loop3A_259 = arith.subi %parallel_loop3A_255, %parallel_loop3A_258 : i32
        %parallel_loop3A_260 = arith.constant 0 : i32
        %parallel_loop3A_261 = arith.cmpi sgt, %parallel_loop3A_251, %parallel_loop3A_260 : i32
        %parallel_loop3A_262 = arith.extui %parallel_loop3A_261 : i1 to i32
        %parallel_loop3A_263 = arith.constant 0 : i32
        %parallel_loop3A_264 = arith.cmpi slt, %parallel_loop3A_251, %parallel_loop3A_263 : i32
        %parallel_loop3A_265 = arith.extui %parallel_loop3A_264 : i1 to i32
        %parallel_loop3A_266 = arith.subi %parallel_loop3A_262, %parallel_loop3A_265 : i32
        %parallel_loop3A_267 = arith.cmpi ne, %parallel_loop3A_259, %parallel_loop3A_266 : i32
        %parallel_loop3A_268 = arith.remsi %parallel_loop3A_250, %parallel_loop3A_251 : i32
        %parallel_loop3A_269 = arith.constant 0 : i32
        %parallel_loop3A_270 = arith.cmpi ne, %parallel_loop3A_268, %parallel_loop3A_269 : i32
        %parallel_loop3A_271 = arith.andi %parallel_loop3A_267, %parallel_loop3A_270 : i1
        %parallel_loop3A_272 = arith.constant 1 : i32
        %parallel_loop3A_273 = arith.subi %parallel_loop3A_252, %parallel_loop3A_272 : i32
        %parallel_loop3A_274 = arith.select %parallel_loop3A_271, %parallel_loop3A_273, %parallel_loop3A_252 : i32
        %parallel_loop3A_275 = arith.constant 8 : i32
        %parallel_loop3A_276 = arith.constant 0 : i32
        %parallel_loop3A_277 = arith.cmpi eq, %parallel_loop3A_275, %parallel_loop3A_276 : i32
        %parallel_loop3A_278 = arith.constant 1 : i32
        %parallel_loop3A_279 = arith.select %parallel_loop3A_277, %parallel_loop3A_278, %parallel_loop3A_275 : i32
        %parallel_loop3A_280 = arith.remsi %parallel_loop3A_250, %parallel_loop3A_279 : i32
        %parallel_loop3A_281 = arith.constant 0 : i32
        %parallel_loop3A_282 = arith.cmpi ne, %parallel_loop3A_280, %parallel_loop3A_281 : i32
        %parallel_loop3A_283 = arith.constant 0 : i32
        %parallel_loop3A_284 = arith.cmpi slt, %parallel_loop3A_280, %parallel_loop3A_283 : i32
        %parallel_loop3A_285 = arith.constant 0 : i32
        %parallel_loop3A_286 = arith.cmpi slt, %parallel_loop3A_279, %parallel_loop3A_285 : i32
        %parallel_loop3A_287 = arith.xori %parallel_loop3A_284, %parallel_loop3A_286 : i1
        %parallel_loop3A_288 = arith.andi %parallel_loop3A_287, %parallel_loop3A_282 : i1
        %parallel_loop3A_289 = arith.addi %parallel_loop3A_280, %parallel_loop3A_279 : i32
        %parallel_loop3A_290 = arith.select %parallel_loop3A_288, %parallel_loop3A_289, %parallel_loop3A_280 : i32
        %parallel_loop3A_291 = arith.index_cast %add3A_92 : i32 to index
        %parallel_loop3A_292 = arith.index_cast %parallel_loop3A_230 : i32 to index
        %parallel_loop3A_293 = arith.constant 0 : index
        %parallel_loop3A_294 = tpu.vector_load %arg8[%parallel_loop3A_291, %parallel_loop3A_292, %parallel_loop3A_293] {strides = array<i32>} : memref<50x3x128xi32, #tpu.memory_space<vmem>>, vector<16xi32>,
        %parallel_loop3A_295 = tpu.vector_load_idx %arg9[%parallel_loop3A_247, %parallel_loop3A_248, %parallel_loop3A_294] : memref<16x3x1000xf32, #tpu.memory_space<vmem>>[vector<16xi32>, vector<16xi32>, vector<16xi32>], vector<16xf32>,
        %parallel_loop3A_296 = arith.constant 0 : i32
        %parallel_loop3A_297 = arith.constant 0 : i32
        %parallel_loop3A_298 = arith.constant 0 : i32
        %parallel_loop3A_299 = tpu.memref_slice %arg11[%parallel_loop3A_123, %parallel_loop3A_296, %parallel_loop3A_297, %parallel_loop3A_298] : memref<2x14x8x128xf32, #tpu.memory_space<vmem>> -> memref<1x14x8x128xf32, #tpu.memory_space<vmem>>
        %parallel_loop3A_300 = tpu.memref_squeeze %parallel_loop3A_299 : memref<1x14x8x128xf32, #tpu.memory_space<vmem>> -> memref<14x8x128xf32, #tpu.memory_space<vmem>>
        %parallel_loop3A_301 = arith.index_cast %parallel_loop3A_274 : i32 to index
        %parallel_loop3A_302 = arith.index_cast %parallel_loop3A_290 : i32 to index
        %parallel_loop3A_303 = arith.constant 0 : index
        %parallel_loop3A_304 = tpu.vector_load %parallel_loop3A_300[%parallel_loop3A_301, %parallel_loop3A_302, %parallel_loop3A_303] {strides = array<i32>} : memref<14x8x128xf32, #tpu.memory_space<vmem>>, vector<16xf32>,
        tpu.vector_store %parallel_loop3A_300[%parallel_loop3A_301, %parallel_loop3A_302, %parallel_loop3A_303], %parallel_loop3A_295 {strides = array<i32>} : memref<14x8x128xf32, #tpu.memory_space<vmem>>, vector<16xf32>,
        %parallel_loop3A_305 = arith.index_cast %add3A_92 : i32 to index
        %parallel_loop3A_306 = arith.index_cast %parallel_loop3A_230 : i32 to index
        %parallel_loop3A_307 = arith.constant 16 : index
        %parallel_loop3A_308 = tpu.vector_load %arg8[%parallel_loop3A_305, %parallel_loop3A_306, %parallel_loop3A_307] {strides = array<i32>} : memref<50x3x128xi32, #tpu.memory_space<vmem>>, vector<16xi32>,
        %parallel_loop3A_309 = tpu.vector_load_idx %arg9[%parallel_loop3A_247, %parallel_loop3A_248, %parallel_loop3A_308] : memref<16x3x1000xf32, #tpu.memory_space<vmem>>[vector<16xi32>, vector<16xi32>, vector<16xi32>], vector<16xf32>,
        %parallel_loop3A_310 = arith.constant 0 : i32
        %parallel_loop3A_311 = arith.constant 0 : i32
        %parallel_loop3A_312 = arith.constant 0 : i32
        %parallel_loop3A_313 = tpu.memref_slice %arg11[%parallel_loop3A_123, %parallel_loop3A_310, %parallel_loop3A_311, %parallel_loop3A_312] : memref<2x14x8x128xf32, #tpu.memory_space<vmem>> -> memref<1x14x8x128xf32, #tpu.memory_space<vmem>>
        %parallel_loop3A_314 = tpu.memref_squeeze %parallel_loop3A_313 : memref<1x14x8x128xf32, #tpu.memory_space<vmem>> -> memref<14x8x128xf32, #tpu.memory_space<vmem>>
        %parallel_loop3A_315 = arith.index_cast %parallel_loop3A_274 : i32 to index
        %parallel_loop3A_316 = arith.index_cast %parallel_loop3A_290 : i32 to index
        %parallel_loop3A_317 = arith.constant 16 : index
        %parallel_loop3A_318 = tpu.vector_load %parallel_loop3A_314[%parallel_loop3A_315, %parallel_loop3A_316, %parallel_loop3A_317] {strides = array<i32>} : memref<14x8x128xf32, #tpu.memory_space<vmem>>, vector<16xf32>,
        tpu.vector_store %parallel_loop3A_314[%parallel_loop3A_315, %parallel_loop3A_316, %parallel_loop3A_317], %parallel_loop3A_309 {strides = array<i32>} : memref<14x8x128xf32, #tpu.memory_space<vmem>>, vector<16xf32>,
        %parallel_loop3A_319 = arith.index_cast %add3A_92 : i32 to index
        %parallel_loop3A_320 = arith.index_cast %parallel_loop3A_230 : i32 to index
        %parallel_loop3A_321 = arith.constant 32 : index
        %parallel_loop3A_322 = tpu.vector_load %arg8[%parallel_loop3A_319, %parallel_loop3A_320, %parallel_loop3A_321] {strides = array<i32>} : memref<50x3x128xi32, #tpu.memory_space<vmem>>, vector<16xi32>,
        %parallel_loop3A_323 = tpu.vector_load_idx %arg9[%parallel_loop3A_247, %parallel_loop3A_248, %parallel_loop3A_322] : memref<16x3x1000xf32, #tpu.memory_space<vmem>>[vector<16xi32>, vector<16xi32>, vector<16xi32>], vector<16xf32>,
        %parallel_loop3A_324 = arith.constant 0 : i32
        %parallel_loop3A_325 = arith.constant 0 : i32
        %parallel_loop3A_326 = arith.constant 0 : i32
        %parallel_loop3A_327 = tpu.memref_slice %arg11[%parallel_loop3A_123, %parallel_loop3A_324, %parallel_loop3A_325, %parallel_loop3A_326] : memref<2x14x8x128xf32, #tpu.memory_space<vmem>> -> memref<1x14x8x128xf32, #tpu.memory_space<vmem>>
        %parallel_loop3A_328 = tpu.memref_squeeze %parallel_loop3A_327 : memref<1x14x8x128xf32, #tpu.memory_space<vmem>> -> memref<14x8x128xf32, #tpu.memory_space<vmem>>
        %parallel_loop3A_329 = arith.index_cast %parallel_loop3A_274 : i32 to index
        %parallel_loop3A_330 = arith.index_cast %parallel_loop3A_290 : i32 to index
        %parallel_loop3A_331 = arith.constant 32 : index
        %parallel_loop3A_332 = tpu.vector_load %parallel_loop3A_328[%parallel_loop3A_329, %parallel_loop3A_330, %parallel_loop3A_331] {strides = array<i32>} : memref<14x8x128xf32, #tpu.memory_space<vmem>>, vector<16xf32>,
        tpu.vector_store %parallel_loop3A_328[%parallel_loop3A_329, %parallel_loop3A_330, %parallel_loop3A_331], %parallel_loop3A_323 {strides = array<i32>} : memref<14x8x128xf32, #tpu.memory_space<vmem>>, vector<16xf32>,
        %parallel_loop3A_333 = arith.index_cast %add3A_92 : i32 to index
        %parallel_loop3A_334 = arith.index_cast %parallel_loop3A_230 : i32 to index
        %parallel_loop3A_335 = arith.constant 48 : index
        %parallel_loop3A_336 = tpu.vector_load %arg8[%parallel_loop3A_333, %parallel_loop3A_334, %parallel_loop3A_335] {strides = array<i32>} : memref<50x3x128xi32, #tpu.memory_space<vmem>>, vector<16xi32>,
        %parallel_loop3A_337 = tpu.vector_load_idx %arg9[%parallel_loop3A_247, %parallel_loop3A_248, %parallel_loop3A_336] : memref<16x3x1000xf32, #tpu.memory_space<vmem>>[vector<16xi32>, vector<16xi32>, vector<16xi32>], vector<16xf32>,
        %parallel_loop3A_338 = arith.constant 0 : i32
        %parallel_loop3A_339 = arith.constant 0 : i32
        %parallel_loop3A_340 = arith.constant 0 : i32
        %parallel_loop3A_341 = tpu.memref_slice %arg11[%parallel_loop3A_123, %parallel_loop3A_338, %parallel_loop3A_339, %parallel_loop3A_340] : memref<2x14x8x128xf32, #tpu.memory_space<vmem>> -> memref<1x14x8x128xf32, #tpu.memory_space<vmem>>
        %parallel_loop3A_342 = tpu.memref_squeeze %parallel_loop3A_341 : memref<1x14x8x128xf32, #tpu.memory_space<vmem>> -> memref<14x8x128xf32, #tpu.memory_space<vmem>>
        %parallel_loop3A_343 = arith.index_cast %parallel_loop3A_274 : i32 to index
        %parallel_loop3A_344 = arith.index_cast %parallel_loop3A_290 : i32 to index
        %parallel_loop3A_345 = arith.constant 48 : index
        %parallel_loop3A_346 = tpu.vector_load %parallel_loop3A_342[%parallel_loop3A_343, %parallel_loop3A_344, %parallel_loop3A_345] {strides = array<i32>} : memref<14x8x128xf32, #tpu.memory_space<vmem>>, vector<16xf32>,
        tpu.vector_store %parallel_loop3A_342[%parallel_loop3A_343, %parallel_loop3A_344, %parallel_loop3A_345], %parallel_loop3A_337 {strides = array<i32>} : memref<14x8x128xf32, #tpu.memory_space<vmem>>, vector<16xf32>,
        %parallel_loop3A_347 = arith.index_cast %add3A_92 : i32 to index
        %parallel_loop3A_348 = arith.index_cast %parallel_loop3A_230 : i32 to index
        %parallel_loop3A_349 = arith.constant 64 : index
        %parallel_loop3A_350 = tpu.vector_load %arg8[%parallel_loop3A_347, %parallel_loop3A_348, %parallel_loop3A_349] {strides = array<i32>} : memref<50x3x128xi32, #tpu.memory_space<vmem>>, vector<16xi32>,
        %parallel_loop3A_351 = tpu.vector_load_idx %arg9[%parallel_loop3A_247, %parallel_loop3A_248, %parallel_loop3A_350] : memref<16x3x1000xf32, #tpu.memory_space<vmem>>[vector<16xi32>, vector<16xi32>, vector<16xi32>], vector<16xf32>,
        %parallel_loop3A_352 = arith.constant 0 : i32
        %parallel_loop3A_353 = arith.constant 0 : i32
        %parallel_loop3A_354 = arith.constant 0 : i32
        %parallel_loop3A_355 = tpu.memref_slice %arg11[%parallel_loop3A_123, %parallel_loop3A_352, %parallel_loop3A_353, %parallel_loop3A_354] : memref<2x14x8x128xf32, #tpu.memory_space<vmem>> -> memref<1x14x8x128xf32, #tpu.memory_space<vmem>>
        %parallel_loop3A_356 = tpu.memref_squeeze %parallel_loop3A_355 : memref<1x14x8x128xf32, #tpu.memory_space<vmem>> -> memref<14x8x128xf32, #tpu.memory_space<vmem>>
        %parallel_loop3A_357 = arith.index_cast %parallel_loop3A_274 : i32 to index
        %parallel_loop3A_358 = arith.index_cast %parallel_loop3A_290 : i32 to index
        %parallel_loop3A_359 = arith.constant 64 : index
        %parallel_loop3A_360 = tpu.vector_load %parallel_loop3A_356[%parallel_loop3A_357, %parallel_loop3A_358, %parallel_loop3A_359] {strides = array<i32>} : memref<14x8x128xf32, #tpu.memory_space<vmem>>, vector<16xf32>,
        tpu.vector_store %parallel_loop3A_356[%parallel_loop3A_357, %parallel_loop3A_358, %parallel_loop3A_359], %parallel_loop3A_351 {strides = array<i32>} : memref<14x8x128xf32, #tpu.memory_space<vmem>>, vector<16xf32>,
        %parallel_loop3A_361 = arith.index_cast %add3A_92 : i32 to index
        %parallel_loop3A_362 = arith.index_cast %parallel_loop3A_230 : i32 to index
        %parallel_loop3A_363 = arith.constant 80 : index
        %parallel_loop3A_364 = tpu.vector_load %arg8[%parallel_loop3A_361, %parallel_loop3A_362, %parallel_loop3A_363] {strides = array<i32>} : memref<50x3x128xi32, #tpu.memory_space<vmem>>, vector<16xi32>,
        %parallel_loop3A_365 = tpu.vector_load_idx %arg9[%parallel_loop3A_247, %parallel_loop3A_248, %parallel_loop3A_364] : memref<16x3x1000xf32, #tpu.memory_space<vmem>>[vector<16xi32>, vector<16xi32>, vector<16xi32>], vector<16xf32>,
        %parallel_loop3A_366 = arith.constant 0 : i32
        %parallel_loop3A_367 = arith.constant 0 : i32
        %parallel_loop3A_368 = arith.constant 0 : i32
        %parallel_loop3A_369 = tpu.memref_slice %arg11[%parallel_loop3A_123, %parallel_loop3A_366, %parallel_loop3A_367, %parallel_loop3A_368] : memref<2x14x8x128xf32, #tpu.memory_space<vmem>> -> memref<1x14x8x128xf32, #tpu.memory_space<vmem>>
        %parallel_loop3A_370 = tpu.memref_squeeze %parallel_loop3A_369 : memref<1x14x8x128xf32, #tpu.memory_space<vmem>> -> memref<14x8x128xf32, #tpu.memory_space<vmem>>
        %parallel_loop3A_371 = arith.index_cast %parallel_loop3A_274 : i32 to index
        %parallel_loop3A_372 = arith.index_cast %parallel_loop3A_290 : i32 to index
        %parallel_loop3A_373 = arith.constant 80 : index
        %parallel_loop3A_374 = tpu.vector_load %parallel_loop3A_370[%parallel_loop3A_371, %parallel_loop3A_372, %parallel_loop3A_373] {strides = array<i32>} : memref<14x8x128xf32, #tpu.memory_space<vmem>>, vector<16xf32>,
        tpu.vector_store %parallel_loop3A_370[%parallel_loop3A_371, %parallel_loop3A_372, %parallel_loop3A_373], %parallel_loop3A_365 {strides = array<i32>} : memref<14x8x128xf32, #tpu.memory_space<vmem>>, vector<16xf32>,
        %parallel_loop3A_375 = arith.index_cast %add3A_92 : i32 to index
        %parallel_loop3A_376 = arith.index_cast %parallel_loop3A_230 : i32 to index
        %parallel_loop3A_377 = arith.constant 96 : index
        %parallel_loop3A_378 = tpu.vector_load %arg8[%parallel_loop3A_375, %parallel_loop3A_376, %parallel_loop3A_377] {strides = array<i32>} : memref<50x3x128xi32, #tpu.memory_space<vmem>>, vector<16xi32>,
        %parallel_loop3A_379 = tpu.vector_load_idx %arg9[%parallel_loop3A_247, %parallel_loop3A_248, %parallel_loop3A_378] : memref<16x3x1000xf32, #tpu.memory_space<vmem>>[vector<16xi32>, vector<16xi32>, vector<16xi32>], vector<16xf32>,
        %parallel_loop3A_380 = arith.constant 0 : i32
        %parallel_loop3A_381 = arith.constant 0 : i32
        %parallel_loop3A_382 = arith.constant 0 : i32
        %parallel_loop3A_383 = tpu.memref_slice %arg11[%parallel_loop3A_123, %parallel_loop3A_380, %parallel_loop3A_381, %parallel_loop3A_382] : memref<2x14x8x128xf32, #tpu.memory_space<vmem>> -> memref<1x14x8x128xf32, #tpu.memory_space<vmem>>
        %parallel_loop3A_384 = tpu.memref_squeeze %parallel_loop3A_383 : memref<1x14x8x128xf32, #tpu.memory_space<vmem>> -> memref<14x8x128xf32, #tpu.memory_space<vmem>>
        %parallel_loop3A_385 = arith.index_cast %parallel_loop3A_274 : i32 to index
        %parallel_loop3A_386 = arith.index_cast %parallel_loop3A_290 : i32 to index
        %parallel_loop3A_387 = arith.constant 96 : index
        %parallel_loop3A_388 = tpu.vector_load %parallel_loop3A_384[%parallel_loop3A_385, %parallel_loop3A_386, %parallel_loop3A_387] {strides = array<i32>} : memref<14x8x128xf32, #tpu.memory_space<vmem>>, vector<16xf32>,
        tpu.vector_store %parallel_loop3A_384[%parallel_loop3A_385, %parallel_loop3A_386, %parallel_loop3A_387], %parallel_loop3A_379 {strides = array<i32>} : memref<14x8x128xf32, #tpu.memory_space<vmem>>, vector<16xf32>,
        %parallel_loop3A_389 = arith.index_cast %add3A_92 : i32 to index
        %parallel_loop3A_390 = arith.index_cast %parallel_loop3A_230 : i32 to index
        %parallel_loop3A_391 = arith.constant 112 : index
        %parallel_loop3A_392 = tpu.vector_load %arg8[%parallel_loop3A_389, %parallel_loop3A_390, %parallel_loop3A_391] {strides = array<i32>} : memref<50x3x128xi32, #tpu.memory_space<vmem>>, vector<16xi32>,
        %parallel_loop3A_393 = tpu.vector_load_idx %arg9[%parallel_loop3A_247, %parallel_loop3A_248, %parallel_loop3A_392] : memref<16x3x1000xf32, #tpu.memory_space<vmem>>[vector<16xi32>, vector<16xi32>, vector<16xi32>], vector<16xf32>,
        %parallel_loop3A_394 = arith.constant 0 : i32
        %parallel_loop3A_395 = arith.constant 0 : i32
        %parallel_loop3A_396 = arith.constant 0 : i32
        %parallel_loop3A_397 = tpu.memref_slice %arg11[%parallel_loop3A_123, %parallel_loop3A_394, %parallel_loop3A_395, %parallel_loop3A_396] : memref<2x14x8x128xf32, #tpu.memory_space<vmem>> -> memref<1x14x8x128xf32, #tpu.memory_space<vmem>>
        %parallel_loop3A_398 = tpu.memref_squeeze %parallel_loop3A_397 : memref<1x14x8x128xf32, #tpu.memory_space<vmem>> -> memref<14x8x128xf32, #tpu.memory_space<vmem>>
        %parallel_loop3A_399 = arith.index_cast %parallel_loop3A_274 : i32 to index
        %parallel_loop3A_400 = arith.index_cast %parallel_loop3A_290 : i32 to index
        %parallel_loop3A_401 = arith.constant 112 : index
        %parallel_loop3A_402 = tpu.vector_load %parallel_loop3A_398[%parallel_loop3A_399, %parallel_loop3A_400, %parallel_loop3A_401] {strides = array<i32>} : memref<14x8x128xf32, #tpu.memory_space<vmem>>, vector<16xf32>,
        tpu.vector_store %parallel_loop3A_398[%parallel_loop3A_399, %parallel_loop3A_400, %parallel_loop3A_401], %parallel_loop3A_393 {strides = array<i32>} : memref<14x8x128xf32, #tpu.memory_space<vmem>>, vector<16xf32>,
      } {sc.loop_unroll_factor = 2 : i64, sc.parallel_access}
      %dma_start3A_124 = arith.constant 0 : i32
      %dma_start3A_125 = arith.constant 0 : i32
      %dma_start3A_126 = arith.constant 0 : i32
      %dma_start3A_127 = arith.constant 0 : i32
      %dma_start3A_128 = tpu.memref_slice %arg11[%dma_start3A_124, %dma_start3A_125, %dma_start3A_126, %dma_start3A_127] : memref<2x14x8x128xf32, #tpu.memory_space<vmem>> -> memref<1x14x8x128xf32, #tpu.memory_space<vmem>>
      %dma_start3A_129 = tpu.memref_squeeze %dma_start3A_128 : memref<1x14x8x128xf32, #tpu.memory_space<vmem>> -> memref<14x8x128xf32, #tpu.memory_space<vmem>>
      %dma_start3A_130 = arith.constant 0 : i32
      %dma_start3A_131 = arith.constant 0 : i32
      %dma_start3A_132 = arith.constant 0 : i32
      %dma_start3A_133 = tpu.memref_slice %arg6[%add3A_92, %dma_start3A_130, %add3A, %dma_start3A_131, %dma_start3A_132] : memref<50x14x32x8x128xf32, #tpu.memory_space<hbm>> -> memref<1x14x1x8x128xf32, #tpu.memory_space<hbm>>
      %dma_start3A_134 = tpu.memref_squeeze %dma_start3A_133 : memref<1x14x1x8x128xf32, #tpu.memory_space<hbm>> -> memref<14x8x128xf32, #tpu.memory_space<hbm>>
      %dma_start3A_135 = arith.constant 0 : i32
      %dma_start3A_136 = arith.constant 0 : i32
      %dma_start3A_137 = arith.constant 0 : i32
      %dma_start3A_138 = tpu.memref_slice %arg6[%add3A_92, %dma_start3A_135, %add3A, %dma_start3A_136, %dma_start3A_137] : memref<50x14x32x8x128xf32, #tpu.memory_space<hbm>> -> memref<1x14x1x8x128xf32, #tpu.memory_space<hbm>>
      %dma_start3A_139 = tpu.memref_squeeze %dma_start3A_138 : memref<1x14x1x8x128xf32, #tpu.memory_space<hbm>> -> memref<14x8x128xf32, #tpu.memory_space<hbm>>
      %dma_start3A_140 = arith.constant 0 : i32
      %dma_start3A_141 = arith.constant 0 : i32
      %dma_start3A_142 = arith.constant 0 : i32
      %dma_start3A_143 = tpu.memref_slice %arg11[%dma_start3A_124, %dma_start3A_140, %dma_start3A_141, %dma_start3A_142] : memref<2x14x8x128xf32, #tpu.memory_space<vmem>> -> memref<1x14x8x128xf32, #tpu.memory_space<vmem>>
      %dma_start3A_144 = tpu.memref_squeeze %dma_start3A_143 : memref<1x14x8x128xf32, #tpu.memory_space<vmem>> -> memref<14x8x128xf32, #tpu.memory_space<vmem>>
      tpu.enqueue_dma source(%dma_start3A_144 : memref<14x8x128xf32, #tpu.memory_space<vmem>>) target(%dma_start3A_139 : memref<14x8x128xf32, #tpu.memory_space<hbm>>) target_semaphore(%arg14 : memref<!tpu.dma_semaphore, #tpu.memory_space<semaphore_mem>>)
      %mul3A_145 = arith.constant 2 : i32
      %mul3A_146 = arith.muli %scan3A_88, %mul3A_145 : i32
      %add3A_147 = arith.constant 1 : i32
      %add3A_148 = arith.addi %mul3A_146, %add3A_147 : i32
      %add3A_149 = arith.constant 1 : i32
      %add3A_150 = arith.addi %add3A_148, %add3A_149 : i32
      %lt3A_151 = arith.constant 50 : i32
      %lt3A_152 = arith.cmpi slt, %add3A_150, %lt3A_151 : i32
      %convert_element_type3A_153 = arith.extui %lt3A_152 : i1 to i32
      %cond3A_154 = arith.constant 0 : i32
      %cond3A_155 = arith.cmpi ne, %convert_element_type3A_153, %cond3A_154 : i32
      scf.if %cond3A_155 {
        %add3A_206 = arith.constant 1 : i32
        %add3A_207 = arith.addi %add3A_148, %add3A_206 : i32
        %dma_start3A_208 = arith.constant 0 : i32
        %dma_start3A_209 = arith.constant 0 : i32
        %dma_start3A_210 = arith.constant 0 : i32
        %dma_start3A_211 = tpu.memref_slice %arg10[%dma_start3A_208, %dma_start3A_209, %dma_start3A_210] : memref<2x128x64xf32, #tpu.memory_space<vmem>> -> memref<1x128x64xf32, #tpu.memory_space<vmem>>
        %dma_start3A_212 = tpu.memref_squeeze %dma_start3A_211 : memref<1x128x64xf32, #tpu.memory_space<vmem>> -> memref<128x64xf32, #tpu.memory_space<vmem>>
        %dma_start3A_213 = arith.constant 0 : i32
        %dma_start3A_214 = tpu.memref_slice %arg7[%add3A_207, %dma_start3A_213] : memref<50x128xi32, #tpu.memory_space<vmem>> -> memref<1x128xi32, #tpu.memory_space<vmem>>
        %dma_start3A_215 = tpu.memref_squeeze %dma_start3A_214 : memref<1x128xi32, #tpu.memory_space<vmem>> -> memref<128xi32, #tpu.memory_space<vmem>>
        %dma_start3A_216 = arith.constant 0 : i32
        %dma_start3A_217 = arith.constant 0 : i32
        %dma_start3A_218 = tpu.memref_slice %arg4[%dma_start3A_216, %dma_start3A_217] : memref<100000x64xf32, #tpu.memory_space<hbm>> -> memref<100000x64xf32, #tpu.memory_space<hbm>>
        tpu.enqueue_indirect_dma source(%dma_start3A_218 : memref<100000x64xf32, #tpu.memory_space<hbm>>) target(%dma_start3A_212 : memref<128x64xf32, #tpu.memory_space<vmem>>) offsets(%dma_start3A_215 : memref<128xi32, #tpu.memory_space<vmem>>) semaphore(%arg12 : memref<!tpu.dma_semaphore, #tpu.memory_space<semaphore_mem>>)
      } else {
      }
      %dma_wait3A_156 = arith.constant 1 : i32
      %dma_wait3A_157 = arith.constant 0 : i32
      %dma_wait3A_158 = arith.constant 0 : i32
      %dma_wait3A_159 = tpu.memref_slice %arg10[%dma_wait3A_156, %dma_wait3A_157, %dma_wait3A_158] : memref<2x128x64xf32, #tpu.memory_space<vmem>> -> memref<1x128x64xf32, #tpu.memory_space<vmem>>
      %dma_wait3A_160 = tpu.memref_squeeze %dma_wait3A_159 : memref<1x128x64xf32, #tpu.memory_space<vmem>> -> memref<128x64xf32, #tpu.memory_space<vmem>>
      %dma_wait3A_161 = arith.constant 0 : i32
      %dma_wait3A_162 = arith.constant 0 : i32
      %dma_wait3A_163 = tpu.memref_slice %arg4[%dma_wait3A_161, %dma_wait3A_162] : memref<100000x64xf32, #tpu.memory_space<hbm>> -> memref<128x64xf32, #tpu.memory_space<hbm>>
      %dma_wait3A_164 = arith.constant 0 : i32
      %dma_wait3A_165 = arith.constant 0 : i32
      %dma_wait3A_166 = tpu.memref_slice %arg10[%dma_wait3A_156, %dma_wait3A_164, %dma_wait3A_165] : memref<2x128x64xf32, #tpu.memory_space<vmem>> -> memref<1x128x64xf32, #tpu.memory_space<vmem>>
      %dma_wait3A_167 = tpu.memref_squeeze %dma_wait3A_166 : memref<1x128x64xf32, #tpu.memory_space<vmem>> -> memref<128x64xf32, #tpu.memory_space<vmem>>
      %dma_wait3A_168 = arith.constant 0 : i32
      %dma_wait3A_169 = arith.constant 0 : i32
      %dma_wait3A_170 = tpu.memref_slice %arg4[%dma_wait3A_168, %dma_wait3A_169] : memref<100000x64xf32, #tpu.memory_space<hbm>> -> memref<128x64xf32, #tpu.memory_space<hbm>>
      tpu.wait_dma2 semaphore(%arg13 : memref<!tpu.dma_semaphore, #tpu.memory_space<semaphore_mem>>) src(%dma_wait3A_170 : memref<128x64xf32, #tpu.memory_space<hbm>>) dst(%dma_wait3A_167 : memref<128x64xf32, #tpu.memory_space<vmem>>)
      %ge3A_171 = arith.constant 2 : i32
      %ge3A_172 = arith.cmpi sge, %add3A_148, %ge3A_171 : i32
      %convert_element_type3A_173 = arith.extui %ge3A_172 : i1 to i32
      %cond3A_174 = arith.constant 0 : i32
      %cond3A_175 = arith.cmpi ne, %convert_element_type3A_173, %cond3A_174 : i32
      scf.if %cond3A_175 {
        %dma_wait3A_206 = arith.constant 1 : i32
        %dma_wait3A_207 = arith.constant 0 : i32
        %dma_wait3A_208 = arith.constant 0 : i32
        %dma_wait3A_209 = arith.constant 0 : i32
        %dma_wait3A_210 = arith.constant 0 : i32
        %dma_wait3A_211 = arith.constant 0 : i32
        %dma_wait3A_212 = tpu.memref_slice %arg11[%dma_wait3A_206, %dma_wait3A_209, %dma_wait3A_210, %dma_wait3A_211] : memref<2x14x8x128xf32, #tpu.memory_space<vmem>> -> memref<1x14x8x128xf32, #tpu.memory_space<vmem>>
        %dma_wait3A_213 = tpu.memref_squeeze %dma_wait3A_212 : memref<1x14x8x128xf32, #tpu.memory_space<vmem>> -> memref<14x8x128xf32, #tpu.memory_space<vmem>>
        %dma_wait3A_214 = arith.constant 0 : i32
        %dma_wait3A_215 = arith.constant 0 : i32
        %dma_wait3A_216 = arith.constant 0 : i32
        %dma_wait3A_217 = tpu.memref_slice %arg6[%dma_wait3A_207, %dma_wait3A_214, %dma_wait3A_208, %dma_wait3A_215, %dma_wait3A_216] : memref<50x14x32x8x128xf32, #tpu.memory_space<hbm>> -> memref<1x14x1x8x128xf32, #tpu.memory_space<hbm>>
        %dma_wait3A_218 = tpu.memref_squeeze %dma_wait3A_217 : memref<1x14x1x8x128xf32, #tpu.memory_space<hbm>> -> memref<14x8x128xf32, #tpu.memory_space<hbm>>
        %dma_wait3A_219 = arith.constant 0 : i32
        %dma_wait3A_220 = arith.constant 0 : i32
        %dma_wait3A_221 = arith.constant 0 : i32
        %dma_wait3A_222 = tpu.memref_slice %arg6[%dma_wait3A_207, %dma_wait3A_219, %dma_wait3A_208, %dma_wait3A_220, %dma_wait3A_221] : memref<50x14x32x8x128xf32, #tpu.memory_space<hbm>> -> memref<1x14x1x8x128xf32, #tpu.memory_space<hbm>>
        %dma_wait3A_223 = tpu.memref_squeeze %dma_wait3A_222 : memref<1x14x1x8x128xf32, #tpu.memory_space<hbm>> -> memref<14x8x128xf32, #tpu.memory_space<hbm>>
        %dma_wait3A_224 = arith.constant 0 : i32
        %dma_wait3A_225 = arith.constant 0 : i32
        %dma_wait3A_226 = arith.constant 0 : i32
        %dma_wait3A_227 = tpu.memref_slice %arg11[%dma_wait3A_206, %dma_wait3A_224, %dma_wait3A_225, %dma_wait3A_226] : memref<2x14x8x128xf32, #tpu.memory_space<vmem>> -> memref<1x14x8x128xf32, #tpu.memory_space<vmem>>
        %dma_wait3A_228 = tpu.memref_squeeze %dma_wait3A_227 : memref<1x14x8x128xf32, #tpu.memory_space<vmem>> -> memref<14x8x128xf32, #tpu.memory_space<vmem>>
        tpu.wait_dma2 semaphore(%arg15 : memref<!tpu.dma_semaphore, #tpu.memory_space<semaphore_mem>>) src(%dma_wait3A_228 : memref<14x8x128xf32, #tpu.memory_space<vmem>>) dst(%dma_wait3A_223 : memref<14x8x128xf32, #tpu.memory_space<hbm>>)
      } else {
      }
      %parallel_loop3A_176 = arith.constant 0 : i32
      %parallel_loop3A_177 = arith.constant 64 : i32
      %parallel_loop3A_178 = arith.constant 1 : i32
      %parallel_loop3A_179 = arith.constant 1 : i32
      %parallel_loop3A_180 = arith.constant 1 : i32
      scf.for %parallel_loop3A_206 = %parallel_loop3A_176 to %parallel_loop3A_177 step %parallel_loop3A_178  : i32 {
        %parallel_loop3A_207 = vector.broadcast %parallel_loop3A_206 : i32 to vector<16xi32>
        %parallel_loop3A_208 = arith.constant 8 : i32
        %parallel_loop3A_209 = arith.divsi %parallel_loop3A_206, %parallel_loop3A_208 : i32
        %parallel_loop3A_210 = arith.constant 0 : i32
        %parallel_loop3A_211 = arith.cmpi sgt, %parallel_loop3A_206, %parallel_loop3A_210 : i32
        %parallel_loop3A_212 = arith.extui %parallel_loop3A_211 : i1 to i32
        %parallel_loop3A_213 = arith.constant 0 : i32
        %parallel_loop3A_214 = arith.cmpi slt, %parallel_loop3A_206, %parallel_loop3A_213 : i32
        %parallel_loop3A_215 = arith.extui %parallel_loop3A_214 : i1 to i32
        %parallel_loop3A_216 = arith.subi %parallel_loop3A_212, %parallel_loop3A_215 : i32
        %parallel_loop3A_217 = arith.constant 0 : i32
        %parallel_loop3A_218 = arith.cmpi sgt, %parallel_loop3A_208, %parallel_loop3A_217 : i32
        %parallel_loop3A_219 = arith.extui %parallel_loop3A_218 : i1 to i32
        %parallel_loop3A_220 = arith.constant 0 : i32
        %parallel_loop3A_221 = arith.cmpi slt, %parallel_loop3A_208, %parallel_loop3A_220 : i32
        %parallel_loop3A_222 = arith.extui %parallel_loop3A_221 : i1 to i32
        %parallel_loop3A_223 = arith.subi %parallel_loop3A_219, %parallel_loop3A_222 : i32
        %parallel_loop3A_224 = arith.cmpi ne, %parallel_loop3A_216, %parallel_loop3A_223 : i32
        %parallel_loop3A_225 = arith.remsi %parallel_loop3A_206, %parallel_loop3A_208 : i32
        %parallel_loop3A_226 = arith.constant 0 : i32
        %parallel_loop3A_227 = arith.cmpi ne, %parallel_loop3A_225, %parallel_loop3A_226 : i32
        %parallel_loop3A_228 = arith.andi %parallel_loop3A_224, %parallel_loop3A_227 : i1
        %parallel_loop3A_229 = arith.constant 1 : i32
        %parallel_loop3A_230 = arith.subi %parallel_loop3A_209, %parallel_loop3A_229 : i32
        %parallel_loop3A_231 = arith.select %parallel_loop3A_228, %parallel_loop3A_230, %parallel_loop3A_209 : i32
        %parallel_loop3A_232 = arith.constant 8 : i32
        %parallel_loop3A_233 = arith.constant 0 : i32
        %parallel_loop3A_234 = arith.cmpi eq, %parallel_loop3A_232, %parallel_loop3A_233 : i32
        %parallel_loop3A_235 = arith.constant 1 : i32
        %parallel_loop3A_236 = arith.select %parallel_loop3A_234, %parallel_loop3A_235, %parallel_loop3A_232 : i32
        %parallel_loop3A_237 = arith.remsi %parallel_loop3A_206, %parallel_loop3A_236 : i32
        %parallel_loop3A_238 = arith.constant 0 : i32
        %parallel_loop3A_239 = arith.cmpi ne, %parallel_loop3A_237, %parallel_loop3A_238 : i32
        %parallel_loop3A_240 = arith.constant 0 : i32
        %parallel_loop3A_241 = arith.cmpi slt, %parallel_loop3A_237, %parallel_loop3A_240 : i32
        %parallel_loop3A_242 = arith.constant 0 : i32
        %parallel_loop3A_243 = arith.cmpi slt, %parallel_loop3A_236, %parallel_loop3A_242 : i32
        %parallel_loop3A_244 = arith.xori %parallel_loop3A_241, %parallel_loop3A_243 : i1
        %parallel_loop3A_245 = arith.andi %parallel_loop3A_244, %parallel_loop3A_239 : i1
        %parallel_loop3A_246 = arith.addi %parallel_loop3A_237, %parallel_loop3A_236 : i32
        %parallel_loop3A_247 = arith.select %parallel_loop3A_245, %parallel_loop3A_246, %parallel_loop3A_237 : i32
        %parallel_loop3A_248 = arith.constant 0 : i32
        %parallel_loop3A_249 = arith.constant 0 : i32
        %parallel_loop3A_250 = tpu.memref_slice %arg10[%parallel_loop3A_179, %parallel_loop3A_248, %parallel_loop3A_249] : memref<2x128x64xf32, #tpu.memory_space<vmem>> -> memref<1x128x64xf32, #tpu.memory_space<vmem>>
        %parallel_loop3A_251 = tpu.memref_squeeze %parallel_loop3A_250 : memref<1x128x64xf32, #tpu.memory_space<vmem>> -> memref<128x64xf32, #tpu.memory_space<vmem>>
        %parallel_loop3A_252 = tpu.vector_load_idx %parallel_loop3A_251[%add3A_5, %parallel_loop3A_207] : memref<128x64xf32, #tpu.memory_space<vmem>>[vector<16xi32>, vector<16xi32>], vector<16xf32>,
        %parallel_loop3A_253 = arith.constant 0 : i32
        %parallel_loop3A_254 = arith.constant 0 : i32
        %parallel_loop3A_255 = arith.constant 0 : i32
        %parallel_loop3A_256 = tpu.memref_slice %arg11[%parallel_loop3A_180, %parallel_loop3A_253, %parallel_loop3A_254, %parallel_loop3A_255] : memref<2x14x8x128xf32, #tpu.memory_space<vmem>> -> memref<1x14x8x128xf32, #tpu.memory_space<vmem>>
        %parallel_loop3A_257 = tpu.memref_squeeze %parallel_loop3A_256 : memref<1x14x8x128xf32, #tpu.memory_space<vmem>> -> memref<14x8x128xf32, #tpu.memory_space<vmem>>
        %parallel_loop3A_258 = arith.index_cast %parallel_loop3A_231 : i32 to index
        %parallel_loop3A_259 = arith.index_cast %parallel_loop3A_247 : i32 to index
        %parallel_loop3A_260 = arith.constant 0 : index
        %parallel_loop3A_261 = tpu.vector_load %parallel_loop3A_257[%parallel_loop3A_258, %parallel_loop3A_259, %parallel_loop3A_260] {strides = array<i32>} : memref<14x8x128xf32, #tpu.memory_space<vmem>>, vector<16xf32>,
        tpu.vector_store %parallel_loop3A_257[%parallel_loop3A_258, %parallel_loop3A_259, %parallel_loop3A_260], %parallel_loop3A_252 {strides = array<i32>} : memref<14x8x128xf32, #tpu.memory_space<vmem>>, vector<16xf32>,
        %parallel_loop3A_262 = arith.constant 0 : i32
        %parallel_loop3A_263 = arith.constant 0 : i32
        %parallel_loop3A_264 = tpu.memref_slice %arg10[%parallel_loop3A_179, %parallel_loop3A_262, %parallel_loop3A_263] : memref<2x128x64xf32, #tpu.memory_space<vmem>> -> memref<1x128x64xf32, #tpu.memory_space<vmem>>
        %parallel_loop3A_265 = tpu.memref_squeeze %parallel_loop3A_264 : memref<1x128x64xf32, #tpu.memory_space<vmem>> -> memref<128x64xf32, #tpu.memory_space<vmem>>
        %parallel_loop3A_266 = tpu.vector_load_idx %parallel_loop3A_265[%add3A_8, %parallel_loop3A_207] : memref<128x64xf32, #tpu.memory_space<vmem>>[vector<16xi32>, vector<16xi32>], vector<16xf32>,
        %parallel_loop3A_267 = arith.constant 0 : i32
        %parallel_loop3A_268 = arith.constant 0 : i32
        %parallel_loop3A_269 = arith.constant 0 : i32
        %parallel_loop3A_270 = tpu.memref_slice %arg11[%parallel_loop3A_180, %parallel_loop3A_267, %parallel_loop3A_268, %parallel_loop3A_269] : memref<2x14x8x128xf32, #tpu.memory_space<vmem>> -> memref<1x14x8x128xf32, #tpu.memory_space<vmem>>
        %parallel_loop3A_271 = tpu.memref_squeeze %parallel_loop3A_270 : memref<1x14x8x128xf32, #tpu.memory_space<vmem>> -> memref<14x8x128xf32, #tpu.memory_space<vmem>>
        %parallel_loop3A_272 = arith.index_cast %parallel_loop3A_231 : i32 to index
        %parallel_loop3A_273 = arith.index_cast %parallel_loop3A_247 : i32 to index
        %parallel_loop3A_274 = arith.constant 16 : index
        %parallel_loop3A_275 = tpu.vector_load %parallel_loop3A_271[%parallel_loop3A_272, %parallel_loop3A_273, %parallel_loop3A_274] {strides = array<i32>} : memref<14x8x128xf32, #tpu.memory_space<vmem>>, vector<16xf32>,
        tpu.vector_store %parallel_loop3A_271[%parallel_loop3A_272, %parallel_loop3A_273, %parallel_loop3A_274], %parallel_loop3A_266 {strides = array<i32>} : memref<14x8x128xf32, #tpu.memory_space<vmem>>, vector<16xf32>,
        %parallel_loop3A_276 = arith.constant 0 : i32
        %parallel_loop3A_277 = arith.constant 0 : i32
        %parallel_loop3A_278 = tpu.memref_slice %arg10[%parallel_loop3A_179, %parallel_loop3A_276, %parallel_loop3A_277] : memref<2x128x64xf32, #tpu.memory_space<vmem>> -> memref<1x128x64xf32, #tpu.memory_space<vmem>>
        %parallel_loop3A_279 = tpu.memref_squeeze %parallel_loop3A_278 : memref<1x128x64xf32, #tpu.memory_space<vmem>> -> memref<128x64xf32, #tpu.memory_space<vmem>>
        %parallel_loop3A_280 = tpu.vector_load_idx %parallel_loop3A_279[%add3A_11, %parallel_loop3A_207] : memref<128x64xf32, #tpu.memory_space<vmem>>[vector<16xi32>, vector<16xi32>], vector<16xf32>,
        %parallel_loop3A_281 = arith.constant 0 : i32
        %parallel_loop3A_282 = arith.constant 0 : i32
        %parallel_loop3A_283 = arith.constant 0 : i32
        %parallel_loop3A_284 = tpu.memref_slice %arg11[%parallel_loop3A_180, %parallel_loop3A_281, %parallel_loop3A_282, %parallel_loop3A_283] : memref<2x14x8x128xf32, #tpu.memory_space<vmem>> -> memref<1x14x8x128xf32, #tpu.memory_space<vmem>>
        %parallel_loop3A_285 = tpu.memref_squeeze %parallel_loop3A_284 : memref<1x14x8x128xf32, #tpu.memory_space<vmem>> -> memref<14x8x128xf32, #tpu.memory_space<vmem>>
        %parallel_loop3A_286 = arith.index_cast %parallel_loop3A_231 : i32 to index
        %parallel_loop3A_287 = arith.index_cast %parallel_loop3A_247 : i32 to index
        %parallel_loop3A_288 = arith.constant 32 : index
        %parallel_loop3A_289 = tpu.vector_load %parallel_loop3A_285[%parallel_loop3A_286, %parallel_loop3A_287, %parallel_loop3A_288] {strides = array<i32>} : memref<14x8x128xf32, #tpu.memory_space<vmem>>, vector<16xf32>,
        tpu.vector_store %parallel_loop3A_285[%parallel_loop3A_286, %parallel_loop3A_287, %parallel_loop3A_288], %parallel_loop3A_280 {strides = array<i32>} : memref<14x8x128xf32, #tpu.memory_space<vmem>>, vector<16xf32>,
        %parallel_loop3A_290 = arith.constant 0 : i32
        %parallel_loop3A_291 = arith.constant 0 : i32
        %parallel_loop3A_292 = tpu.memref_slice %arg10[%parallel_loop3A_179, %parallel_loop3A_290, %parallel_loop3A_291] : memref<2x128x64xf32, #tpu.memory_space<vmem>> -> memref<1x128x64xf32, #tpu.memory_space<vmem>>
        %parallel_loop3A_293 = tpu.memref_squeeze %parallel_loop3A_292 : memref<1x128x64xf32, #tpu.memory_space<vmem>> -> memref<128x64xf32, #tpu.memory_space<vmem>>
        %parallel_loop3A_294 = tpu.vector_load_idx %parallel_loop3A_293[%add3A_14, %parallel_loop3A_207] : memref<128x64xf32, #tpu.memory_space<vmem>>[vector<16xi32>, vector<16xi32>], vector<16xf32>,
        %parallel_loop3A_295 = arith.constant 0 : i32
        %parallel_loop3A_296 = arith.constant 0 : i32
        %parallel_loop3A_297 = arith.constant 0 : i32
        %parallel_loop3A_298 = tpu.memref_slice %arg11[%parallel_loop3A_180, %parallel_loop3A_295, %parallel_loop3A_296, %parallel_loop3A_297] : memref<2x14x8x128xf32, #tpu.memory_space<vmem>> -> memref<1x14x8x128xf32, #tpu.memory_space<vmem>>
        %parallel_loop3A_299 = tpu.memref_squeeze %parallel_loop3A_298 : memref<1x14x8x128xf32, #tpu.memory_space<vmem>> -> memref<14x8x128xf32, #tpu.memory_space<vmem>>
        %parallel_loop3A_300 = arith.index_cast %parallel_loop3A_231 : i32 to index
        %parallel_loop3A_301 = arith.index_cast %parallel_loop3A_247 : i32 to index
        %parallel_loop3A_302 = arith.constant 48 : index
        %parallel_loop3A_303 = tpu.vector_load %parallel_loop3A_299[%parallel_loop3A_300, %parallel_loop3A_301, %parallel_loop3A_302] {strides = array<i32>} : memref<14x8x128xf32, #tpu.memory_space<vmem>>, vector<16xf32>,
        tpu.vector_store %parallel_loop3A_299[%parallel_loop3A_300, %parallel_loop3A_301, %parallel_loop3A_302], %parallel_loop3A_294 {strides = array<i32>} : memref<14x8x128xf32, #tpu.memory_space<vmem>>, vector<16xf32>,
        %parallel_loop3A_304 = arith.constant 0 : i32
        %parallel_loop3A_305 = arith.constant 0 : i32
        %parallel_loop3A_306 = tpu.memref_slice %arg10[%parallel_loop3A_179, %parallel_loop3A_304, %parallel_loop3A_305] : memref<2x128x64xf32, #tpu.memory_space<vmem>> -> memref<1x128x64xf32, #tpu.memory_space<vmem>>
        %parallel_loop3A_307 = tpu.memref_squeeze %parallel_loop3A_306 : memref<1x128x64xf32, #tpu.memory_space<vmem>> -> memref<128x64xf32, #tpu.memory_space<vmem>>
        %parallel_loop3A_308 = tpu.vector_load_idx %parallel_loop3A_307[%add3A_17, %parallel_loop3A_207] : memref<128x64xf32, #tpu.memory_space<vmem>>[vector<16xi32>, vector<16xi32>], vector<16xf32>,
        %parallel_loop3A_309 = arith.constant 0 : i32
        %parallel_loop3A_310 = arith.constant 0 : i32
        %parallel_loop3A_311 = arith.constant 0 : i32
        %parallel_loop3A_312 = tpu.memref_slice %arg11[%parallel_loop3A_180, %parallel_loop3A_309, %parallel_loop3A_310, %parallel_loop3A_311] : memref<2x14x8x128xf32, #tpu.memory_space<vmem>> -> memref<1x14x8x128xf32, #tpu.memory_space<vmem>>
        %parallel_loop3A_313 = tpu.memref_squeeze %parallel_loop3A_312 : memref<1x14x8x128xf32, #tpu.memory_space<vmem>> -> memref<14x8x128xf32, #tpu.memory_space<vmem>>
        %parallel_loop3A_314 = arith.index_cast %parallel_loop3A_231 : i32 to index
        %parallel_loop3A_315 = arith.index_cast %parallel_loop3A_247 : i32 to index
        %parallel_loop3A_316 = arith.constant 64 : index
        %parallel_loop3A_317 = tpu.vector_load %parallel_loop3A_313[%parallel_loop3A_314, %parallel_loop3A_315, %parallel_loop3A_316] {strides = array<i32>} : memref<14x8x128xf32, #tpu.memory_space<vmem>>, vector<16xf32>,
        tpu.vector_store %parallel_loop3A_313[%parallel_loop3A_314, %parallel_loop3A_315, %parallel_loop3A_316], %parallel_loop3A_308 {strides = array<i32>} : memref<14x8x128xf32, #tpu.memory_space<vmem>>, vector<16xf32>,
        %parallel_loop3A_318 = arith.constant 0 : i32
        %parallel_loop3A_319 = arith.constant 0 : i32
        %parallel_loop3A_320 = tpu.memref_slice %arg10[%parallel_loop3A_179, %parallel_loop3A_318, %parallel_loop3A_319] : memref<2x128x64xf32, #tpu.memory_space<vmem>> -> memref<1x128x64xf32, #tpu.memory_space<vmem>>
        %parallel_loop3A_321 = tpu.memref_squeeze %parallel_loop3A_320 : memref<1x128x64xf32, #tpu.memory_space<vmem>> -> memref<128x64xf32, #tpu.memory_space<vmem>>
        %parallel_loop3A_322 = tpu.vector_load_idx %parallel_loop3A_321[%add3A_20, %parallel_loop3A_207] : memref<128x64xf32, #tpu.memory_space<vmem>>[vector<16xi32>, vector<16xi32>], vector<16xf32>,
        %parallel_loop3A_323 = arith.constant 0 : i32
        %parallel_loop3A_324 = arith.constant 0 : i32
        %parallel_loop3A_325 = arith.constant 0 : i32
        %parallel_loop3A_326 = tpu.memref_slice %arg11[%parallel_loop3A_180, %parallel_loop3A_323, %parallel_loop3A_324, %parallel_loop3A_325] : memref<2x14x8x128xf32, #tpu.memory_space<vmem>> -> memref<1x14x8x128xf32, #tpu.memory_space<vmem>>
        %parallel_loop3A_327 = tpu.memref_squeeze %parallel_loop3A_326 : memref<1x14x8x128xf32, #tpu.memory_space<vmem>> -> memref<14x8x128xf32, #tpu.memory_space<vmem>>
        %parallel_loop3A_328 = arith.index_cast %parallel_loop3A_231 : i32 to index
        %parallel_loop3A_329 = arith.index_cast %parallel_loop3A_247 : i32 to index
        %parallel_loop3A_330 = arith.constant 80 : index
        %parallel_loop3A_331 = tpu.vector_load %parallel_loop3A_327[%parallel_loop3A_328, %parallel_loop3A_329, %parallel_loop3A_330] {strides = array<i32>} : memref<14x8x128xf32, #tpu.memory_space<vmem>>, vector<16xf32>,
        tpu.vector_store %parallel_loop3A_327[%parallel_loop3A_328, %parallel_loop3A_329, %parallel_loop3A_330], %parallel_loop3A_322 {strides = array<i32>} : memref<14x8x128xf32, #tpu.memory_space<vmem>>, vector<16xf32>,
        %parallel_loop3A_332 = arith.constant 0 : i32
        %parallel_loop3A_333 = arith.constant 0 : i32
        %parallel_loop3A_334 = tpu.memref_slice %arg10[%parallel_loop3A_179, %parallel_loop3A_332, %parallel_loop3A_333] : memref<2x128x64xf32, #tpu.memory_space<vmem>> -> memref<1x128x64xf32, #tpu.memory_space<vmem>>
        %parallel_loop3A_335 = tpu.memref_squeeze %parallel_loop3A_334 : memref<1x128x64xf32, #tpu.memory_space<vmem>> -> memref<128x64xf32, #tpu.memory_space<vmem>>
        %parallel_loop3A_336 = tpu.vector_load_idx %parallel_loop3A_335[%add3A_23, %parallel_loop3A_207] : memref<128x64xf32, #tpu.memory_space<vmem>>[vector<16xi32>, vector<16xi32>], vector<16xf32>,
        %parallel_loop3A_337 = arith.constant 0 : i32
        %parallel_loop3A_338 = arith.constant 0 : i32
        %parallel_loop3A_339 = arith.constant 0 : i32
        %parallel_loop3A_340 = tpu.memref_slice %arg11[%parallel_loop3A_180, %parallel_loop3A_337, %parallel_loop3A_338, %parallel_loop3A_339] : memref<2x14x8x128xf32, #tpu.memory_space<vmem>> -> memref<1x14x8x128xf32, #tpu.memory_space<vmem>>
        %parallel_loop3A_341 = tpu.memref_squeeze %parallel_loop3A_340 : memref<1x14x8x128xf32, #tpu.memory_space<vmem>> -> memref<14x8x128xf32, #tpu.memory_space<vmem>>
        %parallel_loop3A_342 = arith.index_cast %parallel_loop3A_231 : i32 to index
        %parallel_loop3A_343 = arith.index_cast %parallel_loop3A_247 : i32 to index
        %parallel_loop3A_344 = arith.constant 96 : index
        %parallel_loop3A_345 = tpu.vector_load %parallel_loop3A_341[%parallel_loop3A_342, %parallel_loop3A_343, %parallel_loop3A_344] {strides = array<i32>} : memref<14x8x128xf32, #tpu.memory_space<vmem>>, vector<16xf32>,
        tpu.vector_store %parallel_loop3A_341[%parallel_loop3A_342, %parallel_loop3A_343, %parallel_loop3A_344], %parallel_loop3A_336 {strides = array<i32>} : memref<14x8x128xf32, #tpu.memory_space<vmem>>, vector<16xf32>,
        %parallel_loop3A_346 = arith.constant 0 : i32
        %parallel_loop3A_347 = arith.constant 0 : i32
        %parallel_loop3A_348 = tpu.memref_slice %arg10[%parallel_loop3A_179, %parallel_loop3A_346, %parallel_loop3A_347] : memref<2x128x64xf32, #tpu.memory_space<vmem>> -> memref<1x128x64xf32, #tpu.memory_space<vmem>>
        %parallel_loop3A_349 = tpu.memref_squeeze %parallel_loop3A_348 : memref<1x128x64xf32, #tpu.memory_space<vmem>> -> memref<128x64xf32, #tpu.memory_space<vmem>>
        %parallel_loop3A_350 = tpu.vector_load_idx %parallel_loop3A_349[%add3A_26, %parallel_loop3A_207] : memref<128x64xf32, #tpu.memory_space<vmem>>[vector<16xi32>, vector<16xi32>], vector<16xf32>,
        %parallel_loop3A_351 = arith.constant 0 : i32
        %parallel_loop3A_352 = arith.constant 0 : i32
        %parallel_loop3A_353 = arith.constant 0 : i32
        %parallel_loop3A_354 = tpu.memref_slice %arg11[%parallel_loop3A_180, %parallel_loop3A_351, %parallel_loop3A_352, %parallel_loop3A_353] : memref<2x14x8x128xf32, #tpu.memory_space<vmem>> -> memref<1x14x8x128xf32, #tpu.memory_space<vmem>>
        %parallel_loop3A_355 = tpu.memref_squeeze %parallel_loop3A_354 : memref<1x14x8x128xf32, #tpu.memory_space<vmem>> -> memref<14x8x128xf32, #tpu.memory_space<vmem>>
        %parallel_loop3A_356 = arith.index_cast %parallel_loop3A_231 : i32 to index
        %parallel_loop3A_357 = arith.index_cast %parallel_loop3A_247 : i32 to index
        %parallel_loop3A_358 = arith.constant 112 : index
        %parallel_loop3A_359 = tpu.vector_load %parallel_loop3A_355[%parallel_loop3A_356, %parallel_loop3A_357, %parallel_loop3A_358] {strides = array<i32>} : memref<14x8x128xf32, #tpu.memory_space<vmem>>, vector<16xf32>,
        tpu.vector_store %parallel_loop3A_355[%parallel_loop3A_356, %parallel_loop3A_357, %parallel_loop3A_358], %parallel_loop3A_350 {strides = array<i32>} : memref<14x8x128xf32, #tpu.memory_space<vmem>>, vector<16xf32>,
      } {sc.loop_unroll_factor = 2 : i64, sc.parallel_access}
      %parallel_loop3A_181 = arith.constant 0 : i32
      %parallel_loop3A_182 = arith.constant 48 : i32
      %parallel_loop3A_183 = arith.constant 1 : i32
      %parallel_loop3A_184 = arith.constant 1 : i32
      scf.for %parallel_loop3A_206 = %parallel_loop3A_181 to %parallel_loop3A_182 step %parallel_loop3A_183  : i32 {
        %parallel_loop3A_207 = arith.constant 16 : i32
        %parallel_loop3A_208 = arith.divsi %parallel_loop3A_206, %parallel_loop3A_207 : i32
        %parallel_loop3A_209 = arith.constant 0 : i32
        %parallel_loop3A_210 = arith.cmpi sgt, %parallel_loop3A_206, %parallel_loop3A_209 : i32
        %parallel_loop3A_211 = arith.extui %parallel_loop3A_210 : i1 to i32
        %parallel_loop3A_212 = arith.constant 0 : i32
        %parallel_loop3A_213 = arith.cmpi slt, %parallel_loop3A_206, %parallel_loop3A_212 : i32
        %parallel_loop3A_214 = arith.extui %parallel_loop3A_213 : i1 to i32
        %parallel_loop3A_215 = arith.subi %parallel_loop3A_211, %parallel_loop3A_214 : i32
        %parallel_loop3A_216 = arith.constant 0 : i32
        %parallel_loop3A_217 = arith.cmpi sgt, %parallel_loop3A_207, %parallel_loop3A_216 : i32
        %parallel_loop3A_218 = arith.extui %parallel_loop3A_217 : i1 to i32
        %parallel_loop3A_219 = arith.constant 0 : i32
        %parallel_loop3A_220 = arith.cmpi slt, %parallel_loop3A_207, %parallel_loop3A_219 : i32
        %parallel_loop3A_221 = arith.extui %parallel_loop3A_220 : i1 to i32
        %parallel_loop3A_222 = arith.subi %parallel_loop3A_218, %parallel_loop3A_221 : i32
        %parallel_loop3A_223 = arith.cmpi ne, %parallel_loop3A_215, %parallel_loop3A_222 : i32
        %parallel_loop3A_224 = arith.remsi %parallel_loop3A_206, %parallel_loop3A_207 : i32
        %parallel_loop3A_225 = arith.constant 0 : i32
        %parallel_loop3A_226 = arith.cmpi ne, %parallel_loop3A_224, %parallel_loop3A_225 : i32
        %parallel_loop3A_227 = arith.andi %parallel_loop3A_223, %parallel_loop3A_226 : i1
        %parallel_loop3A_228 = arith.constant 1 : i32
        %parallel_loop3A_229 = arith.subi %parallel_loop3A_208, %parallel_loop3A_228 : i32
        %parallel_loop3A_230 = arith.select %parallel_loop3A_227, %parallel_loop3A_229, %parallel_loop3A_208 : i32
        %parallel_loop3A_231 = arith.constant 16 : i32
        %parallel_loop3A_232 = arith.constant 0 : i32
        %parallel_loop3A_233 = arith.cmpi eq, %parallel_loop3A_231, %parallel_loop3A_232 : i32
        %parallel_loop3A_234 = arith.constant 1 : i32
        %parallel_loop3A_235 = arith.select %parallel_loop3A_233, %parallel_loop3A_234, %parallel_loop3A_231 : i32
        %parallel_loop3A_236 = arith.remsi %parallel_loop3A_206, %parallel_loop3A_235 : i32
        %parallel_loop3A_237 = arith.constant 0 : i32
        %parallel_loop3A_238 = arith.cmpi ne, %parallel_loop3A_236, %parallel_loop3A_237 : i32
        %parallel_loop3A_239 = arith.constant 0 : i32
        %parallel_loop3A_240 = arith.cmpi slt, %parallel_loop3A_236, %parallel_loop3A_239 : i32
        %parallel_loop3A_241 = arith.constant 0 : i32
        %parallel_loop3A_242 = arith.cmpi slt, %parallel_loop3A_235, %parallel_loop3A_241 : i32
        %parallel_loop3A_243 = arith.xori %parallel_loop3A_240, %parallel_loop3A_242 : i1
        %parallel_loop3A_244 = arith.andi %parallel_loop3A_243, %parallel_loop3A_238 : i1
        %parallel_loop3A_245 = arith.addi %parallel_loop3A_236, %parallel_loop3A_235 : i32
        %parallel_loop3A_246 = arith.select %parallel_loop3A_244, %parallel_loop3A_245, %parallel_loop3A_236 : i32
        %parallel_loop3A_247 = vector.broadcast %parallel_loop3A_246 : i32 to vector<16xi32>
        %parallel_loop3A_248 = vector.broadcast %parallel_loop3A_230 : i32 to vector<16xi32>
        %parallel_loop3A_249 = arith.constant 64 : i32
        %parallel_loop3A_250 = arith.addi %parallel_loop3A_249, %parallel_loop3A_206 : i32
        %parallel_loop3A_251 = arith.constant 8 : i32
        %parallel_loop3A_252 = arith.divsi %parallel_loop3A_250, %parallel_loop3A_251 : i32
        %parallel_loop3A_253 = arith.constant 0 : i32
        %parallel_loop3A_254 = arith.cmpi sgt, %parallel_loop3A_250, %parallel_loop3A_253 : i32
        %parallel_loop3A_255 = arith.extui %parallel_loop3A_254 : i1 to i32
        %parallel_loop3A_256 = arith.constant 0 : i32
        %parallel_loop3A_257 = arith.cmpi slt, %parallel_loop3A_250, %parallel_loop3A_256 : i32
        %parallel_loop3A_258 = arith.extui %parallel_loop3A_257 : i1 to i32
        %parallel_loop3A_259 = arith.subi %parallel_loop3A_255, %parallel_loop3A_258 : i32
        %parallel_loop3A_260 = arith.constant 0 : i32
        %parallel_loop3A_261 = arith.cmpi sgt, %parallel_loop3A_251, %parallel_loop3A_260 : i32
        %parallel_loop3A_262 = arith.extui %parallel_loop3A_261 : i1 to i32
        %parallel_loop3A_263 = arith.constant 0 : i32
        %parallel_loop3A_264 = arith.cmpi slt, %parallel_loop3A_251, %parallel_loop3A_263 : i32
        %parallel_loop3A_265 = arith.extui %parallel_loop3A_264 : i1 to i32
        %parallel_loop3A_266 = arith.subi %parallel_loop3A_262, %parallel_loop3A_265 : i32
        %parallel_loop3A_267 = arith.cmpi ne, %parallel_loop3A_259, %parallel_loop3A_266 : i32
        %parallel_loop3A_268 = arith.remsi %parallel_loop3A_250, %parallel_loop3A_251 : i32
        %parallel_loop3A_269 = arith.constant 0 : i32
        %parallel_loop3A_270 = arith.cmpi ne, %parallel_loop3A_268, %parallel_loop3A_269 : i32
        %parallel_loop3A_271 = arith.andi %parallel_loop3A_267, %parallel_loop3A_270 : i1
        %parallel_loop3A_272 = arith.constant 1 : i32
        %parallel_loop3A_273 = arith.subi %parallel_loop3A_252, %parallel_loop3A_272 : i32
        %parallel_loop3A_274 = arith.select %parallel_loop3A_271, %parallel_loop3A_273, %parallel_loop3A_252 : i32
        %parallel_loop3A_275 = arith.constant 8 : i32
        %parallel_loop3A_276 = arith.constant 0 : i32
        %parallel_loop3A_277 = arith.cmpi eq, %parallel_loop3A_275, %parallel_loop3A_276 : i32
        %parallel_loop3A_278 = arith.constant 1 : i32
        %parallel_loop3A_279 = arith.select %parallel_loop3A_277, %parallel_loop3A_278, %parallel_loop3A_275 : i32
        %parallel_loop3A_280 = arith.remsi %parallel_loop3A_250, %parallel_loop3A_279 : i32
        %parallel_loop3A_281 = arith.constant 0 : i32
        %parallel_loop3A_282 = arith.cmpi ne, %parallel_loop3A_280, %parallel_loop3A_281 : i32
        %parallel_loop3A_283 = arith.constant 0 : i32
        %parallel_loop3A_284 = arith.cmpi slt, %parallel_loop3A_280, %parallel_loop3A_283 : i32
        %parallel_loop3A_285 = arith.constant 0 : i32
        %parallel_loop3A_286 = arith.cmpi slt, %parallel_loop3A_279, %parallel_loop3A_285 : i32
        %parallel_loop3A_287 = arith.xori %parallel_loop3A_284, %parallel_loop3A_286 : i1
        %parallel_loop3A_288 = arith.andi %parallel_loop3A_287, %parallel_loop3A_282 : i1
        %parallel_loop3A_289 = arith.addi %parallel_loop3A_280, %parallel_loop3A_279 : i32
        %parallel_loop3A_290 = arith.select %parallel_loop3A_288, %parallel_loop3A_289, %parallel_loop3A_280 : i32
        %parallel_loop3A_291 = arith.index_cast %add3A_148 : i32 to index
        %parallel_loop3A_292 = arith.index_cast %parallel_loop3A_230 : i32 to index
        %parallel_loop3A_293 = arith.constant 0 : index
        %parallel_loop3A_294 = tpu.vector_load %arg8[%parallel_loop3A_291, %parallel_loop3A_292, %parallel_loop3A_293] {strides = array<i32>} : memref<50x3x128xi32, #tpu.memory_space<vmem>>, vector<16xi32>,
        %parallel_loop3A_295 = tpu.vector_load_idx %arg9[%parallel_loop3A_247, %parallel_loop3A_248, %parallel_loop3A_294] : memref<16x3x1000xf32, #tpu.memory_space<vmem>>[vector<16xi32>, vector<16xi32>, vector<16xi32>], vector<16xf32>,
        %parallel_loop3A_296 = arith.constant 0 : i32
        %parallel_loop3A_297 = arith.constant 0 : i32
        %parallel_loop3A_298 = arith.constant 0 : i32
        %parallel_loop3A_299 = tpu.memref_slice %arg11[%parallel_loop3A_184, %parallel_loop3A_296, %parallel_loop3A_297, %parallel_loop3A_298] : memref<2x14x8x128xf32, #tpu.memory_space<vmem>> -> memref<1x14x8x128xf32, #tpu.memory_space<vmem>>
        %parallel_loop3A_300 = tpu.memref_squeeze %parallel_loop3A_299 : memref<1x14x8x128xf32, #tpu.memory_space<vmem>> -> memref<14x8x128xf32, #tpu.memory_space<vmem>>
        %parallel_loop3A_301 = arith.index_cast %parallel_loop3A_274 : i32 to index
        %parallel_loop3A_302 = arith.index_cast %parallel_loop3A_290 : i32 to index
        %parallel_loop3A_303 = arith.constant 0 : index
        %parallel_loop3A_304 = tpu.vector_load %parallel_loop3A_300[%parallel_loop3A_301, %parallel_loop3A_302, %parallel_loop3A_303] {strides = array<i32>} : memref<14x8x128xf32, #tpu.memory_space<vmem>>, vector<16xf32>,
        tpu.vector_store %parallel_loop3A_300[%parallel_loop3A_301, %parallel_loop3A_302, %parallel_loop3A_303], %parallel_loop3A_295 {strides = array<i32>} : memref<14x8x128xf32, #tpu.memory_space<vmem>>, vector<16xf32>,
        %parallel_loop3A_305 = arith.index_cast %add3A_148 : i32 to index
        %parallel_loop3A_306 = arith.index_cast %parallel_loop3A_230 : i32 to index
        %parallel_loop3A_307 = arith.constant 16 : index
        %parallel_loop3A_308 = tpu.vector_load %arg8[%parallel_loop3A_305, %parallel_loop3A_306, %parallel_loop3A_307] {strides = array<i32>} : memref<50x3x128xi32, #tpu.memory_space<vmem>>, vector<16xi32>,
        %parallel_loop3A_309 = tpu.vector_load_idx %arg9[%parallel_loop3A_247, %parallel_loop3A_248, %parallel_loop3A_308] : memref<16x3x1000xf32, #tpu.memory_space<vmem>>[vector<16xi32>, vector<16xi32>, vector<16xi32>], vector<16xf32>,
        %parallel_loop3A_310 = arith.constant 0 : i32
        %parallel_loop3A_311 = arith.constant 0 : i32
        %parallel_loop3A_312 = arith.constant 0 : i32
        %parallel_loop3A_313 = tpu.memref_slice %arg11[%parallel_loop3A_184, %parallel_loop3A_310, %parallel_loop3A_311, %parallel_loop3A_312] : memref<2x14x8x128xf32, #tpu.memory_space<vmem>> -> memref<1x14x8x128xf32, #tpu.memory_space<vmem>>
        %parallel_loop3A_314 = tpu.memref_squeeze %parallel_loop3A_313 : memref<1x14x8x128xf32, #tpu.memory_space<vmem>> -> memref<14x8x128xf32, #tpu.memory_space<vmem>>
        %parallel_loop3A_315 = arith.index_cast %parallel_loop3A_274 : i32 to index
        %parallel_loop3A_316 = arith.index_cast %parallel_loop3A_290 : i32 to index
        %parallel_loop3A_317 = arith.constant 16 : index
        %parallel_loop3A_318 = tpu.vector_load %parallel_loop3A_314[%parallel_loop3A_315, %parallel_loop3A_316, %parallel_loop3A_317] {strides = array<i32>} : memref<14x8x128xf32, #tpu.memory_space<vmem>>, vector<16xf32>,
        tpu.vector_store %parallel_loop3A_314[%parallel_loop3A_315, %parallel_loop3A_316, %parallel_loop3A_317], %parallel_loop3A_309 {strides = array<i32>} : memref<14x8x128xf32, #tpu.memory_space<vmem>>, vector<16xf32>,
        %parallel_loop3A_319 = arith.index_cast %add3A_148 : i32 to index
        %parallel_loop3A_320 = arith.index_cast %parallel_loop3A_230 : i32 to index
        %parallel_loop3A_321 = arith.constant 32 : index
        %parallel_loop3A_322 = tpu.vector_load %arg8[%parallel_loop3A_319, %parallel_loop3A_320, %parallel_loop3A_321] {strides = array<i32>} : memref<50x3x128xi32, #tpu.memory_space<vmem>>, vector<16xi32>,
        %parallel_loop3A_323 = tpu.vector_load_idx %arg9[%parallel_loop3A_247, %parallel_loop3A_248, %parallel_loop3A_322] : memref<16x3x1000xf32, #tpu.memory_space<vmem>>[vector<16xi32>, vector<16xi32>, vector<16xi32>], vector<16xf32>,
        %parallel_loop3A_324 = arith.constant 0 : i32
        %parallel_loop3A_325 = arith.constant 0 : i32
        %parallel_loop3A_326 = arith.constant 0 : i32
        %parallel_loop3A_327 = tpu.memref_slice %arg11[%parallel_loop3A_184, %parallel_loop3A_324, %parallel_loop3A_325, %parallel_loop3A_326] : memref<2x14x8x128xf32, #tpu.memory_space<vmem>> -> memref<1x14x8x128xf32, #tpu.memory_space<vmem>>
        %parallel_loop3A_328 = tpu.memref_squeeze %parallel_loop3A_327 : memref<1x14x8x128xf32, #tpu.memory_space<vmem>> -> memref<14x8x128xf32, #tpu.memory_space<vmem>>
        %parallel_loop3A_329 = arith.index_cast %parallel_loop3A_274 : i32 to index
        %parallel_loop3A_330 = arith.index_cast %parallel_loop3A_290 : i32 to index
        %parallel_loop3A_331 = arith.constant 32 : index
        %parallel_loop3A_332 = tpu.vector_load %parallel_loop3A_328[%parallel_loop3A_329, %parallel_loop3A_330, %parallel_loop3A_331] {strides = array<i32>} : memref<14x8x128xf32, #tpu.memory_space<vmem>>, vector<16xf32>,
        tpu.vector_store %parallel_loop3A_328[%parallel_loop3A_329, %parallel_loop3A_330, %parallel_loop3A_331], %parallel_loop3A_323 {strides = array<i32>} : memref<14x8x128xf32, #tpu.memory_space<vmem>>, vector<16xf32>,
        %parallel_loop3A_333 = arith.index_cast %add3A_148 : i32 to index
        %parallel_loop3A_334 = arith.index_cast %parallel_loop3A_230 : i32 to index
        %parallel_loop3A_335 = arith.constant 48 : index
        %parallel_loop3A_336 = tpu.vector_load %arg8[%parallel_loop3A_333, %parallel_loop3A_334, %parallel_loop3A_335] {strides = array<i32>} : memref<50x3x128xi32, #tpu.memory_space<vmem>>, vector<16xi32>,
        %parallel_loop3A_337 = tpu.vector_load_idx %arg9[%parallel_loop3A_247, %parallel_loop3A_248, %parallel_loop3A_336] : memref<16x3x1000xf32, #tpu.memory_space<vmem>>[vector<16xi32>, vector<16xi32>, vector<16xi32>], vector<16xf32>,
        %parallel_loop3A_338 = arith.constant 0 : i32
        %parallel_loop3A_339 = arith.constant 0 : i32
        %parallel_loop3A_340 = arith.constant 0 : i32
        %parallel_loop3A_341 = tpu.memref_slice %arg11[%parallel_loop3A_184, %parallel_loop3A_338, %parallel_loop3A_339, %parallel_loop3A_340] : memref<2x14x8x128xf32, #tpu.memory_space<vmem>> -> memref<1x14x8x128xf32, #tpu.memory_space<vmem>>
        %parallel_loop3A_342 = tpu.memref_squeeze %parallel_loop3A_341 : memref<1x14x8x128xf32, #tpu.memory_space<vmem>> -> memref<14x8x128xf32, #tpu.memory_space<vmem>>
        %parallel_loop3A_343 = arith.index_cast %parallel_loop3A_274 : i32 to index
        %parallel_loop3A_344 = arith.index_cast %parallel_loop3A_290 : i32 to index
        %parallel_loop3A_345 = arith.constant 48 : index
        %parallel_loop3A_346 = tpu.vector_load %parallel_loop3A_342[%parallel_loop3A_343, %parallel_loop3A_344, %parallel_loop3A_345] {strides = array<i32>} : memref<14x8x128xf32, #tpu.memory_space<vmem>>, vector<16xf32>,
        tpu.vector_store %parallel_loop3A_342[%parallel_loop3A_343, %parallel_loop3A_344, %parallel_loop3A_345], %parallel_loop3A_337 {strides = array<i32>} : memref<14x8x128xf32, #tpu.memory_space<vmem>>, vector<16xf32>,
        %parallel_loop3A_347 = arith.index_cast %add3A_148 : i32 to index
        %parallel_loop3A_348 = arith.index_cast %parallel_loop3A_230 : i32 to index
        %parallel_loop3A_349 = arith.constant 64 : index
        %parallel_loop3A_350 = tpu.vector_load %arg8[%parallel_loop3A_347, %parallel_loop3A_348, %parallel_loop3A_349] {strides = array<i32>} : memref<50x3x128xi32, #tpu.memory_space<vmem>>, vector<16xi32>,
        %parallel_loop3A_351 = tpu.vector_load_idx %arg9[%parallel_loop3A_247, %parallel_loop3A_248, %parallel_loop3A_350] : memref<16x3x1000xf32, #tpu.memory_space<vmem>>[vector<16xi32>, vector<16xi32>, vector<16xi32>], vector<16xf32>,
        %parallel_loop3A_352 = arith.constant 0 : i32
        %parallel_loop3A_353 = arith.constant 0 : i32
        %parallel_loop3A_354 = arith.constant 0 : i32
        %parallel_loop3A_355 = tpu.memref_slice %arg11[%parallel_loop3A_184, %parallel_loop3A_352, %parallel_loop3A_353, %parallel_loop3A_354] : memref<2x14x8x128xf32, #tpu.memory_space<vmem>> -> memref<1x14x8x128xf32, #tpu.memory_space<vmem>>
        %parallel_loop3A_356 = tpu.memref_squeeze %parallel_loop3A_355 : memref<1x14x8x128xf32, #tpu.memory_space<vmem>> -> memref<14x8x128xf32, #tpu.memory_space<vmem>>
        %parallel_loop3A_357 = arith.index_cast %parallel_loop3A_274 : i32 to index
        %parallel_loop3A_358 = arith.index_cast %parallel_loop3A_290 : i32 to index
        %parallel_loop3A_359 = arith.constant 64 : index
        %parallel_loop3A_360 = tpu.vector_load %parallel_loop3A_356[%parallel_loop3A_357, %parallel_loop3A_358, %parallel_loop3A_359] {strides = array<i32>} : memref<14x8x128xf32, #tpu.memory_space<vmem>>, vector<16xf32>,
        tpu.vector_store %parallel_loop3A_356[%parallel_loop3A_357, %parallel_loop3A_358, %parallel_loop3A_359], %parallel_loop3A_351 {strides = array<i32>} : memref<14x8x128xf32, #tpu.memory_space<vmem>>, vector<16xf32>,
        %parallel_loop3A_361 = arith.index_cast %add3A_148 : i32 to index
        %parallel_loop3A_362 = arith.index_cast %parallel_loop3A_230 : i32 to index
        %parallel_loop3A_363 = arith.constant 80 : index
        %parallel_loop3A_364 = tpu.vector_load %arg8[%parallel_loop3A_361, %parallel_loop3A_362, %parallel_loop3A_363] {strides = array<i32>} : memref<50x3x128xi32, #tpu.memory_space<vmem>>, vector<16xi32>,
        %parallel_loop3A_365 = tpu.vector_load_idx %arg9[%parallel_loop3A_247, %parallel_loop3A_248, %parallel_loop3A_364] : memref<16x3x1000xf32, #tpu.memory_space<vmem>>[vector<16xi32>, vector<16xi32>, vector<16xi32>], vector<16xf32>,
        %parallel_loop3A_366 = arith.constant 0 : i32
        %parallel_loop3A_367 = arith.constant 0 : i32
        %parallel_loop3A_368 = arith.constant 0 : i32
        %parallel_loop3A_369 = tpu.memref_slice %arg11[%parallel_loop3A_184, %parallel_loop3A_366, %parallel_loop3A_367, %parallel_loop3A_368] : memref<2x14x8x128xf32, #tpu.memory_space<vmem>> -> memref<1x14x8x128xf32, #tpu.memory_space<vmem>>
        %parallel_loop3A_370 = tpu.memref_squeeze %parallel_loop3A_369 : memref<1x14x8x128xf32, #tpu.memory_space<vmem>> -> memref<14x8x128xf32, #tpu.memory_space<vmem>>
        %parallel_loop3A_371 = arith.index_cast %parallel_loop3A_274 : i32 to index
        %parallel_loop3A_372 = arith.index_cast %parallel_loop3A_290 : i32 to index
        %parallel_loop3A_373 = arith.constant 80 : index
        %parallel_loop3A_374 = tpu.vector_load %parallel_loop3A_370[%parallel_loop3A_371, %parallel_loop3A_372, %parallel_loop3A_373] {strides = array<i32>} : memref<14x8x128xf32, #tpu.memory_space<vmem>>, vector<16xf32>,
        tpu.vector_store %parallel_loop3A_370[%parallel_loop3A_371, %parallel_loop3A_372, %parallel_loop3A_373], %parallel_loop3A_365 {strides = array<i32>} : memref<14x8x128xf32, #tpu.memory_space<vmem>>, vector<16xf32>,
        %parallel_loop3A_375 = arith.index_cast %add3A_148 : i32 to index
        %parallel_loop3A_376 = arith.index_cast %parallel_loop3A_230 : i32 to index
        %parallel_loop3A_377 = arith.constant 96 : index
        %parallel_loop3A_378 = tpu.vector_load %arg8[%parallel_loop3A_375, %parallel_loop3A_376, %parallel_loop3A_377] {strides = array<i32>} : memref<50x3x128xi32, #tpu.memory_space<vmem>>, vector<16xi32>,
        %parallel_loop3A_379 = tpu.vector_load_idx %arg9[%parallel_loop3A_247, %parallel_loop3A_248, %parallel_loop3A_378] : memref<16x3x1000xf32, #tpu.memory_space<vmem>>[vector<16xi32>, vector<16xi32>, vector<16xi32>], vector<16xf32>,
        %parallel_loop3A_380 = arith.constant 0 : i32
        %parallel_loop3A_381 = arith.constant 0 : i32
        %parallel_loop3A_382 = arith.constant 0 : i32
        %parallel_loop3A_383 = tpu.memref_slice %arg11[%parallel_loop3A_184, %parallel_loop3A_380, %parallel_loop3A_381, %parallel_loop3A_382] : memref<2x14x8x128xf32, #tpu.memory_space<vmem>> -> memref<1x14x8x128xf32, #tpu.memory_space<vmem>>
        %parallel_loop3A_384 = tpu.memref_squeeze %parallel_loop3A_383 : memref<1x14x8x128xf32, #tpu.memory_space<vmem>> -> memref<14x8x128xf32, #tpu.memory_space<vmem>>
        %parallel_loop3A_385 = arith.index_cast %parallel_loop3A_274 : i32 to index
        %parallel_loop3A_386 = arith.index_cast %parallel_loop3A_290 : i32 to index
        %parallel_loop3A_387 = arith.constant 96 : index
        %parallel_loop3A_388 = tpu.vector_load %parallel_loop3A_384[%parallel_loop3A_385, %parallel_loop3A_386, %parallel_loop3A_387] {strides = array<i32>} : memref<14x8x128xf32, #tpu.memory_space<vmem>>, vector<16xf32>,
        tpu.vector_store %parallel_loop3A_384[%parallel_loop3A_385, %parallel_loop3A_386, %parallel_loop3A_387], %parallel_loop3A_379 {strides = array<i32>} : memref<14x8x128xf32, #tpu.memory_space<vmem>>, vector<16xf32>,
        %parallel_loop3A_389 = arith.index_cast %add3A_148 : i32 to index
        %parallel_loop3A_390 = arith.index_cast %parallel_loop3A_230 : i32 to index
        %parallel_loop3A_391 = arith.constant 112 : index
        %parallel_loop3A_392 = tpu.vector_load %arg8[%parallel_loop3A_389, %parallel_loop3A_390, %parallel_loop3A_391] {strides = array<i32>} : memref<50x3x128xi32, #tpu.memory_space<vmem>>, vector<16xi32>,
        %parallel_loop3A_393 = tpu.vector_load_idx %arg9[%parallel_loop3A_247, %parallel_loop3A_248, %parallel_loop3A_392] : memref<16x3x1000xf32, #tpu.memory_space<vmem>>[vector<16xi32>, vector<16xi32>, vector<16xi32>], vector<16xf32>,
        %parallel_loop3A_394 = arith.constant 0 : i32
        %parallel_loop3A_395 = arith.constant 0 : i32
        %parallel_loop3A_396 = arith.constant 0 : i32
        %parallel_loop3A_397 = tpu.memref_slice %arg11[%parallel_loop3A_184, %parallel_loop3A_394, %parallel_loop3A_395, %parallel_loop3A_396] : memref<2x14x8x128xf32, #tpu.memory_space<vmem>> -> memref<1x14x8x128xf32, #tpu.memory_space<vmem>>
        %parallel_loop3A_398 = tpu.memref_squeeze %parallel_loop3A_397 : memref<1x14x8x128xf32, #tpu.memory_space<vmem>> -> memref<14x8x128xf32, #tpu.memory_space<vmem>>
        %parallel_loop3A_399 = arith.index_cast %parallel_loop3A_274 : i32 to index
        %parallel_loop3A_400 = arith.index_cast %parallel_loop3A_290 : i32 to index
        %parallel_loop3A_401 = arith.constant 112 : index
        %parallel_loop3A_402 = tpu.vector_load %parallel_loop3A_398[%parallel_loop3A_399, %parallel_loop3A_400, %parallel_loop3A_401] {strides = array<i32>} : memref<14x8x128xf32, #tpu.memory_space<vmem>>, vector<16xf32>,
        tpu.vector_store %parallel_loop3A_398[%parallel_loop3A_399, %parallel_loop3A_400, %parallel_loop3A_401], %parallel_loop3A_393 {strides = array<i32>} : memref<14x8x128xf32, #tpu.memory_space<vmem>>, vector<16xf32>,
      } {sc.loop_unroll_factor = 2 : i64, sc.parallel_access}
      %dma_start3A_185 = arith.constant 1 : i32
      %dma_start3A_186 = arith.constant 0 : i32
      %dma_start3A_187 = arith.constant 0 : i32
      %dma_start3A_188 = arith.constant 0 : i32
      %dma_start3A_189 = tpu.memref_slice %arg11[%dma_start3A_185, %dma_start3A_186, %dma_start3A_187, %dma_start3A_188] : memref<2x14x8x128xf32, #tpu.memory_space<vmem>> -> memref<1x14x8x128xf32, #tpu.memory_space<vmem>>
      %dma_start3A_190 = tpu.memref_squeeze %dma_start3A_189 : memref<1x14x8x128xf32, #tpu.memory_space<vmem>> -> memref<14x8x128xf32, #tpu.memory_space<vmem>>
      %dma_start3A_191 = arith.constant 0 : i32
      %dma_start3A_192 = arith.constant 0 : i32
      %dma_start3A_193 = arith.constant 0 : i32
      %dma_start3A_194 = tpu.memref_slice %arg6[%add3A_148, %dma_start3A_191, %add3A, %dma_start3A_192, %dma_start3A_193] : memref<50x14x32x8x128xf32, #tpu.memory_space<hbm>> -> memref<1x14x1x8x128xf32, #tpu.memory_space<hbm>>
      %dma_start3A_195 = tpu.memref_squeeze %dma_start3A_194 : memref<1x14x1x8x128xf32, #tpu.memory_space<hbm>> -> memref<14x8x128xf32, #tpu.memory_space<hbm>>
      %dma_start3A_196 = arith.constant 0 : i32
      %dma_start3A_197 = arith.constant 0 : i32
      %dma_start3A_198 = arith.constant 0 : i32
      %dma_start3A_199 = tpu.memref_slice %arg6[%add3A_148, %dma_start3A_196, %add3A, %dma_start3A_197, %dma_start3A_198] : memref<50x14x32x8x128xf32, #tpu.memory_space<hbm>> -> memref<1x14x1x8x128xf32, #tpu.memory_space<hbm>>
      %dma_start3A_200 = tpu.memref_squeeze %dma_start3A_199 : memref<1x14x1x8x128xf32, #tpu.memory_space<hbm>> -> memref<14x8x128xf32, #tpu.memory_space<hbm>>
      %dma_start3A_201 = arith.constant 0 : i32
      %dma_start3A_202 = arith.constant 0 : i32
      %dma_start3A_203 = arith.constant 0 : i32
      %dma_start3A_204 = tpu.memref_slice %arg11[%dma_start3A_185, %dma_start3A_201, %dma_start3A_202, %dma_start3A_203] : memref<2x14x8x128xf32, #tpu.memory_space<vmem>> -> memref<1x14x8x128xf32, #tpu.memory_space<vmem>>
      %dma_start3A_205 = tpu.memref_squeeze %dma_start3A_204 : memref<1x14x8x128xf32, #tpu.memory_space<vmem>> -> memref<14x8x128xf32, #tpu.memory_space<vmem>>
      tpu.enqueue_dma source(%dma_start3A_205 : memref<14x8x128xf32, #tpu.memory_space<vmem>>) target(%dma_start3A_200 : memref<14x8x128xf32, #tpu.memory_space<hbm>>) target_semaphore(%arg15 : memref<!tpu.dma_semaphore, #tpu.memory_space<semaphore_mem>>)
    }
    %scan3A_42 = arith.constant 25 : i32
    %dma_wait3A = arith.constant 0 : i32
    %dma_wait3A_43 = arith.constant 0 : i32
    %dma_wait3A_44 = arith.constant 0 : i32
    %dma_wait3A_45 = arith.constant 0 : i32
    %dma_wait3A_46 = arith.constant 0 : i32
    %dma_wait3A_47 = arith.constant 0 : i32
    %dma_wait3A_48 = tpu.memref_slice %arg11[%dma_wait3A, %dma_wait3A_45, %dma_wait3A_46, %dma_wait3A_47] : memref<2x14x8x128xf32, #tpu.memory_space<vmem>> -> memref<1x14x8x128xf32, #tpu.memory_space<vmem>>
    %dma_wait3A_49 = tpu.memref_squeeze %dma_wait3A_48 : memref<1x14x8x128xf32, #tpu.memory_space<vmem>> -> memref<14x8x128xf32, #tpu.memory_space<vmem>>
    %dma_wait3A_50 = arith.constant 0 : i32
    %dma_wait3A_51 = arith.constant 0 : i32
    %dma_wait3A_52 = arith.constant 0 : i32
    %dma_wait3A_53 = tpu.memref_slice %arg6[%dma_wait3A_43, %dma_wait3A_50, %dma_wait3A_44, %dma_wait3A_51, %dma_wait3A_52] : memref<50x14x32x8x128xf32, #tpu.memory_space<hbm>> -> memref<1x14x1x8x128xf32, #tpu.memory_space<hbm>>
    %dma_wait3A_54 = tpu.memref_squeeze %dma_wait3A_53 : memref<1x14x1x8x128xf32, #tpu.memory_space<hbm>> -> memref<14x8x128xf32, #tpu.memory_space<hbm>>
    %dma_wait3A_55 = arith.constant 0 : i32
    %dma_wait3A_56 = arith.constant 0 : i32
    %dma_wait3A_57 = arith.constant 0 : i32
    %dma_wait3A_58 = tpu.memref_slice %arg6[%dma_wait3A_43, %dma_wait3A_55, %dma_wait3A_44, %dma_wait3A_56, %dma_wait3A_57] : memref<50x14x32x8x128xf32, #tpu.memory_space<hbm>> -> memref<1x14x1x8x128xf32, #tpu.memory_space<hbm>>
    %dma_wait3A_59 = tpu.memref_squeeze %dma_wait3A_58 : memref<1x14x1x8x128xf32, #tpu.memory_space<hbm>> -> memref<14x8x128xf32, #tpu.memory_space<hbm>>
    %dma_wait3A_60 = arith.constant 0 : i32
    %dma_wait3A_61 = arith.constant 0 : i32
    %dma_wait3A_62 = arith.constant 0 : i32
    %dma_wait3A_63 = tpu.memref_slice %arg11[%dma_wait3A, %dma_wait3A_60, %dma_wait3A_61, %dma_wait3A_62] : memref<2x14x8x128xf32, #tpu.memory_space<vmem>> -> memref<1x14x8x128xf32, #tpu.memory_space<vmem>>
    %dma_wait3A_64 = tpu.memref_squeeze %dma_wait3A_63 : memref<1x14x8x128xf32, #tpu.memory_space<vmem>> -> memref<14x8x128xf32, #tpu.memory_space<vmem>>
    tpu.wait_dma2 semaphore(%arg14 : memref<!tpu.dma_semaphore, #tpu.memory_space<semaphore_mem>>) src(%dma_wait3A_64 : memref<14x8x128xf32, #tpu.memory_space<vmem>>) dst(%dma_wait3A_59 : memref<14x8x128xf32, #tpu.memory_space<hbm>>)
    %dma_wait3A_65 = arith.constant 1 : i32
    %dma_wait3A_66 = arith.constant 0 : i32
    %dma_wait3A_67 = arith.constant 0 : i32
    %dma_wait3A_68 = arith.constant 0 : i32
    %dma_wait3A_69 = arith.constant 0 : i32
    %dma_wait3A_70 = arith.constant 0 : i32
    %dma_wait3A_71 = tpu.memref_slice %arg11[%dma_wait3A_65, %dma_wait3A_68, %dma_wait3A_69, %dma_wait3A_70] : memref<2x14x8x128xf32, #tpu.memory_space<vmem>> -> memref<1x14x8x128xf32, #tpu.memory_space<vmem>>
    %dma_wait3A_72 = tpu.memref_squeeze %dma_wait3A_71 : memref<1x14x8x128xf32, #tpu.memory_space<vmem>> -> memref<14x8x128xf32, #tpu.memory_space<vmem>>
    %dma_wait3A_73 = arith.constant 0 : i32
    %dma_wait3A_74 = arith.constant 0 : i32
    %dma_wait3A_75 = arith.constant 0 : i32
    %dma_wait3A_76 = tpu.memref_slice %arg6[%dma_wait3A_66, %dma_wait3A_73, %dma_wait3A_67, %dma_wait3A_74, %dma_wait3A_75] : memref<50x14x32x8x128xf32, #tpu.memory_space<hbm>> -> memref<1x14x1x8x128xf32, #tpu.memory_space<hbm>>
    %dma_wait3A_77 = tpu.memref_squeeze %dma_wait3A_76 : memref<1x14x1x8x128xf32, #tpu.memory_space<hbm>> -> memref<14x8x128xf32, #tpu.memory_space<hbm>>
    %dma_wait3A_78 = arith.constant 0 : i32
    %dma_wait3A_79 = arith.constant 0 : i32
    %dma_wait3A_80 = arith.constant 0 : i32
    %dma_wait3A_81 = tpu.memref_slice %arg6[%dma_wait3A_66, %dma_wait3A_78, %dma_wait3A_67, %dma_wait3A_79, %dma_wait3A_80] : memref<50x14x32x8x128xf32, #tpu.memory_space<hbm>> -> memref<1x14x1x8x128xf32, #tpu.memory_space<hbm>>
    %dma_wait3A_82 = tpu.memref_squeeze %dma_wait3A_81 : memref<1x14x1x8x128xf32, #tpu.memory_space<hbm>> -> memref<14x8x128xf32, #tpu.memory_space<hbm>>
    %dma_wait3A_83 = arith.constant 0 : i32
    %dma_wait3A_84 = arith.constant 0 : i32
    %dma_wait3A_85 = arith.constant 0 : i32
    %dma_wait3A_86 = tpu.memref_slice %arg11[%dma_wait3A_65, %dma_wait3A_83, %dma_wait3A_84, %dma_wait3A_85] : memref<2x14x8x128xf32, #tpu.memory_space<vmem>> -> memref<1x14x8x128xf32, #tpu.memory_space<vmem>>
    %dma_wait3A_87 = tpu.memref_squeeze %dma_wait3A_86 : memref<1x14x8x128xf32, #tpu.memory_space<vmem>> -> memref<14x8x128xf32, #tpu.memory_space<vmem>>
    tpu.wait_dma2 semaphore(%arg15 : memref<!tpu.dma_semaphore, #tpu.memory_space<semaphore_mem>>) src(%dma_wait3A_87 : memref<14x8x128xf32, #tpu.memory_space<vmem>>) dst(%dma_wait3A_82 : memref<14x8x128xf32, #tpu.memory_space<hbm>>)
    return
  }
}

</mosaic_0001>

<sc_bundles>
// kernel: kernel.3.cloned.1.call-start
scs
__scs_entry_jumppad:
0x0: {  	(pc) =	sbr.rel $0x88, $3  }
0x1: {  	(tag) =	ssettag $0x0;
	lr =	simm.s32 $0x1  }
0x2: {  	[smem:$0x3F9D] =	sst lr;
	_ =	strace $0xD0000000  }
0x3: {  	_ = 	snop  }
0x4: {  	_ = 	snop  }
0x5: {  	_ = 	snop  }
0x6: {  	_ = 	snop  }
0x7: {  	_ = 	snop  }
__scs_overlays_trampoline_lowered:
0x8: {  	[smem:$0x3FAC] =	sst s0  }
0x9: {  	[smem:$0x3FAD] =	sst s1  }
0xa: {  	[smem:$0x3FAE] =	sst s2  }
0xb: {  	[smem:$0x3FAF] =	sst s3  }
0xc: {  	[smem:$0x3FB0] =	sst s4  }
0xd: {  	[smem:$0x3FB1] =	sst s5  }
0xe: {  	[smem:$0x3FB2] =	sst s6  }
0xf: {  	[smem:$0x3FB3] =	sst s7  }
0x10: {  	[smem:$0x3FB4] =	sst s8  }
0x11: {  	[smem:$0x3FB5] =	sst s9;
	s0 =	simm.s32 @!p0 $0x0  }
0x12: {  	s1 =	sld [smem:$0x3F9B];
	s0 =	simm.s32 @p0 $0x1  }
0x13: {  	[smem:$0x3FB6] =	sst s0;
	s0 =	simm.s32 @!p1 $0x0  }
0x14: {  	s2 =	sld [smem:$0x3F9A];
	s0 =	simm.s32 @p1 $0x1  }
0x15: {  	[smem:$0x3FB7] =	sst s0;
	s0 =	simm.s32 @!p2 $0x0  }
0x16: {  	s3 =	sld [smem:$0x3FDB];
	s0 =	simm.s32 @p2 $0x1  }
0x17: {  	s4 =	simm.s32 $0x1BF5;
	[smem:$0x3FB9] =	sst s0  }
0x18: {  	s0 =	sld [smem:$0x3F9C];
	_ =	swait.ge [sflag:s4], $0x0  }
0x19: {  	s7 =	sld [smem:$0x3F9D]  }
0x1a: {  	s8 =	sadd.s32 $0xFFFFE003, lr  }
0x1b: {  	s9 =	sadd.s32 $0xFFFFFEF7, lr;
	s5 =	simm.s32 $0xFFFFFFFF;
	p2 =	slt.u32 s8, $0xFFFFF086  }
0x1c: {  	p1 =	slt.u32 s9, $0xF7A;
	s5 =	simm.s32 @!p2 $0x0  }
0x1d: {  	s5 =	simm.s32 @p1 $0x1;
	p0 =	seq.s32 s7, s2  }
0x1e: {  	s7 =	smul.u32 @!p0 $0xF7A, s2;
	p2 =	seq.s32 @!p0 s5, $0x0  }
0x1f: {  	s9 =	smul.u32 $0xF7A, s1;
	s8 =	simm.s32 @!p0 $0x1BF5;
	p2 =	por !p2, p0  }
0x20: {  	[sflag:s8] =	ssyncset.s32 @!p0 $0xFFFFF086;
	s6 =	sadd.s32 @!p0 s3, s7;
	s7 =	simm.s32 @!p0 $0x108  }
0x21: {  	s3 =	sadd.s32 s3, s9;
	s6 =	sadd.s32 @!p0 $0x88, s6;
	s7 =	simm.s32 @p2 $0x1082  }
0x22: {  	[simem:s7], [sflag:s8] =	dma.local @!p0 [hbm:s6], $0xF7A  }
0x23: {  	s9 =	sor.u32 $0xD0000000, s2;
	s6 =	simm.s32 $0x108;
	_ =	swait.ge @!p0 [sflag:s8], $0x0  }
0x24: {  	s3 =	sadd.s32 $0x88, s3;
	s6 =	simm.s32 @!p1 $0x1082;
	[sflag:s4] =	ssyncset.s32 $0xFFFFF086  }
0x25: {  	[simem:s6], [sflag:s4] =	dma.local [hbm:s3], $0xF7A  }
0x26: {  	[smem:$0x3F9D] =	sst s1;
	(tag) =	ssettag s2;
	_ =	strace s9  }
0x27: {  	s1 =	sld [smem:$0x3FAD]  }
0x28: {  	s2 =	sld [smem:$0x3FAE]  }
0x29: {  	s4 =	sld [smem:$0x3FB0]  }
0x2a: {  	p0 =	seq.s32 s5, $0x0;
	s5 =	sld [smem:$0x3FB1]  }
0x2b: {  	s6 =	sld [smem:$0x3FB2]  }
0x2c: {  	s7 =	sld [smem:$0x3FB3]  }
0x2d: {  	s3 =	simm.s32 $0x108;
	s8 =	sld [smem:$0x3FB4]  }
0x2e: {  	s3 =	simm.s32 @!p0 $0x1082;
	s9 =	sld [smem:$0x3FB5]  }
0x2f: {  	lr =	sadd.s32 s0, s3;
	s0 =	sld [smem:$0x3FAC]  }
0x30: {  	s3 =	sld [smem:$0x3FAF]  }
0x31: {  	[smem:$0x3FB8] =	sst s10  }
0x32: {  	s10 =	sld [smem:$0x3FB6];
	_ =	sdelay $0x3  }
0x33: {  	p0 =	seq.s32 s10, $0x1;
	s10 =	sld [smem:$0x3FB8];
	_ =	sdelay $0x3  }
0x34: {  	[smem:$0x3FB8] =	sst s10  }
0x35: {  	s10 =	sld [smem:$0x3FB7];
	_ =	sdelay $0x3  }
0x36: {  	p1 =	seq.s32 s10, $0x1;
	s10 =	sld [smem:$0x3FB8];
	_ =	sdelay $0x3  }
0x37: {  	[smem:$0x3FB8] =	sst s10  }
0x38: {  	s10 =	sld [smem:$0x3FB9]  }
0x39: {  	_ = 	snop;
	(pc) =	sbr.ind lr, $3  }
0x3a: {  	_ = 	snop  }
0x3b: {  	_ = 	snop  }
0x3c: {  	p2 =	seq.s32 s10, $0x1;
	s10 =	sld [smem:$0x3FB8]  }
0x3d: {  	_ =	shalt  }
0x3e: {  	_ =	shalt  }
0x3f: {  	_ =	shalt  }
0x40: {  	_ =	shalt  }
0x41: {  	_ =	shalt  }
0x42: {  	_ =	shalt  }
0x43: {  	_ =	shalt  }
0x44: {  	_ =	shalt  }
0x45: {  	_ =	shalt  }
0x46: {  	_ =	shalt  }
0x47: {  	_ =	shalt  }
0x48: {  	_ =	shalt  }
0x49: {  	_ =	shalt  }
0x4a: {  	_ =	shalt  }
0x4b: {  	_ =	shalt  }
0x4c: {  	_ =	shalt  }
0x4d: {  	_ =	shalt  }
0x4e: {  	_ =	shalt  }
0x4f: {  	_ =	shalt  }
0x50: {  	_ =	shalt  }
0x51: {  	_ =	shalt  }
0x52: {  	_ =	shalt  }
0x53: {  	_ =	shalt  }
0x54: {  	_ =	shalt  }
0x55: {  	_ =	shalt  }
0x56: {  	_ =	shalt  }
0x57: {  	_ =	shalt  }
0x58: {  	_ =	shalt  }
0x59: {  	_ =	shalt  }
0x5a: {  	_ =	shalt  }
0x5b: {  	_ =	shalt  }
0x5c: {  	_ =	shalt  }
0x5d: {  	_ =	shalt  }
0x5e: {  	_ =	shalt  }
0x5f: {  	_ =	shalt  }
0x60: {  	_ =	shalt  }
0x61: {  	_ =	shalt  }
0x62: {  	_ =	shalt  }
0x63: {  	_ =	shalt  }
0x64: {  	_ =	shalt  }
0x65: {  	_ =	shalt  }
0x66: {  	_ =	shalt  }
0x67: {  	_ =	shalt  }
0x68: {  	_ =	shalt  }
0x69: {  	_ =	shalt  }
0x6a: {  	_ =	shalt  }
0x6b: {  	_ =	shalt  }
0x6c: {  	_ =	shalt  }
0x6d: {  	_ =	shalt  }
0x6e: {  	_ =	shalt  }
0x6f: {  	_ =	shalt  }
0x70: {  	_ =	shalt  }
0x71: {  	_ =	shalt  }
0x72: {  	_ =	shalt  }
0x73: {  	_ =	shalt  }
0x74: {  	_ =	shalt  }
0x75: {  	_ =	shalt  }
0x76: {  	_ =	shalt  }
0x77: {  	_ =	shalt  }
0x78: {  	_ =	shalt  }
0x79: {  	_ =	shalt  }
0x7a: {  	_ =	shalt  }
0x7b: {  	_ =	shalt  }
0x7c: {  	_ =	shalt  }
0x7d: {  	_ =	shalt  }
0x7e: {  	_ =	shalt  }
0x7f: {  	_ =	shalt  }
0x80: {  	_ =	shalt  }
0x81: {  	_ =	shalt  }
0x82: {  	_ =	shalt  }
0x83: {  	_ =	shalt  }
0x84: {  	_ =	shalt  }
0x85: {  	_ =	shalt  }
0x86: {  	_ =	shalt  }
0x87: {  	_ =	shalt  }
.Lfunc_end0:
.L_simem_size_0:
called_computation_lowered:
.L_overlay_start_0:
0x88: {  	s2 =	sld [smem:$0x3FD9]  }
0x89: {  	s3 =	sld [smem:$0x3FFE];
	_ =	sdelay $0x1  }
0x8a: {  	s1 =	srdreg.scid  }
0x8b: {  	s0 =	sand.u32 $0x1, s1  }
0x8c: {  	s17 =	sshll.u32 s0, $0xA;
	s2 =	sadd.s32 s3, s2  }
0x8d: {  	s2 =	sadd.s32 s2, s17  }
0x8e: {  	[smem:$0x3FC4] =	sst s2  }
0x8f: {  	_ = 	snop  }
0x90: {  	s2 =	sld [smem:$0x3FD0];
	(tm) =	ssettm $0x1  }
0x91: {  	s18 =	sld [smem:$0x3FFB];
	_ =	sdelay $0x3  }
0x92: {  	_ =	strace s18  }
0x93: {  	s3 =	sld [smem:$0x3FFC];
	_ =	sdelay $0x3  }
0x94: {  	_ =	strace s3  }
0x95: {  	s3 =	sld [smem:$0x3FFD];
	_ =	sdelay $0x3  }
0x96: {  	_ =	strace s3  }
0x97: {  	_ =	strace $0x8FFFFFFF  }
0x98: {  	s19 =	sld [smem:$0x3FDB];
	_ =	sdelay $0x1  }
0x99: {  	s4 =	simm.s32 $_scs_section_size  }
0x9a: {  	s5 =	simm.s32 $_size__tile_overlayer_lowered;
	s6 =	simm.s32 $_tile_overlayer_lowered  }
0x9b: {  	s22 =	simm.s32 $0x1BFF;
	s21 =	sshll.u32 s6, $0x1;
	s3 =	sadd.s32 s4, s19  }
0x9c: {  	s7 =	simm.s32 $0x0;
	s20 =	sshll.u32 s5, $0x1;
	s5 =	sadd.s32 s21, s3  }
0x9d: {  	[timem:s7], [sflag:s22] =	dma.local [hbm:s5], s20  }
0x9e: {  	_ =	swait.ge [sflag:s22], s20  }
0x9f: {  	s4 =	ssub.s32 $0x0, s20;
	[sflag:s22] =	ssyncset.done $0x0  }
0xa0: {  	[sflag:s22] =	ssyncadd.s32 s4;
	_ =	sdelay $0x1  }
0xa1: {  	s23 =	simm.s32 $0x1B8B  }
0xa2: {  	_ =	swait.ge [sflag:s23], $0x1  }
0xa3: {  	[sflag:s23] =	ssyncset.done $0x0  }
0xa4: {  	s25 =	simm.s32 $0x1B8E;
	s24 =	sld [smem:$0x3FFE];
	[sflag:s23] =	ssyncadd.s32 $0xFFFFFFFF  }
0xa5: {  	s26 =	simm.s32 $execute0_lowered;
	[smem:$0x3FD2] =	sst s25  }
0xa6: {  	s5 =	sshll.u32 s26, $0x1;
	_ =	strace $0x80000046;
	[dreg:$0x1] =	wrdreg $0xFFFFFFFF  }
0xa7: {  	s28 =	simm.s32 $_size_execute0_lowered;
	s3 =	sadd.s32 s3, s5;
	[dreg:$0x0] =	wrdreg $0x0  }
0xa8: {  	s5 =	sshll.u32 s28, $0x1;
	[dreg:$0x2] =	wrdreg s3  }
0xa9: {  	[dreg:$0x3] =	wrdreg s5  }
0xaa: {  	[dreg:$0x4] =	wrdreg $0xC0  }
0xab: {  	_ =	task [dreg:s7], $0x5FFFF  }
0xac: {  	[dreg:$0x1] =	wrdreg $0xFFFFFFFF  }
0xad: {  	[dreg:$0x0] =	wrdreg $0x60  }
0xae: {  	[dreg:$0x2] =	wrdreg s24  }
0xaf: {  	[dreg:$0x3] =	wrdreg s2  }
0xb0: {  	[dreg:$0x4] =	wrdreg $0x9  }
0xb1: {  	_ =	task.clear_ibuf [dreg:s7], $0x5FFFF;
	_ =	strace $0x90000046  }
0xb2: {  	s29 =	simm.s32 $0x9;
	_ =	strace $0x80000048  }
0xb3: {  	_ =	swait.ge [sflag:s29], $0x1  }
0xb4: {  	[sflag:s29] =	ssyncadd.s32 $0xFFFFFFFF  }
0xb5: {  	_ =	strace $0x90000048  }
0xb6: {  	_ =	sfence  }
0xb7: {  	s30 =	sld [smem:$0x0];
	_ =	sdelay $0x2  }
0xb8: {  	s31 =	sshll.u32 s1, $0xD;
	s1 =	sshrl.u32 s1, $0x2  }
0xb9: {  	s3 =	sand.u32 $0x4000, s31;
	s1 =	sadd.s32 s1, s30  }
0xba: {  	s0 =	sor.u32 s3, s0;
	s1 =	sshll.u32 s1, $0x11  }
0xbb: {  	s0 =	sor.u32 s1, s0  }
0xbc: {  	s0 =	sadd.s32 $0x8F2B, s0  }
0xbd: {  	[sflag:s0] =	ssyncadd.remote.s32 $0x1  }
0xbe: {  	_ =	sfence.sel $0xFFFF  }
0xbf: {  	[dreg:$0x0] =	wrdreg $0xFFFFFFFF;
	(pc) =	sbr.abs _section_cstart, $3  }
0xc0: {  	[dreg:$0x1] =	wrdreg $0xFFFFFFFF  }
0xc1: {  	_ =	task.clear_ibuf [dreg:s7], $0x2FFFF;
	_ =	strace $0x9FFFFFFF  }
0xc2: {  	(tm) =	ssettm $0x7FFFFFFF  }
0xc3: {  	_ =	shalt  }
tec
execute0_lowered:
.L_overlay_start_1:
0x0: {  	(tag) =	ssettag $0x1  }
0x1: {  	s0 =	rddreg [dreg:$0x0];
	s1 =	srdreg.scid  }
0x2: {  	s2 =	stileid.u32;
	s3 =	simm.s32 $0x0;
	s14 =	simm.s32 $0x6400  }
0x3: {  	s15 =	simm.s32 $0x11F80;
	s1 =	sand.u32 $0x1, s1;
	s2 =	sshll.u32 s2, $0x1  }
0x4: {  	s16 =	simm.s32 $0x13F80;
	[smem:$0x7FF] =	sst s3;
	s2 =	sor.u32 s1, s2  }
0x5: {  	v0 =	vlaneseq.u32;
	s4 =	sadd.s32 $0x1AC00, s0;
	_ =	strace $0x80000047;
	s28 =	sshll.u32 s2, $0x4  }
0x6: {  	v0 =	vmul.u32 $0x40, v0;
	s1 =	ssub.s32 $0x2, s1;
	s3 =	sadd.s32 s28, s0;
	s0 =	sadd.s32 $0x400, s0  }
0x7: {  	s29 =	sshrl.u32 s1, $0x1;
	[dreg:$0x3] =	wrdreg s0;
	s30 =	sadd.s32 $0x1C00, s3  }
0x8: {  	v1 =	vor.u32 $0x400, v0;
	s0 =	ssub.s32 s1, s29;
	s31 =	sadd.s32 $0x8000, s3;
	[dreg:$0x4] =	wrdreg s30  }
0x9: {  	s21 =	simm.s32 $0x2;
	v2 =	vor.u32 $0x800, v0;
	v3 =	vor.u32 $0xC00, v0;
	v4 =	vor.u32 $0x1000, v0;
	[dreg:$0x5] =	wrdreg s31;
	s0 =	smax.u32 s0, $0x1  }
0xa: {  	s8 =	sshll.u32 s2, $0xA;
	v5 =	vor.u32 $0x1400, v0;
	v6 =	vor.u32 $0x1800, v0;
	v7 =	vor.u32 $0x1C00, v0;
	s2 =	simm.s32 $0x0;
	[dreg:$0x6] =	wrdreg s0  }
.LBB2_1:
0xb: {  	[dreg:$0x7] =	wrdreg s2  }
0xc: {  	s0 =	simm.s32 $0x0;
	s1 =	rddreg [dreg:$0x4]  }
0xd: {  	s29 =	simm.s32 $0x80;
	s3 =	simm.s32 $0x1000;
	s5 =	simm.s32 $0x5  }
0xe: {  	[tilespmem:s0], [sflag:$0x5] =	stream.strided.gather [hbm4b:s1+s29], $0x1900, s3, s29, $0x38;
	[tilespmem:$0x1CF80] =	vst v63  }
0xf: {  	_ =	swait.ge [sflag:s5], $0x1900  }
0x10: {  	[sflag:s5] =	ssyncset.done $0x0  }
0x11: {  	s6 =	simm.s32 $0x1900;
	s30 =	rddreg [dreg:$0x5];
	[sflag:s5] =	ssyncadd.s32 $0xFFFFE700  }
0x12: {  	[tilespmem:s6], [sflag:$0x5] =	stream.strided.gather [hbm4b:s30+s29], $0x4B00, s3, s29, $0x38;
	[tilespmem:$0x1CF80] =	vst v63  }
0x13: {  	_ =	swait.ge [sflag:s5], $0x4B00  }
0x14: {  	[sflag:s5] =	ssyncset.done $0x0  }
0x15: {  	s31 =	rddreg [dreg:$0x3];
	[sflag:s5] =	ssyncadd.s32 $0xFFFFB500  }
0x16: {  	[tilespmem:s14], [sflag:$0x5] =	stream.linear.gather [hbm4b:s31+s0], $0xBB80, $0x38;
	[tilespmem:$0x1CF80] =	vst v63  }
0x17: {  	_ =	swait.ge [sflag:s5], $0xBB80  }
0x18: {  	[sflag:s5] =	ssyncset.done $0x0  }
0x19: {  	s26 =	simm.s32 $0x0;
	[sflag:s5] =	ssyncadd.s32 $0xFFFF4480  }
0x1a: {  	[tilespmem:s15], [sflag:$0x1] =	stream.indirect.gather [hbm4b:s4+s29], $0x40, s0, s29, $0xb8;
	[tilespmem:$0x1CF80] =	vst v63  }
.LBB2_2:
0x1b: {  	s28 =	sshllo.u32 s26, $0x1;
	s17 =	simm.s32 $0x0  }
0x1c: {  	s1 =	simm.s32 $0x80;
	s0 =	sshll.u32 s28, $0x7;
	v8 =	vmov s17  }
0x1d: {  	s13 =	simm.s32 $0x1;
	s19 =	simm.s32 $0x1;
	s0 =	sand.u32 $0x3FFFFF80, s0;
	v8 =	vand.u32 $0x3E, v8  }
0x1e: {  	[tilespmem:s16], [sflag:$0x2] =	stream.indirect.gather [hbm4b:s4+s1], $0x40, s0, s1, $0xb8;
	v14 =	vbroadcast v8, $0x0;
	[tilespmem:$0x1CF80] =	vst v63  }
0x1f: {  	v8 =	vmov s19;
	_ =	swait.ge [sflag:s13], $0x2000  }
0x20: {  	p0 =	sne.s32 s26, $0x0;
	v8 =	vand.u32 $0x3F, v8;
	[sflag:s13] =	ssyncset.done $0x0;
	v9 =	vor.u32 v0, v14  }
0x21: {  	s0 =	simm.s32 @p0 $0x3;
	v15 =	vbroadcast v8, $0x0;
	[sflag:s13] =	ssyncadd.s32 $0xFFFFE000  }
0x22: {  	_ =	swait.ge @p0 [sflag:s0], $0x3800  }
0x23: {  	v8 =	vor.u32 v0, v15;
	[sflag:s0] =	ssyncset.done @p0 $0x0  }
0x24: {  	[sflag:s0] =	ssyncadd.s32 @p0 $0xFFFFC800  }
0x25: {  	s20 =	simm.s32 $0x2;
	v10 =	vld.idx.msk [tilespmem:v9+s15+$0x0], $0xffff  }
0x26: {  	v11 =	vor.u32 v1, v14;
	v9 =	vmov s20  }
0x27: {  	v9 =	vand.u32 $0x3E, v9  }
0x28: {  	v9 =	vbroadcast v9, $0x0;
	v8 =	vld.idx.msk [tilespmem:v8+s15+$0x0], $0xffff  }
0x29: {  	s6 =	simm.s32 $0x15FC0;
	v12 =	vor.u32 v1, v15  }
0x2a: {  	s18 =	simm.s32 $0x80;
	s22 =	simm.s32 $0x0;
	[tilespmem:s6+$0xFFFFFFC0] =	vst v10;
	v10 =	vor.u32 v0, v9  }
0x2b: {  	s1 =	sand.u32 $0x1C00, s22;
	s0 =	sand.u32 $0x380, s18;
	v11 =	vld.idx.msk [tilespmem:v11+s15+$0x0], $0xffff  }
0x2c: {  	s23 =	simm.s32 $0x3;
	v13 =	vor.u32 v2, v14;
	s0 =	sor.u32 s0, s1  }
0x2d: {  	[tilespmem:s0+$0x15F80] =	vst v8;
	v8 =	vmov s23  }
0x2e: {  	v12 =	vld.idx.msk [tilespmem:v12+s15+$0x0], $0xffff;
	v8 =	vand.u32 $0x3F, v8  }
0x2f: {  	s24 =	simm.s32 $0x4;
	v17 =	vor.u32 v2, v15;
	v16 =	vld.idx.msk [tilespmem:v10+s15+$0x0], $0xffff;
	v10 =	vbroadcast v8, $0x0  }
0x30: {  	v8 =	vmov s24;
	[tilespmem:s6+$0xFFFFFFD0] =	vst v11;
	v11 =	vor.u32 v1, v9  }
0x31: {  	v8 =	vand.u32 $0x3E, v8;
	v13 =	vld.idx.msk [tilespmem:v13+s15+$0x0], $0xffff;
	v18 =	vor.u32 v0, v10  }
0x32: {  	v19 =	vor.u32 v3, v14;
	s3 =	sadd.s32 $0x15F80, s0;
	v8 =	vbroadcast v8, $0x0  }
0x33: {  	s1 =	simm.s32 $0x160C0;
	[tilespmem:s3+$0x10] =	vst v12  }
0x34: {  	v12 =	vor.u32 v0, v8;
	[tilespmem:s1+$0xFFFFFFC0] =	vst v16;
	v16 =	vld.idx.msk [tilespmem:v17+s15+$0x0], $0xffff  }
0x35: {  	v17 =	vor.u32 v3, v15;
	v11 =	vld.idx.msk [tilespmem:v11+s15+$0x0], $0xffff  }
0x36: {  	[tilespmem:s6+$0xFFFFFFE0] =	vst v13;
	v13 =	vor.u32 v2, v9;
	v18 =	vld.idx.msk [tilespmem:v18+s15+$0x0], $0xffff  }
0x37: {  	v20 =	vor.u32 v1, v10;
	v19 =	vld.idx.msk [tilespmem:v19+s15+$0x0], $0xffff  }
0x38: {  	s25 =	simm.s32 $0x180;
	s2 =	simm.s32 $0x100;
	v21 =	vor.u32 v4, v14  }
0x39: {  	s2 =	sand.u32 $0x1C00, s2;
	s0 =	sand.u32 $0x380, s25;
	v12 =	vld.idx.msk [tilespmem:v12+s15+$0x0], $0xffff;
	[tilespmem:s3+$0x20] =	vst v16  }
0x3a: {  	s29 =	simm.s32 $0x5;
	s2 =	sor.u32 s0, s2;
	v16 =	vor.u32 v1, v8;
	[tilespmem:s1+$0xFFFFFFD0] =	vst v11;
	v17 =	vld.idx.msk [tilespmem:v17+s15+$0x0], $0xffff  }
0x3b: {  	s5 =	simm.s32 $0x6;
	v11 =	vmov s29;
	v13 =	vld.idx.msk [tilespmem:v13+s15+$0x0], $0xffff;
	[tilespmem:s2+$0x15F80] =	vst v18;
	v18 =	vor.u32 v4, v15  }
0x3c: {  	v22 =	vmov s5;
	v11 =	vand.u32 $0x3F, v11;
	[tilespmem:s6+$0xFFFFFFF0] =	vst v19;
	v19 =	vor.u32 v3, v9;
	v20 =	vld.idx.msk [tilespmem:v20+s15+$0x0], $0xffff  }
0x3d: {  	v22 =	vand.u32 $0x3E, v22;
	s0 =	simm.s32 $0x161C0;
	v23 =	vor.u32 v2, v10;
	v11 =	vbroadcast v11, $0x0;
	v21 =	vld.idx.msk [tilespmem:v21+s15+$0x0], $0xffff  }
0x3e: {  	v24 =	vor.u32 v5, v14;
	[tilespmem:s0+$0xFFFFFFC0] =	vst v12;
	v12 =	vbroadcast v22, $0x0  }
0x3f: {  	v16 =	vld.idx.msk [tilespmem:v16+s15+$0x0], $0xffff;
	v22 =	vor.u32 v0, v11;
	[tilespmem:s3+$0x30] =	vst v17  }
0x40: {  	s2 =	sadd.s32 $0x15F80, s2;
	v17 =	vor.u32 v0, v12;
	[tilespmem:s1+$0xFFFFFFE0] =	vst v13;
	v13 =	vld.idx.msk [tilespmem:v18+s15+$0x0], $0xffff  }
0x41: {  	v18 =	vld.idx.msk [tilespmem:v19+s15+$0x0], $0xffff;
	[tilespmem:s2+$0x10] =	vst v20;
	v19 =	vor.u32 v5, v15  }
0x42: {  	[tilespmem:s6+$0x0] =	vst v21;
	v20 =	vld.idx.msk [tilespmem:v23+s15+$0x0], $0xffff;
	v21 =	vor.u32 v2, v8  }
0x43: {  	v23 =	vld.idx.msk [tilespmem:v24+s15+$0x0], $0xffff;
	v24 =	vor.u32 v3, v10  }
0x44: {  	v25 =	vor.u32 v4, v9;
	v22 =	vld.idx.msk [tilespmem:v22+s15+$0x0], $0xffff  }
0x45: {  	v26 =	vor.u32 v1, v11;
	v17 =	vld.idx.msk [tilespmem:v17+s15+$0x0], $0xffff;
	[tilespmem:s3+$0x40] =	vst v13  }
0x46: {  	s30 =	simm.s32 $0x280;
	s7 =	simm.s32 $0x200;
	[tilespmem:s0+$0xFFFFFFD0] =	vst v16;
	v13 =	vor.u32 v6, v14;
	v16 =	vld.idx.msk [tilespmem:v19+s15+$0x0], $0xffff  }
0x47: {  	s7 =	sand.u32 $0x1C00, s7;
	s5 =	sand.u32 $0x380, s30;
	v19 =	vor.u32 v1, v12;
	v21 =	vld.idx.msk [tilespmem:v21+s15+$0x0], $0xffff;
	[tilespmem:s2+$0x20] =	vst v20  }
0x48: {  	s5 =	sor.u32 s5, s7;
	[tilespmem:s1+$0xFFFFFFF0] =	vst v18;
	v20 =	vor.u32 v6, v15;
	v18 =	vld.idx.msk [tilespmem:v24+s15+$0x0], $0xffff  }
0x49: {  	s31 =	simm.s32 $0x7;
	v24 =	vor.u32 v3, v8;
	[tilespmem:s5+$0x15F80] =	vst v22;
	v22 =	vld.idx.msk [tilespmem:v25+s15+$0x0], $0xffff  }
0x4a: {  	s7 =	simm.s32 $0x162C0;
	[tilespmem:s6+$0x10] =	vst v23;
	v23 =	vmov s31;
	v25 =	vld.idx.msk [tilespmem:v26+s15+$0x0], $0xffff;
	v26 =	vor.u32 v4, v10  }
0x4b: {  	s9 =	simm.s32 $0x8;
	[tilespmem:s7+$0xFFFFFFC0] =	vst v17;
	v17 =	vand.u32 $0x3F, v23;
	v23 =	vor.u32 v5, v9;
	v27 =	vld.idx.msk [tilespmem:v13+s15+$0x0], $0xffff  }
0x4c: {  	v28 =	vmov s9;
	v13 =	vbroadcast v17, $0x0;
	v17 =	vor.u32 v2, v11;
	v19 =	vld.idx.msk [tilespmem:v19+s15+$0x0], $0xffff;
	[tilespmem:s3+$0x50] =	vst v16  }
0x4d: {  	v16 =	vand.u32 $0x3E, v28;
	[tilespmem:s0+$0xFFFFFFE0] =	vst v21;
	v21 =	vor.u32 v7, v14;
	v20 =	vld.idx.msk [tilespmem:v20+s15+$0x0], $0xffff  }
0x4e: {  	v14 =	vbroadcast v16, $0x0;
	v16 =	vor.u32 v0, v13;
	v24 =	vld.idx.msk [tilespmem:v24+s15+$0x0], $0xffff;
	[tilespmem:s2+$0x30] =	vst v18  }
0x4f: {  	v15 =	vor.u32 v7, v15;
	s5 =	sadd.s32 $0x15F80, s5;
	[tilespmem:s1+$0x0] =	vst v22;
	v18 =	vld.idx.msk [tilespmem:v26+s15+$0x0], $0xffff  }
0x50: {  	v22 =	vor.u32 v0, v14;
	[tilespmem:s5+$0x10] =	vst v25;
	v23 =	vld.idx.msk [tilespmem:v23+s15+$0x0], $0xffff  }
0x51: {  	v25 =	vld.idx.msk [tilespmem:v17+s15+$0x0], $0xffff;
	v17 =	vor.u32 v5, v10;
	[tilespmem:s6+$0x20] =	vst v27  }
0x52: {  	[tilespmem:s7+$0xFFFFFFD0] =	vst v19;
	v19 =	vor.u32 v2, v12;
	v21 =	vld.idx.msk [tilespmem:v21+s15+$0x0], $0xffff  }
0x53: {  	v27 =	vor.u32 v3, v11;
	v26 =	vld.idx.msk [tilespmem:v16+s15+$0x0], $0xffff;
	[tilespmem:s3+$0x60] =	vst v20  }
0x54: {  	v63 =	vor.u32 v4, v8;
	[tilespmem:s0+$0xFFFFFFF0] =	vst v24;
	v16 =	vld.idx.msk [tilespmem:v15+s15+$0x0], $0xffff  }
0x55: {  	v24 =	vor.u32 v1, v13;
	v22 =	vld.idx.msk [tilespmem:v22+s15+$0x0], $0xffff;
	[tilespmem:s2+$0x40] =	vst v18  }
0x56: {  	s10 =	simm.s32 $0x300;
	s9 =	simm.s32 $0x380;
	[tilespmem:s1+$0x10] =	vst v23;
	v23 =	vor.u32 v6, v9;
	v17 =	vld.idx.msk [tilespmem:v17+s15+$0x0], $0xffff  }
0x57: {  	s10 =	sand.u32 $0x1C00, s10;
	s11 =	sand.u32 $0x380, s9;
	[tilespmem:s5+$0x20] =	vst v25;
	v25 =	vor.u32 v1, v14;
	v20 =	vld.idx.msk [tilespmem:v19+s15+$0x0], $0xffff  }
0x58: {  	s11 =	sor.u32 s11, s10;
	v18 =	vor.u32 v6, v10;
	v15 =	vld.idx.msk [tilespmem:v27+s15+$0x0], $0xffff;
	[tilespmem:s6+$0x30] =	vst v21  }
0x59: {  	s12 =	simm.s32 $0x9;
	s10 =	simm.s32 $0xA;
	v19 =	vor.u32 v3, v12;
	[tilespmem:s11+$0x15F80] =	vst v26;
	v21 =	vld.idx.msk [tilespmem:v63+s15+$0x0], $0xffff;
	s6 =	simm.s32 $0x162C0  }
.LBB2_3:
0x5a: {  	p1 =	slt.u32 s10, $0x3E;
	v26 =	vmov s12;
	v24 =	vld.idx.msk [tilespmem:v24+s15+$0x0], $0xffff;
	s7 =	sadd.s32 $0x100, s7;
	v27 =	vor.u32 v4, v11;
	[tilespmem:s3+$0x70] =	vst v16;
	s3 =	smov.u32 s2  }
0x5b: {  	s2 =	smov.u32 s5;
	[tilespmem:s7+$0xFFFFFFC0] =	vst v22;
	v16 =	vand.u32 $0x3F, v26;
	v22 =	vor.u32 v5, v8;
	v23 =	vld.idx.msk [tilespmem:v23+s15+$0x0], $0xffff  }
0x5c: {  	v28 =	vor.u32 v2, v13;
	v26 =	vmov s10;
	v25 =	vld.idx.msk [tilespmem:v25+s15+$0x0], $0xffff;
	v16 =	vbroadcast v16, $0x0;
	[tilespmem:s3+$0x50] =	vst v17  }
0x5d: {  	v17 =	vand.u32 $0x3E, v26;
	[tilespmem:s6+$0xFFFFFFE0] =	vst v20;
	v20 =	vor.u32 v7, v9;
	v18 =	vld.idx.msk [tilespmem:v18+s15+$0x0], $0xffff;
	v9 =	vmovc v8;
	v8 =	vmov v12  }
0x5e: {  	v12 =	vmov v14;
	v14 =	vbroadcast v17, $0x0;
	v26 =	vor.u32 v0, v16;
	v19 =	vld.idx.msk [tilespmem:v19+s15+$0x0], $0xffff;
	[tilespmem:s2+$0x30] =	vst v15  }
0x5f: {  	s5 =	sadd.s32 $0x15F80, s11;
	v17 =	vor.u32 v7, v10;
	v10 =	vmovc v11;
	v11 =	vmov v13;
	v13 =	vmov v16;
	[tilespmem:s0+$0x0] =	vst v21;
	v15 =	vld.idx.msk [tilespmem:v27+s15+$0x0], $0xffff  }
0x60: {  	v21 =	vor.u32 v0, v14;
	[tilespmem:s5+$0x10] =	vst v24;
	v27 =	vld.idx.msk [tilespmem:v22+s15+$0x0], $0xffff  }
0x61: {  	v29 =	vor.u32 v5, v10;
	v28 =	vld.idx.msk [tilespmem:v28+s15+$0x0], $0xffff;
	[tilespmem:s1+$0x20] =	vst v23  }
0x62: {  	v30 =	vor.u32 v2, v12;
	[tilespmem:s7+$0xFFFFFFD0] =	vst v25;
	v31 =	vld.idx.msk [tilespmem:v20+s15+$0x0], $0xffff  }
0x63: {  	v32 =	vor.u32 v3, v11;
	v26 =	vld.idx.msk [tilespmem:v26+s15+$0x0], $0xffff;
	[tilespmem:s3+$0x60] =	vst v18  }
0x64: {  	v33 =	vor.u32 v4, v8;
	[tilespmem:s6+$0xFFFFFFF0] =	vst v19;
	v16 =	vld.idx.msk [tilespmem:v17+s15+$0x0], $0xffff  }
.Ltmp0:
0x65: {  	s9 =	sadd.s32 $0x100, s9;
	v24 =	vor.u32 v1, v13;
	v22 =	vld.idx.msk [tilespmem:v21+s15+$0x0], $0xffff;
	[tilespmem:s2+$0x40] =	vst v15;
	(pc) =	sbr.rel @p1 .LBB2_3-.Ltmp0, $4  }
0x66: {  	s11 =	sadd.s32 $0xFFFFFF80, s9;
	v23 =	vor.u32 v6, v9;
	[tilespmem:s0+$0x10] =	vst v27;
	v17 =	vld.idx.msk [tilespmem:v29+s15+$0x0], $0xffff  }
0x67: {  	s12 =	sand.u32 $0x380, s9;
	s11 =	sand.u32 $0x1C00, s11;
	v25 =	vor.u32 v1, v14;
	v20 =	vld.idx.msk [tilespmem:v30+s15+$0x0], $0xffff;
	[tilespmem:s5+$0x20] =	vst v28  }
0x68: {  	s11 =	sor.u32 s12, s11;
	v18 =	vor.u32 v6, v10;
	v15 =	vld.idx.msk [tilespmem:v32+s15+$0x0], $0xffff;
	[tilespmem:s1+$0x30] =	vst v31;
	s1 =	smov.u32 s0;
	s0 =	smov.u32 s6  }
0x69: {  	s12 =	sadd.s32 $0x1, s10;
	s10 =	sadd.s32 $0x2, s10;
	v19 =	vor.u32 v3, v12;
	s6 =	smov.u32 s7;
	[tilespmem:s11+$0x15F80] =	vst v26;
	v21 =	vld.idx.msk [tilespmem:v33+s15+$0x0], $0xffff  }
0x6a: {  	v26 =	vmov s12  }
0x6b: {  	v26 =	vand.u32 $0x3F, v26  }
0x6c: {  	v26 =	vbroadcast v26, $0x0;
	_ =	sdelay $0x1  }
0x6d: {  	v27 =	vor.u32 v0, v26;
	_ =	sdelay $0x4  }
0x6e: {  	v27 =	vld.idx.msk [tilespmem:v27+s15+$0x0], $0xffff  }
0x6f: {  	s9 =	sadd.s32 $0x100, s9;
	v28 =	vor.u32 v1, v26  }
0x70: {  	s10 =	sadd.s32 $0xFFFFFF80, s9  }
0x71: {  	s7 =	sadd.s32 $0x100, s7;
	s9 =	sand.u32 $0x380, s9;
	s10 =	sand.u32 $0x1C00, s10  }
0x72: {  	[tilespmem:s7+$0xFFFFFFC0] =	vst v22;
	v22 =	vld.idx.msk [tilespmem:v24+s15+$0x0], $0xffff;
	s9 =	sor.u32 s9, s10  }
0x73: {  	v24 =	vld.idx.msk [tilespmem:v25+s15+$0x0], $0xffff;
	[tilespmem:s9+$0x15F80] =	vst v27  }
0x74: {  	[tilespmem:s3+$0x70] =	vst v16;
	v25 =	vor.u32 v2, v13;
	v27 =	vld.idx.msk [tilespmem:v28+s15+$0x0], $0xffff  }
0x75: {  	[tilespmem:s2+$0x50] =	vst v17;
	v17 =	vor.u32 v2, v26  }
0x76: {  	v16 =	vor.u32 v2, v14;
	[tilespmem:s6+$0xFFFFFFE0] =	vst v20;
	v20 =	vld.idx.msk [tilespmem:v23+s15+$0x0], $0xffff  }
0x77: {  	s17 =	sadd.s32 $0x15F80, s11;
	v9 =	vor.u32 v7, v9;
	v18 =	vld.idx.msk [tilespmem:v18+s15+$0x0], $0xffff;
	[tilespmem:s0+$0x0] =	vst v21  }
0x78: {  	v19 =	vld.idx.msk [tilespmem:v19+s15+$0x0], $0xffff;
	[tilespmem:s17+$0x10] =	vst v22;
	v22 =	vor.u32 v4, v11;
	s9 =	sadd.s32 $0x15F80, s9  }
0x79: {  	v23 =	vld.idx.msk [tilespmem:v25+s15+$0x0], $0xffff;
	[tilespmem:s9+$0x10] =	vst v27  }
0x7a: {  	[tilespmem:s7+$0xFFFFFFD0] =	vst v24;
	v24 =	vor.u32 v3, v13;
	v17 =	vld.idx.msk [tilespmem:v17+s15+$0x0], $0xffff  }
0x7b: {  	v21 =	vor.u32 v3, v26;
	[tilespmem:s1+$0x20] =	vst v20;
	v16 =	vld.idx.msk [tilespmem:v16+s15+$0x0], $0xffff  }
0x7c: {  	[tilespmem:s5+$0x30] =	vst v15;
	v15 =	vor.u32 v3, v14;
	v9 =	vld.idx.msk [tilespmem:v9+s15+$0x0], $0xffff  }
0x7d: {  	[tilespmem:s2+$0x60] =	vst v18;
	v20 =	vld.idx.msk [tilespmem:v22+s15+$0x0], $0xffff;
	v22 =	vor.u32 v4, v12  }
0x7e: {  	v25 =	vor.u32 v5, v8;
	[tilespmem:s17+$0x20] =	vst v23  }
0x7f: {  	v23 =	vld.idx.msk [tilespmem:v24+s15+$0x0], $0xffff;
	[tilespmem:s9+$0x20] =	vst v17  }
0x80: {  	[tilespmem:s7+$0xFFFFFFE0] =	vst v16;
	v16 =	vor.u32 v4, v13;
	v18 =	vld.idx.msk [tilespmem:v21+s15+$0x0], $0xffff  }
0x81: {  	[tilespmem:s6+$0xFFFFFFF0] =	vst v19;
	v19 =	vor.u32 v4, v26;
	v15 =	vld.idx.msk [tilespmem:v15+s15+$0x0], $0xffff  }
0x82: {  	[tilespmem:s1+$0x30] =	vst v9;
	v22 =	vld.idx.msk [tilespmem:v22+s15+$0x0], $0xffff;
	v17 =	vor.u32 v4, v14  }
0x83: {  	[tilespmem:s5+$0x40] =	vst v20;
	v20 =	vor.u32 v5, v11;
	v21 =	vld.idx.msk [tilespmem:v25+s15+$0x0], $0xffff  }
0x84: {  	[tilespmem:s17+$0x30] =	vst v23;
	v23 =	vor.u32 v5, v12  }
0x85: {  	v10 =	vor.u32 v7, v10;
	v16 =	vld.idx.msk [tilespmem:v16+s15+$0x0], $0xffff;
	[tilespmem:s9+$0x30] =	vst v18  }
0x86: {  	[tilespmem:s7+$0xFFFFFFF0] =	vst v15;
	v15 =	vor.u32 v5, v13;
	v19 =	vld.idx.msk [tilespmem:v19+s15+$0x0], $0xffff  }
0x87: {  	v9 =	vor.u32 v5, v26;
	[tilespmem:s6+$0x0] =	vst v22;
	v17 =	vld.idx.msk [tilespmem:v17+s15+$0x0], $0xffff  }
0x88: {  	v20 =	vld.idx.msk [tilespmem:v20+s15+$0x0], $0xffff;
	[tilespmem:s0+$0x10] =	vst v21;
	v21 =	vor.u32 v6, v8  }
0x89: {  	v23 =	vld.idx.msk [tilespmem:v23+s15+$0x0], $0xffff  }
0x8a: {  	v10 =	vld.idx.msk [tilespmem:v10+s15+$0x0], $0xffff;
	[tilespmem:s17+$0x40] =	vst v16;
	v16 =	vor.u32 v6, v12  }
0x8b: {  	v15 =	vld.idx.msk [tilespmem:v15+s15+$0x0], $0xffff;
	v18 =	vor.u32 v5, v14;
	[tilespmem:s9+$0x40] =	vst v19  }
0x8c: {  	[tilespmem:s7+$0x0] =	vst v17;
	v17 =	vor.u32 v6, v13;
	v9 =	vld.idx.msk [tilespmem:v9+s15+$0x0], $0xffff  }
0x8d: {  	[tilespmem:s5+$0x50] =	vst v20;
	v20 =	vor.u32 v6, v26;
	v19 =	vld.idx.msk [tilespmem:v21+s15+$0x0], $0xffff  }
0x8e: {  	[tilespmem:s6+$0x10] =	vst v23;
	v8 =	vor.u32 v7, v8  }
0x8f: {  	[tilespmem:s2+$0x70] =	vst v10;
	v22 =	vor.u32 v6, v11;
	v16 =	vld.idx.msk [tilespmem:v16+s15+$0x0], $0xffff  }
0x90: {  	[tilespmem:s17+$0x50] =	vst v15;
	v18 =	vld.idx.msk [tilespmem:v18+s15+$0x0], $0xffff  }
0x91: {  	v10 =	vor.u32 v6, v14;
	v15 =	vld.idx.msk [tilespmem:v17+s15+$0x0], $0xffff;
	[tilespmem:s9+$0x50] =	vst v9  }
0x92: {  	[tilespmem:s0+$0x20] =	vst v19;
	v9 =	vor.u32 v7, v14;
	v14 =	vld.idx.msk [tilespmem:v20+s15+$0x0], $0xffff  }
0x93: {  	v17 =	vor.u32 v7, v26;
	v8 =	vld.idx.msk [tilespmem:v8+s15+$0x0], $0xffff  }
0x94: {  	v12 =	vor.u32 v7, v12;
	v21 =	vld.idx.msk [tilespmem:v22+s15+$0x0], $0xffff  }
0x95: {  	v11 =	vor.u32 v7, v11;
	[tilespmem:s7+$0x10] =	vst v18  }
0x96: {  	[tilespmem:s6+$0x20] =	vst v16;
	v13 =	vor.u32 v7, v13;
	v10 =	vld.idx.msk [tilespmem:v10+s15+$0x0], $0xffff  }
0x97: {  	[tilespmem:s9+$0x60] =	vst v14  }
0x98: {  	[tilespmem:s0+$0x30] =	vst v8;
	v8 =	vld.idx.msk [tilespmem:v17+s15+$0x0], $0xffff  }
0x99: {  	s18 =	smul.u32 $0xC00, s26;
	v12 =	vld.idx.msk [tilespmem:v12+s15+$0x0], $0xffff;
	[tilespmem:s5+$0x60] =	vst v21  }
0x9a: {  	v11 =	vld.idx.msk [tilespmem:v11+s15+$0x0], $0xffff;
	[tilespmem:s17+$0x60] =	vst v15  }
0x9b: {  	v13 =	vld.idx.msk [tilespmem:v13+s15+$0x0], $0xffff;
	[tilespmem:s7+$0x20] =	vst v10;
	s0 =	sshra.s32 s18, $0x2  }
0x9c: {  	v9 =	vld.idx.msk [tilespmem:v9+s15+$0x0], $0xffff;
	s0 =	sadd.s32 $0x1900, s0  }
0x9d: {  	[tilespmem:s9+$0x70] =	vst v8;
	v8 =	vmov s0  }
0x9e: {  	[tilespmem:s6+$0x30] =	vst v12  }
0x9f: {  	s19 =	simm.s32 $0x0;
	[tilespmem:s5+$0x70] =	vst v11  }
0xa0: {  	s20 =	simm.s32 $0x0;
	[tilespmem:s17+$0x70] =	vst v13;
	s0 =	sand.u32 $0xE, s19  }
0xa1: {  	s22 =	simm.s32 $0x0;
	s12 =	sand.u32 $0x3FFFFF80, s20;
	[tilespmem:s7+$0x30] =	vst v9;
	s23 =	sor.u32 $0x1, s0  }
0xa2: {  	v10 =	vmov s22;
	v11 =	vmov s23;
	v9 =	vld.idx.msk [tilespmem:v8+s12+$0x0 ss:$0x1], $0xffff  }
0xa3: {  	v10 =	vmul.u32 $0x3E8, v10;
	v11 =	vmul.u32 $0xBB8, v11;
	_ =	sdelay $0x1  }
0xa4: {  	v11 =	vadd.s32 v10, v11  }
0xa5: {  	v14 =	vbroadcast v11, $0x0  }
0xa6: {  	v11 =	vand.u32 $0xFFFFFFF8, v9  }
0xa7: {  	v9 =	vand.u32 $0x7, v9;
	v12 =	vadd.s32 v14, v11  }
0xa8: {  	v12 =	vor.u32 v9, v12;
	_ =	sdelay $0x4  }
0xa9: {  	v12 =	vld.idx.msk [tilespmem:v12+s14+$0x0], $0xffff;
	_ =	sdelay $0x3  }
0xaa: {  	s29 =	simm.s32 $0x18070  }
0xab: {  	[tilespmem:s29+$0xFFFFFF90] =	vst v12  }
0xac: {  	v12 =	vld.idx.msk [tilespmem:v8+s12+$0x10 ss:$0x1], $0xffff;
	_ =	sdelay $0x4  }
0xad: {  	s24 =	simm.s32 $0x2;
	v13 =	vand.u32 $0xFFFFFFF8, v12  }
0xae: {  	s25 =	simm.s32 $0x10;
	s1 =	sand.u32 $0xE, s24;
	v12 =	vand.u32 $0x7, v12;
	v13 =	vadd.s32 v14, v13  }
0xaf: {  	s3 =	simm.s32 $0x0;
	s13 =	sand.u32 $0x3FFFFF80, s25;
	s5 =	sor.u32 $0x1, s1;
	v12 =	vor.u32 v12, v13  }
0xb0: {  	v15 =	vmov s3;
	v16 =	vmov s5;
	v13 =	vld.idx.msk [tilespmem:v8+s13+$0x0 ss:$0x1], $0xffff  }
0xb1: {  	v18 =	vmul.u32 $0x3E8, v15;
	v15 =	vmul.u32 $0xBB8, v16;
	_ =	sdelay $0x1  }
0xb2: {  	v15 =	vadd.s32 v18, v15  }
0xb3: {  	v15 =	vbroadcast v15, $0x0;
	v12 =	vld.idx.msk [tilespmem:v12+s14+$0x0], $0xffff  }
0xb4: {  	v19 =	vand.u32 $0xFFFFFFF8, v13  }
0xb5: {  	v13 =	vand.u32 $0x7, v13;
	v16 =	vadd.s32 v15, v19  }
0xb6: {  	v17 =	vmov s0;
	v20 =	vor.u32 v13, v16  }
0xb7: {  	v16 =	vmul.u32 $0xBB8, v17  }
0xb8: {  	[tilespmem:s29+$0xFFFFFFA0] =	vst v12  }
0xb9: {  	v10 =	vadd.s32 v10, v16;
	v12 =	vld.idx.msk [tilespmem:v8+s12+$0x20 ss:$0x1], $0xffff  }
0xba: {  	v16 =	vbroadcast v10, $0x0  }
0xbb: {  	v10 =	vld.idx.msk [tilespmem:v20+s14+$0x0], $0xffff  }
0xbc: {  	v11 =	vadd.s32 v16, v11  }
0xbd: {  	v9 =	vor.u32 v9, v11  }
0xbe: {  	v11 =	vand.u32 $0xFFFFFFF8, v12  }
0xbf: {  	s30 =	simm.s32 $0x18170;
	v12 =	vand.u32 $0x7, v12;
	v11 =	vadd.s32 v14, v11  }
0xc0: {  	[tilespmem:s30+$0xFFFFFF90] =	vst v10;
	v11 =	vor.u32 v12, v11  }
0xc1: {  	v10 =	vld.idx.msk [tilespmem:v8+s13+$0x10 ss:$0x1], $0xffff  }
0xc2: {  	v9 =	vld.idx.msk [tilespmem:v9+s14+$0x0], $0xffff;
	_ =	sdelay $0x2  }
0xc3: {  	v11 =	vld.idx.msk [tilespmem:v11+s14+$0x0], $0xffff  }
0xc4: {  	v12 =	vand.u32 $0xFFFFFFF8, v10  }
0xc5: {  	s6 =	simm.s32 $0x4;
	[tilespmem:s29+$0xFFFFFF10] =	vst v9;
	v9 =	vand.u32 $0x7, v10;
	v10 =	vadd.s32 v15, v12  }
0xc6: {  	s7 =	simm.s32 $0x20;
	s9 =	sand.u32 $0xE, s6;
	v12 =	vld.idx.msk [tilespmem:v8+s12+$0x10 ss:$0x1], $0xffff;
	v9 =	vor.u32 v9, v10  }
0xc7: {  	s10 =	simm.s32 $0x0;
	s0 =	sand.u32 $0x3FFFFF80, s7;
	s11 =	sor.u32 $0x1, s9  }
0xc8: {  	v17 =	vmov s11;
	v10 =	vld.idx.msk [tilespmem:v8+s0+$0x0 ss:$0x1], $0xffff;
	[tilespmem:s29+$0xFFFFFFB0] =	vst v11;
	v11 =	vmov s10  }
0xc9: {  	v17 =	vmul.u32 $0xBB8, v17;
	v20 =	vld.idx.msk [tilespmem:v8+s12+$0x30 ss:$0x1], $0xffff;
	v11 =	vmul.u32 $0x3E8, v11  }
0xca: {  	v21 =	vmov s1  }
0xcb: {  	v21 =	vmul.u32 $0xBB8, v21;
	v22 =	vand.u32 $0xFFFFFFF8, v12;
	v23 =	vld.idx.msk [tilespmem:v9+s14+$0x0], $0xffff;
	v9 =	vadd.s32 v11, v17  }
0xcc: {  	v12 =	vand.u32 $0x7, v12;
	v22 =	vadd.s32 v16, v22;
	v17 =	vbroadcast v9, $0x0  }
0xcd: {  	v12 =	vor.u32 v12, v22;
	v9 =	vadd.s32 v18, v21;
	v18 =	vand.u32 $0xFFFFFFF8, v10  }
0xce: {  	v22 =	vand.u32 $0x7, v10;
	v21 =	vand.u32 $0xFFFFFFF8, v20;
	v10 =	vadd.s32 v17, v18  }
0xcf: {  	v20 =	vand.u32 $0x7, v20;
	v21 =	vadd.s32 v14, v21;
	v10 =	vor.u32 v22, v10  }
0xd0: {  	v9 =	vbroadcast v9, $0x0;
	[tilespmem:s30+$0xFFFFFFA0] =	vst v23;
	v20 =	vor.u32 v20, v21  }
0xd1: {  	v21 =	vld.idx.msk [tilespmem:v8+s13+$0x20 ss:$0x1], $0xffff  }
0xd2: {  	v19 =	vadd.s32 v9, v19  }
0xd3: {  	v12 =	vld.idx.msk [tilespmem:v12+s14+$0x0], $0xffff;
	v13 =	vor.u32 v13, v19  }
0xd4: {  	v10 =	vld.idx.msk [tilespmem:v10+s14+$0x0], $0xffff  }
0xd5: {  	v19 =	vld.idx.msk [tilespmem:v20+s14+$0x0], $0xffff  }
0xd6: {  	v20 =	vand.u32 $0xFFFFFFF8, v21  }
0xd7: {  	v21 =	vand.u32 $0x7, v21;
	v20 =	vadd.s32 v15, v20  }
0xd8: {  	s31 =	simm.s32 $0x18270;
	[tilespmem:s29+$0xFFFFFF20] =	vst v12;
	v12 =	vld.idx.msk [tilespmem:v13+s14+$0x0], $0xffff;
	v13 =	vor.u32 v21, v20  }
0xd9: {  	v20 =	vld.idx.msk [tilespmem:v8+s12+$0x20 ss:$0x1], $0xffff;
	[tilespmem:s31+$0xFFFFFF90] =	vst v10  }
0xda: {  	[tilespmem:s29+$0xFFFFFFC0] =	vst v19;
	v19 =	vld.idx.msk [tilespmem:v8+s0+$0x10 ss:$0x1], $0xffff  }
0xdb: {  	v10 =	vmov s9;
	v21 =	vld.idx.msk [tilespmem:v8+s12+$0x40 ss:$0x1], $0xffff  }
0xdc: {  	v10 =	vmul.u32 $0xBB8, v10  }
0xdd: {  	[tilespmem:s30+$0xFFFFFF10] =	vst v12;
	v12 =	vld.idx.msk [tilespmem:v13+s14+$0x0], $0xffff  }
0xde: {  	v13 =	vld.idx.msk [tilespmem:v8+s13+$0x10 ss:$0x1], $0xffff;
	v23 =	vand.u32 $0xFFFFFFF8, v20;
	v10 =	vadd.s32 v11, v10  }
0xdf: {  	s17 =	simm.s32 $0x6;
	v11 =	vand.u32 $0x7, v20;
	v10 =	vbroadcast v10, $0x0;
	v20 =	vand.u32 $0xFFFFFFF8, v19  }
0xe0: {  	s1 =	sand.u32 $0xE, s17;
	v19 =	vand.u32 $0x7, v19;
	v24 =	vand.u32 $0xFFFFFFF8, v21;
	v20 =	vadd.s32 v17, v20  }
0xe1: {  	s20 =	sor.u32 $0x1, s1;
	v21 =	vand.u32 $0x7, v21;
	v24 =	vadd.s32 v14, v24;
	v19 =	vor.u32 v19, v20  }
0xe2: {  	s18 =	simm.s32 $0x30;
	v25 =	vmov s20;
	v18 =	vadd.s32 v10, v18;
	[tilespmem:s30+$0xFFFFFFB0] =	vst v12;
	v21 =	vor.u32 v21, v24  }
0xe3: {  	s19 =	simm.s32 $0x0;
	s11 =	sand.u32 $0x3FFFFF80, s18;
	v18 =	vor.u32 v22, v18;
	v20 =	vadd.s32 v16, v23;
	v12 =	vand.u32 $0xFFFFFFF8, v13;
	v22 =	vld.idx.msk [tilespmem:v8+s13+$0x30 ss:$0x1], $0xffff  }
0xe4: {  	v13 =	vand.u32 $0x7, v13;
	v23 =	vld.idx.msk [tilespmem:v8+s11+$0x0 ss:$0x1], $0xffff;
	v12 =	vadd.s32 v9, v12;
	v24 =	vmov s19  }
0xe5: {  	v12 =	vor.u32 v13, v12;
	v13 =	vmul.u32 $0x3E8, v24;
	v24 =	vmul.u32 $0xBB8, v25  }
0xe6: {  	v11 =	vor.u32 v11, v20;
	v20 =	vld.idx.msk [tilespmem:v19+s14+$0x0], $0xffff  }
0xe7: {  	v19 =	vadd.s32 v13, v24;
	v21 =	vld.idx.msk [tilespmem:v21+s14+$0x0], $0xffff  }
0xe8: {  	v18 =	vld.idx.msk [tilespmem:v18+s14+$0x0], $0xffff;
	v24 =	vmov s1;
	v19 =	vbroadcast v19, $0x0;
	v25 =	vand.u32 $0xFFFFFFF8, v22  }
0xe9: {  	v26 =	vand.u32 $0xFFFFFFF8, v23;
	v22 =	vand.u32 $0x7, v22;
	v25 =	vadd.s32 v15, v25  }
0xea: {  	v23 =	vand.u32 $0x7, v23;
	v12 =	vld.idx.msk [tilespmem:v12+s14+$0x0], $0xffff;
	v27 =	vadd.s32 v19, v26;
	v22 =	vor.u32 v22, v25  }
0xeb: {  	v25 =	vld.idx.msk [tilespmem:v11+s14+$0x0], $0xffff;
	v11 =	vmul.u32 $0xBB8, v24;
	v24 =	vor.u32 v23, v27;
	[tilespmem:s31+$0xFFFFFFA0] =	vst v20  }
0xec: {  	[tilespmem:s29+$0xFFFFFFD0] =	vst v21;
	v20 =	vld.idx.msk [tilespmem:v8+s0+$0x20 ss:$0x1], $0xffff  }
0xed: {  	[tilespmem:s31+$0xFFFFFF10] =	vst v18;
	v11 =	vadd.s32 v13, v11;
	v13 =	vld.idx.msk [tilespmem:v8+s12+$0x50 ss:$0x1], $0xffff  }
0xee: {  	v18 =	vld.idx.msk [tilespmem:v8+s0+$0x10 ss:$0x1], $0xffff;
	v11 =	vbroadcast v11, $0x0  }
0xef: {  	v21 =	vld.idx.msk [tilespmem:v22+s14+$0x0], $0xffff  }
0xf0: {  	v22 =	vadd.s32 v11, v26;
	v24 =	vld.idx.msk [tilespmem:v24+s14+$0x0], $0xffff  }
0xf1: {  	v22 =	vor.u32 v23, v22;
	v23 =	vand.u32 $0xFFFFFFF8, v20  }
0xf2: {  	[tilespmem:s30+$0xFFFFFF20] =	vst v12;
	v20 =	vand.u32 $0x7, v20;
	v12 =	vand.u32 $0xFFFFFFF8, v13;
	v23 =	vadd.s32 v17, v23  }
0xf3: {  	[tilespmem:s29+$0xFFFFFF30] =	vst v25;
	v25 =	vld.idx.msk [tilespmem:v8+s13+$0x20 ss:$0x1], $0xffff;
	v13 =	vand.u32 $0x7, v13;
	v12 =	vadd.s32 v14, v12;
	v20 =	vor.u32 v20, v23  }
0xf4: {  	s1 =	simm.s32 $0x18370;
	v23 =	vld.idx.msk [tilespmem:v8+s12+$0x30 ss:$0x1], $0xffff;
	[tilespmem:s30+$0xFFFFFFC0] =	vst v21;
	v12 =	vor.u32 v13, v12  }
0xf5: {  	v13 =	vand.u32 $0xFFFFFFF8, v18;
	[tilespmem:s1+$0xFFFFFF90] =	vst v24;
	v21 =	vld.idx.msk [tilespmem:v8+s13+$0x40 ss:$0x1], $0xffff  }
0xf6: {  	v18 =	vand.u32 $0x7, v18;
	v13 =	vadd.s32 v10, v13;
	v24 =	vld.idx.msk [tilespmem:v8+s11+$0x10 ss:$0x1], $0xffff  }
0xf7: {  	v13 =	vor.u32 v18, v13;
	v18 =	vld.idx.msk [tilespmem:v22+s14+$0x0], $0xffff  }
0xf8: {  	v20 =	vld.idx.msk [tilespmem:v20+s14+$0x0], $0xffff  }
0xf9: {  	v12 =	vld.idx.msk [tilespmem:v12+s14+$0x0], $0xffff  }
0xfa: {  	v26 =	vand.u32 $0xFFFFFFF8, v21  }
0xfb: {  	v21 =	vand.u32 $0x7, v21;
	v27 =	vand.u32 $0xFFFFFFF8, v24;
	v26 =	vadd.s32 v15, v26  }
0xfc: {  	[tilespmem:s1+$0xFFFFFF10] =	vst v18;
	v18 =	vand.u32 $0x7, v24;
	v24 =	vadd.s32 v19, v27;
	v21 =	vor.u32 v21, v26  }
0xfd: {  	s22 =	simm.s32 $0x8;
	v22 =	vand.u32 $0xFFFFFFF8, v25;
	v13 =	vld.idx.msk [tilespmem:v13+s14+$0x0], $0xffff;
	v18 =	vor.u32 v18, v24;
	[tilespmem:s31+$0xFFFFFFB0] =	vst v20  }
0xfe: {  	s2 =	sand.u32 $0xE, s22;
	s23 =	simm.s32 $0x40;
	v25 =	vand.u32 $0x7, v25;
	v22 =	vadd.s32 v9, v22;
	v20 =	vand.u32 $0xFFFFFFF8, v23;
	[tilespmem:s29+$0xFFFFFFE0] =	vst v12;
	v12 =	vld.idx.msk [tilespmem:v8+s0+$0x30 ss:$0x1], $0xffff  }
0xff: {  	s24 =	simm.s32 $0x0;
	s25 =	sor.u32 $0x1, s2;
	s6 =	sand.u32 $0x3FFFFF80, s23;
	v22 =	vor.u32 v25, v22;
	v26 =	vld.idx.msk [tilespmem:v8+s11+$0x10 ss:$0x1], $0xffff;
	v23 =	vand.u32 $0x7, v23;
	v20 =	vadd.s32 v16, v20  }
0x100: {  	v25 =	vmov s24;
	v27 =	vmov s25;
	v20 =	vor.u32 v23, v20;
	v23 =	vld.idx.msk [tilespmem:v8+s6+$0x0 ss:$0x1], $0xffff  }
0x101: {  	v25 =	vmul.u32 $0x3E8, v25;
	v28 =	vld.idx.msk [tilespmem:v21+s14+$0x0], $0xffff;
	v21 =	vmul.u32 $0xBB8, v27  }
0x102: {  	v18 =	vld.idx.msk [tilespmem:v18+s14+$0x0], $0xffff  }
0x103: {  	v24 =	vld.idx.msk [tilespmem:v8+s12+$0x60 ss:$0x1], $0xffff;
	v27 =	vmov s2;
	v21 =	vadd.s32 v25, v21;
	v29 =	vand.u32 $0xFFFFFFF8, v12  }
0x104: {  	v22 =	vld.idx.msk [tilespmem:v22+s14+$0x0], $0xffff;
	[tilespmem:s31+$0xFFFFFF20] =	vst v13;
	v21 =	vbroadcast v21, $0x0;
	v12 =	vand.u32 $0x7, v12;
	v29 =	vadd.s32 v17, v29  }
0x105: {  	v13 =	vand.u32 $0xFFFFFFF8, v26;
	v31 =	vld.idx.msk [tilespmem:v8+s0+$0x20 ss:$0x1], $0xffff;
	v30 =	vand.u32 $0xFFFFFFF8, v23;
	v29 =	vor.u32 v12, v29  }
0x106: {  	v20 =	vld.idx.msk [tilespmem:v20+s14+$0x0], $0xffff;
	v23 =	vand.u32 $0x7, v23;
	v12 =	vmul.u32 $0xBB8, v27;
	v27 =	vadd.s32 v21, v30;
	[tilespmem:s30+$0xFFFFFFD0] =	vst v28  }
0x107: {  	v26 =	vand.u32 $0x7, v26;
	v13 =	vadd.s32 v11, v13;
	v27 =	vor.u32 v23, v27;
	[tilespmem:s1+$0xFFFFFFA0] =	vst v18;
	v18 =	vld.idx.msk [tilespmem:v8+s13+$0x50 ss:$0x1], $0xffff  }
0x108: {  	v13 =	vor.u32 v26, v13;
	v28 =	vand.u32 $0xFFFFFFF8, v24;
	v12 =	vadd.s32 v25, v12;
	v25 =	vld.idx.msk [tilespmem:v8+s11+$0x20 ss:$0x1], $0xffff  }
0x109: {  	[tilespmem:s30+$0xFFFFFF30] =	vst v22;
	v22 =	vand.u32 $0x7, v24;
	v24 =	vadd.s32 v14, v28;
	v12 =	vbroadcast v12, $0x0  }
0x10a: {  	v22 =	vor.u32 v22, v24;
	v24 =	vld.idx.msk [tilespmem:v29+s14+$0x0], $0xffff  }
0x10b: {  	s19 =	simm.s32 $0x60;
	v28 =	vld.idx.msk [tilespmem:v8+s13+$0x30 ss:$0x1], $0xffff;
	v26 =	vand.u32 $0xFFFFFFF8, v31;
	v29 =	vadd.s32 v12, v30  }
0x10c: {  	s24 =	sand.u32 $0x3FFFFF80, s19;
	[tilespmem:s29+$0xFFFFFF40] =	vst v20;
	v20 =	vand.u32 $0x7, v31;
	v23 =	vor.u32 v23, v29;
	v27 =	vld.idx.msk [tilespmem:v27+s14+$0x0], $0xffff;
	v29 =	vand.u32 $0xFFFFFFF8, v18  }
0x10d: {  	v55 =	vld.idx.msk [tilespmem:v8+s24+$0x0 ss:$0x1], $0xffff;
	v18 =	vand.u32 $0x7, v18;
	v31 =	vand.u32 $0xFFFFFFF8, v25;
	v29 =	vadd.s32 v15, v29  }
0x10e: {  	v13 =	vld.idx.msk [tilespmem:v13+s14+$0x0], $0xffff;
	v25 =	vand.u32 $0x7, v25;
	v31 =	vadd.s32 v19, v31;
	v18 =	vor.u32 v18, v29  }
0x10f: {  	v30 =	vld.idx.msk [tilespmem:v8+s12+$0x40 ss:$0x1], $0xffff;
	v25 =	vor.u32 v25, v31;
	[tilespmem:s31+$0xFFFFFFC0] =	vst v24  }
0x110: {  	s5 =	simm.s32 $0x18470;
	v26 =	vadd.s32 v10, v26;
	v29 =	vand.u32 $0xFFFFFFF8, v28;
	v24 =	vand.u32 $0x7, v28;
	v28 =	vld.idx.msk [tilespmem:v8+s0+$0x40 ss:$0x1], $0xffff  }
0x111: {  	v20 =	vor.u32 v20, v26;
	v26 =	vadd.s32 v9, v29;
	v23 =	vld.idx.msk [tilespmem:v23+s14+$0x0], $0xffff;
	[tilespmem:s5+$0xFFFFFF90] =	vst v27  }
0x112: {  	v24 =	vor.u32 v24, v26;
	v26 =	vld.idx.msk [tilespmem:v8+s6+$0x10 ss:$0x1], $0xffff  }
0x113: {  	v18 =	vld.idx.msk [tilespmem:v18+s14+$0x0], $0xffff  }
0x114: {  	v25 =	vld.idx.msk [tilespmem:v25+s14+$0x0], $0xffff  }
0x115: {  	v22 =	vld.idx.msk [tilespmem:v22+s14+$0x0], $0xffff;
	[tilespmem:s1+$0xFFFFFF20] =	vst v13;
	v27 =	vand.u32 $0xFFFFFFF8, v28  }
0x116: {  	v20 =	vld.idx.msk [tilespmem:v20+s14+$0x0], $0xffff;
	v13 =	vand.u32 $0x7, v28;
	[tilespmem:s5+$0xFFFFFF10] =	vst v23;
	v27 =	vadd.s32 v17, v27  }
0x117: {  	s20 =	simm.s32 $0x0;
	s7 =	simm.s32 $0xA;
	v23 =	vand.u32 $0xFFFFFFF8, v26;
	v29 =	vld.idx.msk [tilespmem:v8+s6+$0x10 ss:$0x1], $0xffff;
	v13 =	vor.u32 v13, v27  }
0x118: {  	v56 =	vmov s20;
	s2 =	sand.u32 $0xE, s7;
	v24 =	vld.idx.msk [tilespmem:v24+s14+$0x0], $0xffff;
	v26 =	vand.u32 $0x7, v26;
	v23 =	vadd.s32 v21, v23;
	[tilespmem:s30+$0xFFFFFFE0] =	vst v18  }
0x119: {  	s9 =	simm.s32 $0x50;
	s17 =	sor.u32 $0x1, s2;
	v33 =	vmov s2;
	v27 =	vand.u32 $0xFFFFFFF8, v30;
	v23 =	vor.u32 v26, v23;
	[tilespmem:s1+$0xFFFFFFB0] =	vst v25;
	v25 =	vld.idx.msk [tilespmem:v8+s13+$0x60 ss:$0x1], $0xffff  }
0x11a: {  	s10 =	simm.s32 $0x0;
	s9 =	sand.u32 $0x3FFFFF80, s9;
	v31 =	vmov s17;
	v18 =	vadd.s32 v16, v27;
	v27 =	vand.u32 $0x7, v30;
	v26 =	vld.idx.msk [tilespmem:v8+s11+$0x30 ss:$0x1], $0xffff  }
0x11b: {  	s25 =	simm.s32 $0x70;
	v31 =	vmul.u32 $0xBB8, v31;
	v30 =	vmov s10;
	v18 =	vor.u32 v27, v18;
	v27 =	vld.idx.msk [tilespmem:v8+s9+$0x0 ss:$0x1], $0xffff  }
0x11c: {  	s25 =	sand.u32 $0x3FFFFF80, s25;
	[tilespmem:s29+$0xFFFFFFF0] =	vst v22;
	v22 =	vmul.u32 $0xBB8, v33;
	v30 =	vmul.u32 $0x3E8, v30;
	v34 =	vand.u32 $0xFFFFFFF8, v29;
	v13 =	vld.idx.msk [tilespmem:v13+s14+$0x0], $0xffff  }
0x11d: {  	v33 =	vmul.u32 $0x3E8, v56;
	v56 =	vld.idx.msk [tilespmem:v8+s25+$0x0 ss:$0x1], $0xffff;
	v29 =	vand.u32 $0x7, v29;
	v34 =	vadd.s32 v12, v34  }
0x11e: {  	v45 =	vld.idx.msk [tilespmem:v23+s14+$0x0], $0xffff;
	v35 =	vand.u32 $0xFFFFFFF8, v25;
	v23 =	vadd.s32 v30, v31;
	v29 =	vor.u32 v29, v34  }
0x11f: {  	[tilespmem:s31+$0xFFFFFF30] =	vst v20;
	v28 =	vld.idx.msk [tilespmem:v8+s11+$0x20 ss:$0x1], $0xffff;
	v20 =	vand.u32 $0x7, v25;
	v23 =	vbroadcast v23, $0x0;
	v25 =	vand.u32 $0xFFFFFFF8, v26  }
0x120: {  	v36 =	vld.idx.msk [tilespmem:v8+s0+$0x30 ss:$0x1], $0xffff;
	[tilespmem:s30+$0xFFFFFF40] =	vst v24;
	v24 =	vand.u32 $0xFFFFFFF8, v27;
	v26 =	vand.u32 $0x7, v26;
	v25 =	vadd.s32 v19, v25  }
0x121: {  	v46 =	vld.idx.msk [tilespmem:v8+s13+$0x40 ss:$0x1], $0xffff;
	v27 =	vand.u32 $0x7, v27;
	v37 =	vadd.s32 v23, v24;
	v25 =	vor.u32 v26, v25;
	[tilespmem:s31+$0xFFFFFFD0] =	vst v13  }
0x122: {  	v22 =	vadd.s32 v30, v22;
	v13 =	vadd.s32 v15, v35;
	v26 =	vor.u32 v27, v37;
	v30 =	vld.idx.msk [tilespmem:v8+s0+$0x50 ss:$0x1], $0xffff  }
0x123: {  	v20 =	vor.u32 v20, v13;
	[tilespmem:s5+$0xFFFFFFA0] =	vst v45;
	v13 =	vbroadcast v22, $0x0;
	v29 =	vld.idx.msk [tilespmem:v29+s14+$0x0], $0xffff  }
0x124: {  	v47 =	vld.idx.msk [tilespmem:v8+s6+$0x20 ss:$0x1], $0xffff  }
0x125: {  	v31 =	vld.idx.msk [tilespmem:v8+s12+$0x70 ss:$0x1], $0xffff;
	v24 =	vadd.s32 v13, v24  }
0x126: {  	v32 =	vand.u32 $0xFFFFFFF8, v28;
	v24 =	vor.u32 v27, v24;
	v25 =	vld.idx.msk [tilespmem:v25+s14+$0x0], $0xffff  }
0x127: {  	v22 =	vand.u32 $0x7, v28;
	v28 =	vadd.s32 v11, v32;
	v26 =	vld.idx.msk [tilespmem:v26+s14+$0x0], $0xffff;
	v27 =	vand.u32 $0xFFFFFFF8, v30  }
0x128: {  	v18 =	vld.idx.msk [tilespmem:v18+s14+$0x0], $0xffff;
	v22 =	vor.u32 v22, v28;
	v28 =	vand.u32 $0x7, v30;
	v27 =	vadd.s32 v17, v27  }
0x129: {  	v20 =	vld.idx.msk [tilespmem:v20+s14+$0x0], $0xffff;
	[tilespmem:s5+$0xFFFFFF20] =	vst v29;
	v30 =	vand.u32 $0xFFFFFFF8, v47;
	v27 =	vor.u32 v28, v27  }
0x12a: {  	v52 =	vld.idx.msk [tilespmem:v8+s6+$0x20 ss:$0x1], $0xffff;
	v28 =	vand.u32 $0x7, v47;
	v30 =	vadd.s32 v21, v30  }
0x12b: {  	s7 =	simm.s32 $0x18570;
	v48 =	vand.u32 $0xFFFFFFF8, v36;
	v28 =	vor.u32 v28, v30;
	v24 =	vld.idx.msk [tilespmem:v24+s14+$0x0], $0xffff;
	[tilespmem:s1+$0xFFFFFFC0] =	vst v25  }
0x12c: {  	v25 =	vand.u32 $0x7, v36;
	v30 =	vadd.s32 v10, v48;
	[tilespmem:s7+$0xFFFFFF90] =	vst v26;
	v26 =	vld.idx.msk [tilespmem:v8+s11+$0x40 ss:$0x1], $0xffff  }
0x12d: {  	s18 =	simm.s32 $0xC;
	v25 =	vor.u32 v25, v30;
	v30 =	vld.idx.msk [tilespmem:v8+s9+$0x10 ss:$0x1], $0xffff  }
0x12e: {  	s2 =	sand.u32 $0xE, s18;
	v49 =	vand.u32 $0xFFFFFFF8, v46;
	[tilespmem:s30+$0xFFFFFFF0] =	vst v20;
	v20 =	vld.idx.msk [tilespmem:v27+s14+$0x0], $0xffff  }
0x12f: {  	s22 =	sor.u32 $0x1, s2;
	v50 =	vand.u32 $0x7, v46;
	v51 =	vld.idx.msk [tilespmem:v8+s13+$0x70 ss:$0x1], $0xffff;
	v27 =	vadd.s32 v9, v49  }
0x130: {  	v57 =	vmov s22;
	v27 =	vor.u32 v50, v27;
	v28 =	vld.idx.msk [tilespmem:v28+s14+$0x0], $0xffff  }
0x131: {  	v32 =	vand.u32 $0x7, v55;
	v29 =	vand.u32 $0xFFFFFFF8, v31;
	v22 =	vld.idx.msk [tilespmem:v22+s14+$0x0], $0xffff;
	v53 =	vand.u32 $0xFFFFFFF8, v26  }
0x132: {  	[tilespmem:s7+$0xFFFFFF10] =	vst v24;
	v25 =	vld.idx.msk [tilespmem:v25+s14+$0x0], $0xffff;
	v26 =	vand.u32 $0x7, v26;
	v24 =	vand.u32 $0xFFFFFFF8, v30;
	v34 =	vadd.s32 v19, v53  }
0x133: {  	v54 =	vld.idx.msk [tilespmem:v8+s9+$0x10 ss:$0x1], $0xffff;
	v30 =	vand.u32 $0x7, v30;
	v24 =	vadd.s32 v23, v24;
	v26 =	vor.u32 v26, v34;
	[tilespmem:s31+$0xFFFFFFE0] =	vst v20  }
0x134: {  	v31 =	vand.u32 $0x7, v31;
	v14 =	vadd.s32 v14, v29;
	v24 =	vor.u32 v30, v24;
	v29 =	vld.idx.msk [tilespmem:v8+s0+$0x60 ss:$0x1], $0xffff  }
0x135: {  	v14 =	vor.u32 v31, v14;
	v31 =	vand.u32 $0x7, v52;
	v20 =	vand.u32 $0xFFFFFFF8, v51;
	v27 =	vld.idx.msk [tilespmem:v27+s14+$0x0], $0xffff;
	[tilespmem:s5+$0xFFFFFFB0] =	vst v28  }
0x136: {  	[tilespmem:s29+$0xFFFFFF50] =	vst v18;
	v34 =	vmul.u32 $0xBB8, v57;
	v30 =	vand.u32 $0x7, v51;
	v15 =	vadd.s32 v15, v20;
	v20 =	vld.idx.msk [tilespmem:v8+s6+$0x30 ss:$0x1], $0xffff  }
0x137: {  	v18 =	vld.idx.msk [tilespmem:v8+s12+$0x50 ss:$0x1], $0xffff;
	v28 =	vor.u32 v30, v15;
	v30 =	vand.u32 $0xFFFFFFF8, v52;
	v15 =	vmov s2  }
0x138: {  	v58 =	vand.u32 $0xFFFFFFF8, v54;
	v59 =	vmul.u32 $0xBB8, v15;
	v30 =	vadd.s32 v12, v30;
	v26 =	vld.idx.msk [tilespmem:v26+s14+$0x0], $0xffff  }
0x139: {  	[tilespmem:s1+$0xFFFFFF30] =	vst v22;
	v36 =	vadd.s32 v13, v58;
	v30 =	vor.u32 v31, v30;
	v38 =	vld.idx.msk [tilespmem:v24+s14+$0x0], $0xffff;
	v15 =	vand.u32 $0xFFFFFFF8, v29  }
0x13a: {  	[tilespmem:s31+$0xFFFFFF40] =	vst v25;
	v24 =	vld.idx.msk [tilespmem:v14+s14+$0x0], $0xffff;
	v14 =	vadd.s32 v33, v34;
	v22 =	vand.u32 $0x7, v29;
	v29 =	vadd.s32 v17, v15  }
0x13b: {  	[tilespmem:s30+$0xFFFFFF50] =	vst v27;
	v27 =	vld.idx.msk [tilespmem:v8+s0+$0x40 ss:$0x1], $0xffff;
	v15 =	vbroadcast v14, $0x0;
	v14 =	vand.u32 $0xFFFFFFF8, v20;
	v25 =	vand.u32 $0x7, v20  }
0x13c: {  	v60 =	vld.idx.msk [tilespmem:v8+s11+$0x30 ss:$0x1], $0xffff;
	v22 =	vor.u32 v22, v29;
	v29 =	vand.u32 $0xFFFFFFF8, v55;
	v14 =	vadd.s32 v21, v14  }
0x13d: {  	v20 =	vld.idx.msk [tilespmem:v8+s13+$0x50 ss:$0x1], $0xffff;
	v40 =	vor.u32 v25, v14;
	v14 =	vand.u32 $0x7, v54;
	v25 =	vadd.s32 v33, v59  }
0x13e: {  	v39 =	vadd.s32 v15, v29;
	[tilespmem:s1+$0xFFFFFFD0] =	vst v26;
	v30 =	vld.idx.msk [tilespmem:v30+s14+$0x0], $0xffff;
	v35 =	vor.u32 v14, v36;
	v14 =	vbroadcast v25, $0x0  }
0x13f: {  	v26 =	vor.u32 v32, v39;
	v61 =	vld.idx.msk [tilespmem:v8+s11+$0x50 ss:$0x1], $0xffff  }
0x140: {  	[tilespmem:s7+$0xFFFFFFA0] =	vst v38;
	v25 =	vld.idx.msk [tilespmem:v28+s14+$0x0], $0xffff;
	v45 =	vand.u32 $0xFFFFFFF8, v27;
	v28 =	vadd.s32 v14, v29  }
0x141: {  	v62 =	vld.idx.msk [tilespmem:v8+s9+$0x20 ss:$0x1], $0xffff;
	v27 =	vand.u32 $0x7, v27;
	v46 =	vadd.s32 v10, v45;
	v28 =	vor.u32 v32, v28  }
0x142: {  	v22 =	vld.idx.msk [tilespmem:v22+s14+$0x0], $0xffff;
	v27 =	vor.u32 v27, v46  }
0x143: {  	v29 =	vld.idx.msk [tilespmem:v40+s14+$0x0], $0xffff  }
0x144: {  	v26 =	vld.idx.msk [tilespmem:v26+s14+$0x0], $0xffff  }
0x145: {  	v31 =	vand.u32 $0xFFFFFFF8, v61;
	v63 =	vld.idx.msk [tilespmem:v35+s14+$0x0], $0xffff  }
0x146: {  	v33 =	vand.u32 $0x7, v61;
	v40 =	vand.u32 $0xFFFFFFF8, v62;
	v31 =	vadd.s32 v19, v31;
	v28 =	vld.idx.msk [tilespmem:v28+s14+$0x0], $0xffff  }
0x147: {  	v36 =	vand.u32 $0x7, v62;
	v35 =	vadd.s32 v23, v40;
	v31 =	vor.u32 v33, v31;
	[tilespmem:s31+$0xFFFFFFF0] =	vst v22;
	v27 =	vld.idx.msk [tilespmem:v27+s14+$0x0], $0xffff  }
0x148: {  	s3 =	simm.s32 $0x18670;
	v22 =	vor.u32 v36, v35;
	v41 =	vld.idx.msk [tilespmem:v8+s0+$0x70 ss:$0x1], $0xffff;
	[tilespmem:s5+$0xFFFFFFC0] =	vst v29  }
0x149: {  	v29 =	vand.u32 $0xFFFFFFF8, v18;
	[tilespmem:s3+$0xFFFFFF90] =	vst v26;
	v26 =	vld.idx.msk [tilespmem:v8+s6+$0x40 ss:$0x1], $0xffff  }
0x14a: {  	v18 =	vand.u32 $0x7, v18;
	v29 =	vadd.s32 v16, v29;
	[tilespmem:s7+$0xFFFFFF20] =	vst v63;
	v43 =	vld.idx.msk [tilespmem:v8+s24+$0x10 ss:$0x1], $0xffff  }
0x14b: {  	v42 =	vand.u32 $0xFFFFFFF8, v60;
	[tilespmem:s5+$0xFFFFFF30] =	vst v30;
	v18 =	vor.u32 v18, v29;
	v30 =	vld.idx.msk [tilespmem:v8+s9+$0x20 ss:$0x1], $0xffff  }
0x14c: {  	s23 =	simm.s32 $0xE;
	v44 =	vadd.s32 v11, v42;
	v29 =	vand.u32 $0x7, v60;
	v31 =	vld.idx.msk [tilespmem:v31+s14+$0x0], $0xffff  }
0x14d: {  	s17 =	simm.s32 $0x0;
	s2 =	sand.u32 $0xE, s23;
	v29 =	vor.u32 v29, v44;
	v22 =	vld.idx.msk [tilespmem:v22+s14+$0x0], $0xffff  }
0x14e: {  	v57 =	vmov s17;
	v54 =	vmov s2;
	[tilespmem:s3+$0xFFFFFF10] =	vst v28;
	v28 =	vld.idx.msk [tilespmem:v8+s6+$0x30 ss:$0x1], $0xffff;
	v47 =	vand.u32 $0xFFFFFFF8, v41  }
0x14f: {  	v33 =	vand.u32 $0x7, v41;
	v48 =	vld.idx.msk [tilespmem:v8+s24+$0x10 ss:$0x1], $0xffff;
	v17 =	vadd.s32 v17, v47;
	v49 =	vand.u32 $0xFFFFFFF8, v26  }
0x150: {  	[tilespmem:s31+$0xFFFFFF50] =	vst v27;
	v26 =	vand.u32 $0x7, v26;
	v50 =	vld.idx.msk [tilespmem:v18+s14+$0x0], $0xffff;
	v18 =	vand.u32 $0xFFFFFFF8, v43;
	v34 =	vadd.s32 v21, v49  }
0x151: {  	v59 =	vld.idx.msk [tilespmem:v8+s0+$0x50 ss:$0x1], $0xffff;
	v36 =	vand.u32 $0x7, v43;
	v18 =	vadd.s32 v15, v18;
	v26 =	vor.u32 v26, v34  }
0x152: {  	v17 =	vor.u32 v33, v17;
	v51 =	vand.u32 $0xFFFFFFF8, v30;
	v29 =	vld.idx.msk [tilespmem:v29+s14+$0x0], $0xffff;
	[tilespmem:s1+$0xFFFFFFE0] =	vst v31;
	v18 =	vor.u32 v36, v18  }
0x153: {  	s19 =	simm.s32 $0x80;
	v31 =	vld.idx.msk [tilespmem:v8+s11+$0x60 ss:$0x1], $0xffff;
	[tilespmem:s7+$0xFFFFFFB0] =	vst v22;
	v22 =	vand.u32 $0x7, v30;
	v30 =	vadd.s32 v13, v51;
	v52 =	vand.u32 $0xFFFFFFF8, v28  }
0x154: {  	s23 =	sand.u32 $0x3FFFFF80, s19;
	v28 =	vand.u32 $0x7, v28;
	v53 =	vld.idx.msk [tilespmem:v8+s9+$0x30 ss:$0x1], $0xffff;
	v33 =	vadd.s32 v12, v52;
	v52 =	vand.u32 $0xFFFFFFF8, v20  }
0x155: {  	s2 =	sor.u32 $0x1, s2;
	v22 =	vor.u32 v22, v30;
	v28 =	vor.u32 v28, v33;
	v33 =	vadd.s32 v9, v52;
	v52 =	vld.idx.msk [tilespmem:v8+s23+$0x0 ss:$0x1], $0xffff  }
0x156: {  	v58 =	vmov s2;
	v39 =	vmul.u32 $0x3E8, v57;
	v55 =	vand.u32 $0xFFFFFFF8, v48;
	[tilespmem:s29+$0xFFFFFF60] =	vst v50;
	v41 =	vld.idx.msk [tilespmem:v26+s14+$0x0], $0xffff  }
0x157: {  	v38 =	vand.u32 $0x7, v56;
	v32 =	vand.u32 $0x7, v48;
	v37 =	vadd.s32 v14, v55;
	v35 =	vld.idx.msk [tilespmem:v8+s12+$0x60 ss:$0x1], $0xffff  }
0x158: {  	v20 =	vand.u32 $0x7, v20;
	v32 =	vor.u32 v32, v37;
	v26 =	vmul.u32 $0xBB8, v58;
	[tilespmem:s1+$0xFFFFFF40] =	vst v29;
	v29 =	vld.idx.msk [tilespmem:v18+s14+$0x0], $0xffff  }
0x159: {  	v36 =	vmul.u32 $0xBB8, v54;
	v20 =	vor.u32 v20, v33;
	v18 =	vand.u32 $0xFFFFFFF8, v31;
	v27 =	vld.idx.msk [tilespmem:v8+s11+$0x40 ss:$0x1], $0xffff  }
0x15a: {  	v30 =	vand.u32 $0x7, v31;
	v26 =	vadd.s32 v39, v26;
	v31 =	vadd.s32 v19, v18;
	v22 =	vld.idx.msk [tilespmem:v22+s14+$0x0], $0xffff  }
0x15b: {  	v60 =	vand.u32 $0xFFFFFFF8, v53;
	v18 =	vbroadcast v26, $0x0;
	v30 =	vor.u32 v30, v31;
	v26 =	vld.idx.msk [tilespmem:v17+s14+$0x0], $0xffff  }
0x15c: {  	v31 =	vand.u32 $0xFFFFFFF8, v56;
	v17 =	vand.u32 $0x7, v53;
	v61 =	vadd.s32 v23, v60;
	v28 =	vld.idx.msk [tilespmem:v28+s14+$0x0], $0xffff  }
0x15d: {  	v34 =	vor.u32 v17, v61;
	v17 =	vadd.s32 v39, v36;
	v32 =	vld.idx.msk [tilespmem:v32+s14+$0x0], $0xffff;
	v62 =	vadd.s32 v18, v31  }
0x15e: {  	v20 =	vld.idx.msk [tilespmem:v20+s14+$0x0], $0xffff;
	[tilespmem:s5+$0xFFFFFFD0] =	vst v41;
	v17 =	vbroadcast v17, $0x0;
	v63 =	vor.u32 v38, v62  }
0x15f: {  	[tilespmem:s3+$0xFFFFFFA0] =	vst v29;
	v29 =	vld.idx.msk [tilespmem:v8+s6+$0x50 ss:$0x1], $0xffff  }
0x160: {  	v45 =	vld.idx.msk [tilespmem:v8+s24+$0x20 ss:$0x1], $0xffff;
	v31 =	vadd.s32 v17, v31  }
0x161: {  	v30 =	vld.idx.msk [tilespmem:v30+s14+$0x0], $0xffff;
	v31 =	vor.u32 v38, v31  }
0x162: {  	[tilespmem:s7+$0xFFFFFF30] =	vst v22;
	v46 =	vld.idx.msk [tilespmem:v34+s14+$0x0], $0xffff  }
0x163: {  	v44 =	vand.u32 $0xFFFFFFF8, v27;
	[tilespmem:s3+$0xFFFFFF20] =	vst v32;
	v47 =	vld.idx.msk [tilespmem:v63+s14+$0x0], $0xffff  }
0x164: {  	v27 =	vand.u32 $0x7, v27;
	v39 =	vadd.s32 v11, v44;
	[tilespmem:s5+$0xFFFFFF40] =	vst v28;
	v22 =	vld.idx.msk [tilespmem:v8+s24+$0x20 ss:$0x1], $0xffff;
	v48 =	vand.u32 $0xFFFFFFF8, v29  }
0x165: {  	v27 =	vor.u32 v27, v39;
	v29 =	vand.u32 $0x7, v29;
	v63 =	vld.idx.msk [tilespmem:v8+s6+$0x40 ss:$0x1], $0xffff;
	v36 =	vadd.s32 v21, v48  }
0x166: {  	v49 =	vand.u32 $0xFFFFFFF8, v45;
	v29 =	vor.u32 v29, v36;
	[tilespmem:s1+$0xFFFFFFF0] =	vst v30;
	v31 =	vld.idx.msk [tilespmem:v31+s14+$0x0], $0xffff  }
0x167: {  	s20 =	simm.s32 $0x18770;
	v50 =	vand.u32 $0x7, v45;
	v38 =	vadd.s32 v15, v49;
	v51 =	vld.idx.msk [tilespmem:v8+s11+$0x70 ss:$0x1], $0xffff;
	[tilespmem:s7+$0xFFFFFFC0] =	vst v46  }
0x168: {  	v56 =	vand.u32 $0xFFFFFFF8, v35;
	v30 =	vor.u32 v50, v38;
	v53 =	vld.idx.msk [tilespmem:v8+s9+$0x40 ss:$0x1], $0xffff;
	[tilespmem:s20+$0xFFFFFF90] =	vst v47  }
0x169: {  	v55 =	vand.u32 $0xFFFFFFF8, v59;
	v35 =	vand.u32 $0x7, v35;
	v58 =	vadd.s32 v16, v56;
	v54 =	vld.idx.msk [tilespmem:v8+s25+$0x10 ss:$0x1], $0xffff  }
0x16a: {  	s18 =	simm.s32 $0x10;
	v57 =	vand.u32 $0x7, v59;
	v33 =	vadd.s32 v10, v55;
	v59 =	vor.u32 v35, v58;
	v27 =	vld.idx.msk [tilespmem:v27+s14+$0x0], $0xffff  }
0x16b: {  	s22 =	simm.s32 $0x1;
	s2 =	sand.u32 $0xE, s18;
	v32 =	vor.u32 v57, v33;
	v29 =	vld.idx.msk [tilespmem:v29+s14+$0x0], $0xffff  }
0x16c: {  	v42 =	vmov s22;
	v50 =	vmov s2;
	[tilespmem:s20+$0xFFFFFF10] =	vst v31;
	v31 =	vld.idx.msk [tilespmem:v8+s9+$0x30 ss:$0x1], $0xffff  }
0x16d: {  	v30 =	vld.idx.msk [tilespmem:v30+s14+$0x0], $0xffff;
	v60 =	vand.u32 $0xFFFFFFF8, v51;
	v36 =	vand.u32 $0x7, v51;
	v62 =	vand.u32 $0xFFFFFFF8, v53  }
0x16e: {  	v61 =	vld.idx.msk [tilespmem:v8+s25+$0x10 ss:$0x1], $0xffff;
	v34 =	vand.u32 $0x7, v53;
	v37 =	vadd.s32 v23, v62;
	v28 =	vand.u32 $0xFFFFFFF8, v54  }
0x16f: {  	v33 =	vld.idx.msk [tilespmem:v59+s14+$0x0], $0xffff;
	[tilespmem:s1+$0xFFFFFF50] =	vst v27;
	v38 =	vand.u32 $0x7, v54;
	v34 =	vor.u32 v34, v37;
	v28 =	vadd.s32 v18, v28  }
0x170: {  	v32 =	vld.idx.msk [tilespmem:v32+s14+$0x0], $0xffff;
	v19 =	vadd.s32 v19, v60;
	[tilespmem:s5+$0xFFFFFFE0] =	vst v29;
	v29 =	vand.u32 $0xFFFFFFF8, v22;
	v27 =	vor.u32 v38, v28  }
0x171: {  	s2 =	sor.u32 $0x1, s2;
	v19 =	vor.u32 v36, v19;
	v22 =	vand.u32 $0x7, v22;
	v28 =	vld.idx.msk [tilespmem:v8+s6+$0x60 ss:$0x1], $0xffff;
	v29 =	vadd.s32 v14, v29  }
0x172: {  	v43 =	vmov s2;
	v48 =	vld.idx.msk [tilespmem:v8+s11+$0x50 ss:$0x1], $0xffff;
	[tilespmem:s3+$0xFFFFFFB0] =	vst v30;
	v30 =	vand.u32 $0xFFFFFFF8, v31;
	v22 =	vor.u32 v22, v29  }
0x173: {  	v51 =	vand.u32 $0xFFFFFFF8, v61;
	v31 =	vand.u32 $0x7, v31;
	v49 =	vld.idx.msk [tilespmem:v8+s24+$0x30 ss:$0x1], $0xffff;
	v30 =	vadd.s32 v13, v30  }
0x174: {  	v35 =	vand.u32 $0x7, v61;
	v40 =	vadd.s32 v17, v51;
	v30 =	vor.u32 v31, v30;
	v34 =	vld.idx.msk [tilespmem:v34+s14+$0x0], $0xffff  }
0x175: {  	v42 =	vmul.u32 $0x3E8, v42;
	v43 =	vmul.u32 $0xBB8, v43;
	v35 =	vor.u32 v35, v40;
	v44 =	vld.idx.msk [tilespmem:v27+s14+$0x0], $0xffff  }
0x176: {  	v41 =	vand.u32 $0x7, v52;
	v29 =	vand.u32 $0xFFFFFFF8, v28;
	v27 =	vld.idx.msk [tilespmem:v19+s14+$0x0], $0xffff  }
0x177: {  	[tilespmem:s30+$0xFFFFFF60] =	vst v20;
	v19 =	vadd.s32 v42, v43;
	v28 =	vand.u32 $0x7, v28;
	v29 =	vadd.s32 v21, v29;
	v22 =	vld.idx.msk [tilespmem:v22+s14+$0x0], $0xffff  }
0x178: {  	v20 =	vbroadcast v19, $0x0;
	v19 =	vand.u32 $0xFFFFFFF8, v49;
	v28 =	vor.u32 v28, v29;
	v29 =	vld.idx.msk [tilespmem:v8+s13+$0x60 ss:$0x1], $0xffff  }
0x179: {  	v38 =	vmul.u32 $0xBB8, v50;
	v37 =	vand.u32 $0x7, v49;
	v19 =	vadd.s32 v15, v19;
	v30 =	vld.idx.msk [tilespmem:v30+s14+$0x0], $0xffff  }
0x17a: {  	v57 =	vand.u32 $0xFFFFFFF8, v63;
	v53 =	vand.u32 $0xFFFFFFF8, v52;
	v35 =	vld.idx.msk [tilespmem:v35+s14+$0x0], $0xffff;
	v37 =	vor.u32 v37, v19;
	[tilespmem:s7+$0xFFFFFFD0] =	vst v34  }
0x17b: {  	v31 =	vand.u32 $0x7, v63;
	v54 =	vadd.s32 v20, v53;
	v19 =	vadd.s32 v42, v38;
	v56 =	vld.idx.msk [tilespmem:v8+s9+$0x50 ss:$0x1], $0xffff;
	[tilespmem:s20+$0xFFFFFFA0] =	vst v44  }
0x17c: {  	v42 =	vadd.s32 v12, v57;
	v55 =	vor.u32 v41, v54;
	v19 =	vbroadcast v19, $0x0;
	v58 =	vld.idx.msk [tilespmem:v8+s25+$0x20 ss:$0x1], $0xffff  }
0x17d: {  	v31 =	vor.u32 v31, v42;
	[tilespmem:s3+$0xFFFFFF30] =	vst v22;
	v28 =	vld.idx.msk [tilespmem:v28+s14+$0x0], $0xffff  }
0x17e: {  	v59 =	vadd.s32 v19, v53;
	[tilespmem:s7+$0xFFFFFF40] =	vst v30;
	v30 =	vld.idx.msk [tilespmem:v8+s24+$0x30 ss:$0x1], $0xffff  }
0x17f: {  	v39 =	vor.u32 v41, v59;
	[tilespmem:s20+$0xFFFFFF20] =	vst v35;
	v37 =	vld.idx.msk [tilespmem:v37+s14+$0x0], $0xffff  }
0x180: {  	v49 =	vld.idx.msk [tilespmem:v8+s25+$0x20 ss:$0x1], $0xffff  }
0x181: {  	v34 =	vld.idx.msk [tilespmem:v55+s14+$0x0], $0xffff;
	v60 =	vand.u32 $0xFFFFFFF8, v56  }
0x182: {  	v47 =	vand.u32 $0xFFFFFFF8, v48;
	v38 =	vand.u32 $0x7, v56;
	v31 =	vld.idx.msk [tilespmem:v31+s14+$0x0], $0xffff;
	v40 =	vadd.s32 v23, v60  }
0x183: {  	v36 =	vand.u32 $0x7, v48;
	v61 =	vand.u32 $0xFFFFFFF8, v58;
	v38 =	vor.u32 v38, v40;
	v40 =	vld.idx.msk [tilespmem:v8+s9+$0x40 ss:$0x1], $0xffff  }
0x184: {  	v48 =	vand.u32 $0xFFFFFFF8, v29;
	v62 =	vand.u32 $0x7, v58;
	v41 =	vadd.s32 v18, v61;
	[tilespmem:s5+$0xFFFFFFF0] =	vst v28;
	v39 =	vld.idx.msk [tilespmem:v39+s14+$0x0], $0xffff  }
0x185: {  	s17 =	simm.s32 $0x90;
	v29 =	vand.u32 $0x7, v29;
	v35 =	vadd.s32 v9, v48;
	v28 =	vor.u32 v62, v41;
	v63 =	vld.idx.msk [tilespmem:v8+s6+$0x70 ss:$0x1], $0xffff;
	[tilespmem:s3+$0xFFFFFFC0] =	vst v37  }
0x186: {  	s10 =	simm.s32 $0x18870;
	s18 =	simm.s32 $0x12;
	s2 =	sand.u32 $0x3FFFFF80, s17;
	v29 =	vor.u32 v29, v35;
	v45 =	vld.idx.msk [tilespmem:v8+s24+$0x40 ss:$0x1], $0xffff  }
0x187: {  	s19 =	sand.u32 $0xE, s18;
	v58 =	vld.idx.msk [tilespmem:v8+s2+$0x0 ss:$0x1], $0xffff;
	[tilespmem:s10+$0xFFFFFF90] =	vst v34  }
0x188: {  	v59 =	vmov s19;
	v46 =	vld.idx.msk [tilespmem:v8+s23+$0x10 ss:$0x1], $0xffff  }
0x189: {  	v57 =	vand.u32 $0xFFFFFFF8, v30;
	v30 =	vand.u32 $0x7, v30;
	v41 =	vadd.s32 v11, v47;
	v38 =	vld.idx.msk [tilespmem:v38+s14+$0x0], $0xffff  }
0x18a: {  	v53 =	vand.u32 $0xFFFFFFF8, v49;
	v43 =	vadd.s32 v14, v57;
	v28 =	vld.idx.msk [tilespmem:v28+s14+$0x0], $0xffff;
	v50 =	vand.u32 $0xFFFFFFF8, v63  }
0x18b: {  	v29 =	vld.idx.msk [tilespmem:v29+s14+$0x0], $0xffff;
	[tilespmem:s10+$0xFFFFFF10] =	vst v39;
	v22 =	vand.u32 $0x7, v63;
	v21 =	vadd.s32 v21, v50;
	v51 =	vand.u32 $0xFFFFFFF8, v45  }
0x18c: {  	[tilespmem:s5+$0xFFFFFF50] =	vst v31;
	v39 =	vld.idx.msk [tilespmem:v8+s23+$0x10 ss:$0x1], $0xffff;
	v31 =	vand.u32 $0x7, v45;
	v21 =	vor.u32 v22, v21;
	v52 =	vadd.s32 v15, v51  }
0x18d: {  	[tilespmem:s31+$0xFFFFFF60] =	vst v32;
	v36 =	vor.u32 v36, v41;
	v34 =	vld.idx.msk [tilespmem:v8+s6+$0x50 ss:$0x1], $0xffff;
	v22 =	vand.u32 $0xFFFFFFF8, v46;
	v31 =	vor.u32 v31, v52  }
0x18e: {  	v35 =	vadd.s32 v17, v53;
	v63 =	vld.idx.msk [tilespmem:v8+s0+$0x60 ss:$0x1], $0xffff;
	v37 =	vand.u32 $0x7, v46;
	v22 =	vadd.s32 v20, v22;
	[tilespmem:s7+$0xFFFFFFE0] =	vst v38  }
0x18f: {  	s17 =	sor.u32 $0x1, s19;
	v54 =	vand.u32 $0x7, v49;
	v30 =	vor.u32 v30, v43;
	v22 =	vor.u32 v37, v22;
	[tilespmem:s20+$0xFFFFFFB0] =	vst v28;
	v28 =	vld.idx.msk [tilespmem:v8+s9+$0x60 ss:$0x1], $0xffff  }
0x190: {  	s22 =	simm.s32 $0x1;
	v35 =	vor.u32 v54, v35;
	v48 =	vand.u32 $0xFFFFFFF8, v58;
	v45 =	vmov s17;
	v55 =	vld.idx.msk [tilespmem:v8+s25+$0x30 ss:$0x1], $0xffff  }
0x191: {  	v45 =	vmul.u32 $0xBB8, v45;
	v56 =	vand.u32 $0xFFFFFFF8, v39;
	v42 =	vld.idx.msk [tilespmem:v21+s14+$0x0], $0xffff;
	v21 =	vmov s22  }
0x192: {  	v39 =	vand.u32 $0x7, v39;
	v41 =	vadd.s32 v19, v56;
	v31 =	vld.idx.msk [tilespmem:v31+s14+$0x0], $0xffff;
	v21 =	vmul.u32 $0x3E8, v21  }
0x193: {  	v60 =	vld.idx.msk [tilespmem:v36+s14+$0x0], $0xffff;
	v51 =	vand.u32 $0x7, v58;
	v39 =	vor.u32 v39, v41;
	v41 =	vmul.u32 $0xBB8, v59  }
0x194: {  	[tilespmem:s29+$0xFFFFFF70] =	vst v33;
	v46 =	vld.idx.msk [tilespmem:v22+s14+$0x0], $0xffff;
	v22 =	vand.u32 $0xFFFFFFF8, v28;
	v61 =	vadd.s32 v21, v45;
	v28 =	vand.u32 $0x7, v28  }
0x195: {  	v50 =	vld.idx.msk [tilespmem:v8+s12+$0x70 ss:$0x1], $0xffff;
	v62 =	vadd.s32 v23, v22;
	v22 =	vbroadcast v61, $0x0;
	v47 =	vand.u32 $0xFFFFFFF8, v55  }
0x196: {  	v35 =	vld.idx.msk [tilespmem:v35+s14+$0x0], $0xffff;
	v49 =	vand.u32 $0x7, v55;
	v28 =	vor.u32 v28, v62;
	v36 =	vadd.s32 v18, v47  }
0x197: {  	v21 =	vadd.s32 v21, v41;
	v36 =	vor.u32 v49, v36;
	[tilespmem:s3+$0xFFFFFFD0] =	vst v31;
	v31 =	vadd.s32 v22, v48  }
0x198: {  	v53 =	vand.u32 $0xFFFFFFF8, v40;
	v21 =	vbroadcast v21, $0x0;
	v31 =	vor.u32 v51, v31;
	v52 =	vld.idx.msk [tilespmem:v8+s24+$0x50 ss:$0x1], $0xffff  }
0x199: {  	v40 =	vand.u32 $0x7, v40;
	v56 =	vld.idx.msk [tilespmem:v30+s14+$0x0], $0xffff;
	v41 =	vadd.s32 v13, v53;
	[tilespmem:s10+$0xFFFFFFA0] =	vst v46  }
0x19a: {  	[tilespmem:s29+$0x0] =	vst v24;
	v40 =	vor.u32 v40, v41;
	v24 =	vadd.s32 v21, v48;
	v54 =	vld.idx.msk [tilespmem:v8+s23+$0x20 ss:$0x1], $0xffff  }
0x19b: {  	v24 =	vor.u32 v51, v24;
	v28 =	vld.idx.msk [tilespmem:v28+s14+$0x0], $0xffff  }
0x19c: {  	[tilespmem:s30+$0x0] =	vst v25;
	v55 =	vld.idx.msk [tilespmem:v36+s14+$0x0], $0xffff  }
0x19d: {  	[tilespmem:s31+$0x0] =	vst v26;
	v25 =	vld.idx.msk [tilespmem:v31+s14+$0x0], $0xffff;
	v26 =	vand.u32 $0xFFFFFFF8, v52  }
0x19e: {  	[tilespmem:s1+$0x0] =	vst v27;
	v39 =	vld.idx.msk [tilespmem:v39+s14+$0x0], $0xffff;
	v30 =	vand.u32 $0x7, v52;
	v26 =	vadd.s32 v15, v26  }
0x19f: {  	[tilespmem:s30+$0xFFFFFF70] =	vst v29;
	v57 =	vld.idx.msk [tilespmem:v40+s14+$0x0], $0xffff;
	v27 =	vand.u32 $0xFFFFFFF8, v54;
	v26 =	vor.u32 v30, v26  }
0x1a0: {  	v31 =	vand.u32 $0x7, v54;
	v27 =	vadd.s32 v20, v27;
	[tilespmem:s7+$0xFFFFFFF0] =	vst v28;
	v28 =	vld.idx.msk [tilespmem:v24+s14+$0x0], $0xffff  }
0x1a1: {  	s12 =	simm.s32 $0x18970;
	v27 =	vor.u32 v31, v27;
	v58 =	vld.idx.msk [tilespmem:v8+s9+$0x70 ss:$0x1], $0xffff;
	[tilespmem:s20+$0xFFFFFFC0] =	vst v55  }
0x1a2: {  	[tilespmem:s12+$0xFFFFFF90] =	vst v25;
	v25 =	vld.idx.msk [tilespmem:v8+s25+$0x40 ss:$0x1], $0xffff  }
0x1a3: {  	v29 =	vand.u32 $0x7, v63;
	[tilespmem:s1+$0xFFFFFF60] =	vst v60;
	v30 =	vand.u32 $0xFFFFFFF8, v63;
	v24 =	vand.u32 $0xFFFFFFF8, v34;
	v59 =	vld.idx.msk [tilespmem:v8+s2+$0x10 ss:$0x1], $0xffff  }
0x1a4: {  	[tilespmem:s10+$0xFFFFFF20] =	vst v39;
	v31 =	vand.u32 $0x7, v34;
	v30 =	vadd.s32 v10, v30;
	v24 =	vadd.s32 v12, v24;
	v60 =	vld.idx.msk [tilespmem:v26+s14+$0x0], $0xffff  }
0x1a5: {  	[tilespmem:s20+$0xFFFFFF30] =	vst v35;
	v26 =	vor.u32 v31, v24;
	v24 =	vor.u32 v29, v30;
	v30 =	vld.idx.msk [tilespmem:v8+s23+$0x20 ss:$0x1], $0xffff  }
0x1a6: {  	[tilespmem:s3+$0xFFFFFF40] =	vst v56;
	v29 =	vand.u32 $0x7, v50;
	v31 =	vld.idx.msk [tilespmem:v27+s14+$0x0], $0xffff;
	v27 =	vand.u32 $0xFFFFFFF8, v50;
	v61 =	vand.u32 $0xFFFFFFF8, v58  }
0x1a7: {  	[tilespmem:s12+$0xFFFFFF10] =	vst v28;
	v28 =	vld.idx.msk [tilespmem:v8+s25+$0x30 ss:$0x1], $0xffff;
	v16 =	vadd.s32 v16, v27;
	v27 =	vand.u32 $0x7, v58;
	v23 =	vadd.s32 v23, v61  }
0x1a8: {  	[tilespmem:s5+$0x0] =	vst v42;
	v32 =	vld.idx.msk [tilespmem:v8+s2+$0x10 ss:$0x1], $0xffff;
	v16 =	vor.u32 v29, v16;
	v62 =	vand.u32 $0xFFFFFFF8, v25;
	v29 =	vor.u32 v27, v23  }
0x1a9: {  	[tilespmem:s7+$0xFFFFFF50] =	vst v57;
	v25 =	vand.u32 $0x7, v25;
	v23 =	vand.u32 $0xFFFFFFF8, v59;
	v63 =	vadd.s32 v18, v62;
	v27 =	vld.idx.msk [tilespmem:v8+s24+$0x40 ss:$0x1], $0xffff  }
0x1aa: {  	v33 =	vand.u32 $0x7, v59;
	v34 =	vadd.s32 v22, v23;
	v23 =	vor.u32 v25, v63;
	[tilespmem:s3+$0xFFFFFFE0] =	vst v60;
	v25 =	vld.idx.msk [tilespmem:v8+s9+$0x50 ss:$0x1], $0xffff  }
.LBB2_5:
0x1ab: {  	s18 =	sadd.s32 $0x2, s18;
	v33 =	vor.u32 v33, v34;
	[tilespmem:s10+$0xFFFFFFB0] =	vst v31;
	v31 =	vld.idx.msk [tilespmem:v8+s24+$0x60 ss:$0x1], $0xffff  }
0x1ac: {  	v34 =	vand.u32 $0xFFFFFFF8, v30;
	v30 =	vand.u32 $0x7, v30;
	s19 =	sshll.u32 s18, $0x3;
	p1 =	slt.u32 s18, $0x2E;
	v35 =	vld.idx.msk [tilespmem:v8+s23+$0x30 ss:$0x1], $0xffff  }
0x1ad: {  	s22 =	sand.u32 $0xE, s18;
	v34 =	vadd.s32 v19, v34;
	v36 =	vand.u32 $0xFFFFFFF8, v28;
	v28 =	vand.u32 $0x7, v28;
	s19 =	sand.u32 $0x3FFFFF80, s19;
	v29 =	vld.idx.msk [tilespmem:v29+s14+$0x0], $0xffff  }
0x1ae: {  	s17 =	sshrl.u32 s18, $0x4;
	v37 =	vmov s22;
	s22 =	sor.u32 $0x1, s22;
	v39 =	vand.u32 $0xFFFFFFF8, v32;
	v32 =	vand.u32 $0x7, v32;
	v38 =	vld.idx.msk [tilespmem:v8+s19+$0x0 ss:$0x1], $0xffff  }
0x1af: {  	v40 =	vmov s17;
	v37 =	vmul.u32 $0xBB8, v37;
	v41 =	vmov s22;
	v42 =	vld.idx.msk [tilespmem:v23+s14+$0x0], $0xffff  }
0x1b0: {  	v40 =	vmul.u32 $0x3E8, v40;
	v39 =	vadd.s32 v21, v39;
	v23 =	vmul.u32 $0xBB8, v41;
	v33 =	vld.idx.msk [tilespmem:v33+s14+$0x0], $0xffff  }
0x1b1: {  	v30 =	vor.u32 v30, v34;
	v32 =	vor.u32 v32, v39;
	v34 =	vand.u32 $0xFFFFFFF8, v31;
	v26 =	vld.idx.msk [tilespmem:v26+s14+$0x0], $0xffff  }
0x1b2: {  	v31 =	vand.u32 $0x7, v31;
	v23 =	vadd.s32 v40, v23;
	v34 =	vadd.s32 v15, v34;
	v39 =	vld.idx.msk [tilespmem:v8+s11+$0x60 ss:$0x1], $0xffff  }
0x1b3: {  	v41 =	vand.u32 $0xFFFFFFF8, v35;
	v23 =	vbroadcast v23, $0x0;
	v31 =	vor.u32 v31, v34;
	[tilespmem:s7+$0x0] =	vst v29;
	v24 =	vld.idx.msk [tilespmem:v24+s14+$0x0], $0xffff  }
0x1b4: {  	v34 =	vand.u32 $0x7, v35;
	v35 =	vadd.s32 v20, v41;
	v29 =	vand.u32 $0xFFFFFFF8, v38;
	v41 =	vld.idx.msk [tilespmem:v8+s13+$0x70 ss:$0x1], $0xffff;
	s13 =	smov.u32 s0;
	s0 =	smov.u32 s11;
	s11 =	smov.u32 s6  }
0x1b5: {  	v38 =	vand.u32 $0x7, v38;
	v34 =	vor.u32 v34, v35;
	v43 =	vadd.s32 v23, v29;
	s6 =	smov.u32 s9;
	s9 =	smov.u32 s24;
	s24 =	smov.u32 s25;
	[tilespmem:s20+$0xFFFFFFD0] =	vst v42;
	v16 =	vld.idx.msk [tilespmem:v16+s14+$0x0], $0xffff  }
0x1b6: {  	v35 =	vadd.s32 v40, v37;
	v40 =	vand.u32 $0xFFFFFFF8, v27;
	s25 =	smov.u32 s23;
	s23 =	smov.u32 s2;
	s2 =	smov.u32 s19;
	v37 =	vor.u32 v38, v43;
	[tilespmem:s12+$0xFFFFFFA0] =	vst v33;
	v33 =	vld.idx.msk [tilespmem:v8+s24+$0x50 ss:$0x1], $0xffff  }
0x1b7: {  	v36 =	vadd.s32 v17, v36;
	v35 =	vbroadcast v35, $0x0;
	v40 =	vadd.s32 v14, v40;
	v42 =	vld.idx.msk [tilespmem:v8+s23+$0x20 ss:$0x1], $0xffff;
	[tilespmem:s5+$0xFFFFFF60] =	vst v26  }
0x1b8: {  	v28 =	vor.u32 v28, v36;
	v26 =	vand.u32 $0x7, v27;
	v27 =	vld.idx.msk [tilespmem:v31+s14+$0x0], $0xffff;
	v31 =	vand.u32 $0xFFFFFFF8, v25  }
0x1b9: {  	v29 =	vadd.s32 v35, v29;
	v36 =	vor.u32 v26, v40;
	v32 =	vld.idx.msk [tilespmem:v32+s14+$0x0], $0xffff;
	v26 =	vadd.s32 v13, v31  }
0x1ba: {  	v29 =	vor.u32 v38, v29;
	v25 =	vand.u32 $0x7, v25;
	v31 =	vld.idx.msk [tilespmem:v34+s14+$0x0], $0xffff;
	v34 =	vand.u32 $0xFFFFFFF8, v39;
	[tilespmem:s31+$0xFFFFFF70] =	vst v24  }
0x1bb: {  	v26 =	vor.u32 v25, v26;
	v24 =	vand.u32 $0x7, v39;
	v37 =	vld.idx.msk [tilespmem:v37+s14+$0x0], $0xffff;
	v25 =	vadd.s32 v11, v34;
	[tilespmem:s29+$0xFFFFFF80] =	vst v16;
	s29 =	smov.u32 s30;
	s30 =	smov.u32 s31;
	s31 =	smov.u32 s1  }
0x1bc: {  	v16 =	vand.u32 $0xFFFFFFF8, v33;
	s1 =	smov.u32 s5;
	s5 =	smov.u32 s7;
	s7 =	smov.u32 s3;
	v30 =	vld.idx.msk [tilespmem:v30+s14+$0x0], $0xffff;
	v24 =	vor.u32 v24, v25;
	v25 =	vand.u32 $0xFFFFFFF8, v41  }
0x1bd: {  	v33 =	vand.u32 $0x7, v33;
	s3 =	smov.u32 s20;
	s20 =	smov.u32 s10;
	s10 =	smov.u32 s12;
	v34 =	vand.u32 $0xFFFFFFF8, v42;
	v16 =	vadd.s32 v18, v16;
	v28 =	vld.idx.msk [tilespmem:v28+s14+$0x0], $0xffff  }
0x1be: {  	v38 =	vand.u32 $0x7, v42;
	v34 =	vadd.s32 v22, v34;
	v33 =	vor.u32 v33, v16;
	v36 =	vld.idx.msk [tilespmem:v36+s14+$0x0], $0xffff;
	[tilespmem:s7+$0xFFFFFFF0] =	vst v27  }
0x1bf: {  	v16 =	vand.u32 $0x7, v41;
	v27 =	vor.u32 v38, v34;
	v34 =	vadd.s32 v9, v25;
	[tilespmem:s12+$0xFFFFFF20] =	vst v32;
	v32 =	vld.idx.msk [tilespmem:v8+s9+$0x70 ss:$0x1], $0xffff  }
0x1c0: {  	v9 =	vmovc v10;
	v10 =	vmov v11;
	v11 =	vmov v12;
	s12 =	sadd.s32 $0x100, s12;
	v16 =	vor.u32 v16, v34;
	v25 =	vld.idx.msk [tilespmem:v29+s14+$0x0], $0xffff;
	[tilespmem:s20+$0xFFFFFFC0] =	vst v31  }
0x1c1: {  	v12 =	vmovc v13;
	v13 =	vmovc v14;
	v14 =	vmov v17;
	v17 =	vmov v19;
	v19 =	vmov v21;
	[tilespmem:s12+$0xFFFFFF90] =	vst v37;
	v34 =	vld.idx.msk [tilespmem:v8+s25+$0x40 ss:$0x1], $0xffff  }
0x1c2: {  	v21 =	vmov v35;
	v37 =	vld.idx.msk [tilespmem:v8+s2+$0x10 ss:$0x1], $0xffff;
	[tilespmem:s20+$0xFFFFFF30] =	vst v30  }
0x1c3: {  	[tilespmem:s3+$0xFFFFFF40] =	vst v28;
	v35 =	vld.idx.msk [tilespmem:v33+s14+$0x0], $0xffff  }
0x1c4: {  	v31 =	vld.idx.msk [tilespmem:v27+s14+$0x0], $0xffff;
	[tilespmem:s7+$0xFFFFFF50] =	vst v36  }
.Ltmp1:
0x1c5: {  	v27 =	vand.u32 $0xFFFFFFF8, v32;
	v30 =	vld.idx.msk [tilespmem:v8+s23+$0x20 ss:$0x1], $0xffff;
	(pc) =	sbr.rel @p1 .LBB2_5-.Ltmp1, $4  }
0x1c6: {  	v27 =	vadd.s32 v15, v27;
	v15 =	vmovc v18;
	v18 =	vmov v20;
	[tilespmem:s12+$0xFFFFFF10] =	vst v25;
	v28 =	vld.idx.msk [tilespmem:v8+s25+$0x30 ss:$0x1], $0xffff;
	v25 =	vand.u32 $0x7, v32  }
0x1c7: {  	v20 =	vmovc v22;
	v22 =	vmov v23;
	v33 =	vand.u32 $0xFFFFFFF8, v34;
	v32 =	vld.idx.msk [tilespmem:v8+s2+$0x10 ss:$0x1], $0xffff;
	v29 =	vor.u32 v25, v27  }
0x1c8: {  	v23 =	vand.u32 $0xFFFFFFF8, v37;
	v25 =	vand.u32 $0x7, v34;
	v36 =	vadd.s32 v18, v33;
	v27 =	vld.idx.msk [tilespmem:v8+s24+$0x40 ss:$0x1], $0xffff  }
0x1c9: {  	v33 =	vand.u32 $0x7, v37;
	v34 =	vadd.s32 v22, v23;
	v23 =	vor.u32 v25, v36;
	[tilespmem:s3+$0xFFFFFFE0] =	vst v35;
	v25 =	vld.idx.msk [tilespmem:v8+s9+$0x50 ss:$0x1], $0xffff  }
0x1ca: {  	v33 =	vor.u32 v33, v34;
	_ =	sdelay $0x4  }
0x1cb: {  	v52 =	vand.u32 $0xFFFFFFF8, v32;
	v33 =	vld.idx.msk [tilespmem:v33+s14+$0x0], $0xffff  }
0x1cc: {  	v53 =	vand.u32 $0x7, v32;
	v34 =	vadd.s32 v21, v52  }
0x1cd: {  	v32 =	vor.u32 v53, v34;
	_ =	sdelay $0x2  }
0x1ce: {  	[tilespmem:s12+$0xFFFFFFA0] =	vst v33  }
0x1cf: {  	v33 =	vld.idx.msk [tilespmem:v8+s2+$0x20 ss:$0x1], $0xffff  }
0x1d0: {  	v32 =	vld.idx.msk [tilespmem:v32+s14+$0x0], $0xffff;
	_ =	sdelay $0x2  }
0x1d1: {  	v55 =	vand.u32 $0xFFFFFFF8, v30  }
0x1d2: {  	[tilespmem:s10+$0xFFFFFFB0] =	vst v31;
	v57 =	vand.u32 $0x7, v30;
	v31 =	vadd.s32 v19, v55;
	v54 =	vand.u32 $0xFFFFFFF8, v33  }
0x1d3: {  	v30 =	vor.u32 v57, v31;
	[tilespmem:s12+$0xFFFFFF20] =	vst v32;
	v33 =	vand.u32 $0x7, v33;
	v34 =	vadd.s32 v22, v54  }
0x1d4: {  	v32 =	vld.idx.msk [tilespmem:v8+s2+$0x20 ss:$0x1], $0xffff;
	v33 =	vor.u32 v33, v34;
	_ =	sdelay $0x2  }
0x1d5: {  	v56 =	vld.idx.msk [tilespmem:v8+s23+$0x30 ss:$0x1], $0xffff  }
0x1d6: {  	v30 =	vld.idx.msk [tilespmem:v30+s14+$0x0], $0xffff  }
0x1d7: {  	v35 =	vand.u32 $0xFFFFFFF8, v32;
	v33 =	vld.idx.msk [tilespmem:v33+s14+$0x0], $0xffff  }
0x1d8: {  	v58 =	vand.u32 $0x7, v32;
	v59 =	vadd.s32 v21, v35  }
0x1d9: {  	v31 =	vor.u32 v58, v59  }
0x1da: {  	v60 =	vand.u32 $0xFFFFFFF8, v56  }
0x1db: {  	[tilespmem:s10+$0xFFFFFF30] =	vst v30;
	v34 =	vand.u32 $0x7, v56;
	v32 =	vadd.s32 v20, v60  }
0x1dc: {  	v30 =	vld.idx.msk [tilespmem:v8+s23+$0x30 ss:$0x1], $0xffff;
	v32 =	vor.u32 v34, v32;
	[tilespmem:s12+$0xFFFFFFB0] =	vst v33  }
0x1dd: {  	v33 =	vld.idx.msk [tilespmem:v8+s2+$0x30 ss:$0x1], $0xffff  }
0x1de: {  	v31 =	vld.idx.msk [tilespmem:v31+s14+$0x0], $0xffff;
	_ =	sdelay $0x2  }
0x1df: {  	v32 =	vld.idx.msk [tilespmem:v32+s14+$0x0], $0xffff  }
0x1e0: {  	v62 =	vand.u32 $0xFFFFFFF8, v28;
	v61 =	vand.u32 $0xFFFFFFF8, v33  }
0x1e1: {  	v39 =	vand.u32 $0xFFFFFFF8, v30;
	[tilespmem:s12+$0xFFFFFF30] =	vst v31;
	v33 =	vand.u32 $0x7, v33;
	v34 =	vadd.s32 v22, v61  }
0x1e2: {  	v30 =	vand.u32 $0x7, v30;
	v36 =	vadd.s32 v19, v39;
	v31 =	vld.idx.msk [tilespmem:v8+s2+$0x30 ss:$0x1], $0xffff;
	v33 =	vor.u32 v33, v34  }
0x1e3: {  	v37 =	vand.u32 $0x7, v28;
	v38 =	vadd.s32 v17, v62;
	v41 =	vor.u32 v30, v36  }
0x1e4: {  	v63 =	vld.idx.msk [tilespmem:v23+s14+$0x0], $0xffff;
	v28 =	vor.u32 v37, v38;
	[tilespmem:s10+$0xFFFFFFC0] =	vst v32  }
0x1e5: {  	v32 =	vld.idx.msk [tilespmem:v8+s23+$0x40 ss:$0x1], $0xffff  }
0x1e6: {  	v23 =	vld.idx.msk [tilespmem:v29+s14+$0x0], $0xffff  }
0x1e7: {  	v37 =	vand.u32 $0xFFFFFFF8, v31;
	v33 =	vld.idx.msk [tilespmem:v33+s14+$0x0], $0xffff  }
0x1e8: {  	v29 =	vld.idx.msk [tilespmem:v41+s14+$0x0], $0xffff;
	v42 =	vand.u32 $0x7, v31;
	v43 =	vadd.s32 v21, v37  }
0x1e9: {  	[tilespmem:s20+$0xFFFFFFD0] =	vst v63;
	v28 =	vld.idx.msk [tilespmem:v28+s14+$0x0], $0xffff;
	v30 =	vor.u32 v42, v43  }
0x1ea: {  	v44 =	vld.idx.msk [tilespmem:v8+s25+$0x50 ss:$0x1], $0xffff;
	v45 =	vand.u32 $0xFFFFFFF8, v32  }
0x1eb: {  	v40 =	vld.idx.msk [tilespmem:v8+s24+$0x60 ss:$0x1], $0xffff;
	v32 =	vand.u32 $0x7, v32;
	v35 =	vadd.s32 v20, v45  }
0x1ec: {  	v26 =	vld.idx.msk [tilespmem:v26+s14+$0x0], $0xffff;
	v53 =	vand.u32 $0xFFFFFFF8, v27;
	v32 =	vor.u32 v32, v35;
	[tilespmem:s12+$0xFFFFFFC0] =	vst v33  }
0x1ed: {  	v55 =	vand.u32 $0x7, v27;
	[tilespmem:s10+$0xFFFFFF40] =	vst v29;
	v29 =	vadd.s32 v14, v53;
	v33 =	vld.idx.msk [tilespmem:v8+s2+$0x40 ss:$0x1], $0xffff  }
0x1ee: {  	[tilespmem:s20+$0xFFFFFF40] =	vst v28;
	v27 =	vor.u32 v55, v29;
	v30 =	vld.idx.msk [tilespmem:v30+s14+$0x0], $0xffff  }
0x1ef: {  	v48 =	vand.u32 $0xFFFFFFF8, v44;
	v51 =	vld.idx.msk [tilespmem:v8+s25+$0x40 ss:$0x1], $0xffff  }
0x1f0: {  	v38 =	vld.idx.msk [tilespmem:v24+s14+$0x0], $0xffff;
	v24 =	vadd.s32 v18, v48;
	v31 =	vand.u32 $0x7, v44  }
0x1f1: {  	v24 =	vor.u32 v31, v24;
	v52 =	vld.idx.msk [tilespmem:v32+s14+$0x0], $0xffff  }
0x1f2: {  	v54 =	vld.idx.msk [tilespmem:v8+s23+$0x40 ss:$0x1], $0xffff;
	v47 =	vand.u32 $0xFFFFFFF8, v33  }
0x1f3: {  	v27 =	vld.idx.msk [tilespmem:v27+s14+$0x0], $0xffff;
	[tilespmem:s12+$0xFFFFFF40] =	vst v30;
	v33 =	vand.u32 $0x7, v33;
	v36 =	vadd.s32 v22, v47  }
0x1f4: {  	v57 =	vand.u32 $0xFFFFFFF8, v51;
	v30 =	vld.idx.msk [tilespmem:v8+s2+$0x40 ss:$0x1], $0xffff;
	v49 =	vor.u32 v33, v36  }
0x1f5: {  	v16 =	vld.idx.msk [tilespmem:v16+s14+$0x0], $0xffff;
	v46 =	vand.u32 $0xFFFFFFF8, v40;
	v60 =	vand.u32 $0x7, v51;
	v59 =	vadd.s32 v17, v57  }
0x1f6: {  	v34 =	vand.u32 $0x7, v40;
	v35 =	vadd.s32 v15, v46;
	v31 =	vor.u32 v60, v59;
	v58 =	vld.idx.msk [tilespmem:v24+s14+$0x0], $0xffff;
	[tilespmem:s10+$0xFFFFFFD0] =	vst v52  }
0x1f7: {  	v62 =	vand.u32 $0xFFFFFFF8, v54;
	v50 =	vor.u32 v34, v35;
	v61 =	vld.idx.msk [tilespmem:v8+s23+$0x50 ss:$0x1], $0xffff  }
0x1f8: {  	v37 =	vld.idx.msk [tilespmem:v8+s11+$0x60 ss:$0x1], $0xffff;
	v34 =	vadd.s32 v19, v62;
	v32 =	vand.u32 $0x7, v54  }
0x1f9: {  	[tilespmem:s3+$0xFFFFFF50] =	vst v27;
	v39 =	vor.u32 v32, v34;
	v63 =	vand.u32 $0xFFFFFFF8, v30;
	v28 =	vld.idx.msk [tilespmem:v49+s14+$0x0], $0xffff  }
0x1fa: {  	v46 =	vld.idx.msk [tilespmem:v8+s24+$0x50 ss:$0x1], $0xffff;
	v30 =	vand.u32 $0x7, v30;
	v40 =	vadd.s32 v21, v63  }
0x1fb: {  	v31 =	vld.idx.msk [tilespmem:v31+s14+$0x0], $0xffff;
	v30 =	vor.u32 v30, v40  }
0x1fc: {  	v56 =	vld.idx.msk [tilespmem:v50+s14+$0x0], $0xffff;
	[tilespmem:s20+$0xFFFFFFE0] =	vst v58;
	v42 =	vand.u32 $0xFFFFFFF8, v61  }
0x1fd: {  	v35 =	vld.idx.msk [tilespmem:v8+s25+$0x60 ss:$0x1], $0xffff;
	v33 =	vand.u32 $0x7, v61;
	v34 =	vadd.s32 v20, v42  }
0x1fe: {  	v43 =	vand.u32 $0xFFFFFFF8, v25;
	v33 =	vor.u32 v33, v34;
	[tilespmem:s12+$0xFFFFFFD0] =	vst v28;
	v28 =	vld.idx.msk [tilespmem:v39+s14+$0x0], $0xffff  }
0x1ff: {  	v45 =	vadd.s32 v13, v43;
	v47 =	vand.u32 $0x7, v25;
	v41 =	vld.idx.msk [tilespmem:v8+s2+$0x50 ss:$0x1], $0xffff  }
0x200: {  	[tilespmem:s20+$0xFFFFFF50] =	vst v31;
	v25 =	vor.u32 v47, v45;
	v30 =	vld.idx.msk [tilespmem:v30+s14+$0x0], $0xffff  }
0x201: {  	v31 =	vld.idx.msk [tilespmem:v8+s25+$0x50 ss:$0x1], $0xffff  }
0x202: {  	v24 =	vld.idx.msk [tilespmem:v8+s13+$0x70 ss:$0x1], $0xffff  }
0x203: {  	v51 =	vld.idx.msk [tilespmem:v33+s14+$0x0], $0xffff;
	[tilespmem:s10+$0xFFFFFF50] =	vst v28  }
0x204: {  	v48 =	vand.u32 $0xFFFFFFF8, v37;
	[tilespmem:s3+$0xFFFFFFF0] =	vst v56;
	v56 =	vand.u32 $0xFFFFFFF8, v46;
	v44 =	vand.u32 $0xFFFFFFF8, v41;
	v53 =	vld.idx.msk [tilespmem:v8+s23+$0x50 ss:$0x1], $0xffff  }
0x205: {  	v52 =	vand.u32 $0xFFFFFFF8, v35;
	v25 =	vld.idx.msk [tilespmem:v25+s14+$0x0], $0xffff;
	[tilespmem:s12+$0xFFFFFF50] =	vst v30;
	v29 =	vand.u32 $0x7, v41;
	v27 =	vadd.s32 v22, v44  }
0x206: {  	v54 =	vand.u32 $0x7, v35;
	v57 =	vand.u32 $0xFFFFFFF8, v31;
	v55 =	vld.idx.msk [tilespmem:v8+s2+$0x50 ss:$0x1], $0xffff;
	v27 =	vor.u32 v29, v27  }
0x207: {  	[tilespmem:s31+$0xFFFFFF70] =	vst v38;
	v32 =	vld.idx.msk [tilespmem:v8+s24+$0x70 ss:$0x1], $0xffff;
	v31 =	vand.u32 $0x7, v31;
	v34 =	vand.u32 $0x7, v46;
	v30 =	vadd.s32 v14, v56  }
0x208: {  	[tilespmem:s5+$0xFFFFFF60] =	vst v26;
	v58 =	vadd.s32 v17, v57;
	v49 =	vand.u32 $0x7, v37;
	v37 =	vld.idx.msk [tilespmem:v8+s0+$0x70 ss:$0x1], $0xffff;
	v30 =	vor.u32 v34, v30  }
0x209: {  	v39 =	vld.idx.msk [tilespmem:v8+s6+$0x60 ss:$0x1], $0xffff;
	[tilespmem:s10+$0xFFFFFFE0] =	vst v51;
	v28 =	vadd.s32 v18, v52;
	v29 =	vor.u32 v31, v58;
	v61 =	vand.u32 $0xFFFFFFF8, v53  }
0x20a: {  	v60 =	vld.idx.msk [tilespmem:v8+s23+$0x60 ss:$0x1], $0xffff;
	v28 =	vor.u32 v54, v28;
	v33 =	vand.u32 $0x7, v53;
	v31 =	vadd.s32 v19, v61  }
0x20b: {  	[tilespmem:s7+$0xFFFFFF60] =	vst v25;
	v62 =	vand.u32 $0xFFFFFFF8, v55;
	v27 =	vld.idx.msk [tilespmem:v27+s14+$0x0], $0xffff;
	v40 =	vor.u32 v33, v31  }
0x20c: {  	v50 =	vadd.s32 v11, v48;
	v48 =	vld.idx.msk [tilespmem:v8+s9+$0x60 ss:$0x1], $0xffff;
	v42 =	vand.u32 $0x7, v55;
	v41 =	vadd.s32 v21, v62  }
0x20d: {  	v30 =	vld.idx.msk [tilespmem:v30+s14+$0x0], $0xffff;
	v31 =	vor.u32 v42, v41  }
0x20e: {  	v26 =	vor.u32 v49, v50;
	v29 =	vld.idx.msk [tilespmem:v29+s14+$0x0], $0xffff  }
0x20f: {  	v63 =	vld.idx.msk [tilespmem:v28+s14+$0x0], $0xffff  }
0x210: {  	v46 =	vand.u32 $0xFFFFFFF8, v60;
	[tilespmem:s12+$0xFFFFFFE0] =	vst v27;
	v28 =	vld.idx.msk [tilespmem:v40+s14+$0x0], $0xffff  }
0x211: {  	v47 =	vand.u32 $0x7, v60;
	v25 =	vadd.s32 v20, v46;
	v44 =	vld.idx.msk [tilespmem:v8+s2+$0x60 ss:$0x1], $0xffff  }
0x212: {  	v59 =	vand.u32 $0xFFFFFFF8, v39;
	v25 =	vor.u32 v47, v25;
	v31 =	vld.idx.msk [tilespmem:v31+s14+$0x0], $0xffff  }
0x213: {  	v26 =	vld.idx.msk [tilespmem:v26+s14+$0x0], $0xffff;
	v43 =	vand.u32 $0x7, v39;
	v34 =	vadd.s32 v12, v59;
	[tilespmem:s20+$0xFFFFFF60] =	vst v29  }
0x214: {  	v52 =	vand.u32 $0xFFFFFFF8, v48;
	v45 =	vor.u32 v43, v34;
	[tilespmem:s3+$0xFFFFFF60] =	vst v30;
	v53 =	vld.idx.msk [tilespmem:v8+s25+$0x60 ss:$0x1], $0xffff  }
0x215: {  	v35 =	vand.u32 $0x7, v48;
	v51 =	vld.idx.msk [tilespmem:v8+s24+$0x60 ss:$0x1], $0xffff;
	v29 =	vadd.s32 v13, v52;
	[tilespmem:s10+$0xFFFFFF60] =	vst v28  }
0x216: {  	v54 =	vor.u32 v35, v29;
	v49 =	vand.u32 $0xFFFFFFF8, v44;
	v55 =	vld.idx.msk [tilespmem:v8+s23+$0x60 ss:$0x1], $0xffff  }
0x217: {  	v25 =	vld.idx.msk [tilespmem:v25+s14+$0x0], $0xffff;
	[tilespmem:s12+$0xFFFFFF60] =	vst v31;
	v50 =	vand.u32 $0x7, v44;
	v34 =	vadd.s32 v22, v49  }
0x218: {  	v31 =	vld.idx.msk [tilespmem:v8+s2+$0x60 ss:$0x1], $0xffff;
	v30 =	vor.u32 v50, v34  }
0x219: {  	[tilespmem:s1+$0xFFFFFF70] =	vst v26;
	v33 =	vld.idx.msk [tilespmem:v45+s14+$0x0], $0xffff;
	v60 =	vand.u32 $0xFFFFFFF8, v53  }
0x21a: {  	v61 =	vld.idx.msk [tilespmem:v8+s11+$0x70 ss:$0x1], $0xffff;
	v62 =	vadd.s32 v17, v60;
	v34 =	vand.u32 $0x7, v53  }
0x21b: {  	[tilespmem:s20+$0xFFFFFFF0] =	vst v63;
	v57 =	vand.u32 $0xFFFFFFF8, v51;
	v63 =	vld.idx.msk [tilespmem:v54+s14+$0x0], $0xffff;
	v40 =	vor.u32 v34, v62;
	v41 =	vand.u32 $0xFFFFFFF8, v55  }
0x21c: {  	v58 =	vld.idx.msk [tilespmem:v8+s25+$0x70 ss:$0x1], $0xffff;
	v59 =	vand.u32 $0x7, v51;
	v29 =	vand.u32 $0x7, v55;
	v34 =	vadd.s32 v19, v41  }
0x21d: {  	[tilespmem:s10+$0xFFFFFFF0] =	vst v25;
	v43 =	vand.u32 $0xFFFFFFF8, v31;
	v56 =	vld.idx.msk [tilespmem:v30+s14+$0x0], $0xffff;
	v30 =	vadd.s32 v14, v57;
	v45 =	vor.u32 v29, v34  }
0x21e: {  	[tilespmem:s5+$0xFFFFFF70] =	vst v33;
	v42 =	vld.idx.msk [tilespmem:v8+s23+$0x70 ss:$0x1], $0xffff;
	v46 =	vand.u32 $0x7, v31;
	v47 =	vadd.s32 v21, v43;
	v30 =	vor.u32 v59, v30  }
0x21f: {  	v44 =	vld.idx.msk [tilespmem:v8+s6+$0x70 ss:$0x1], $0xffff;
	v29 =	vor.u32 v46, v47  }
0x220: {  	v48 =	vand.u32 $0xFFFFFFF8, v24;
	v24 =	vand.u32 $0x7, v24;
	v50 =	vand.u32 $0xFFFFFFF8, v32;
	[tilespmem:s7+$0xFFFFFF70] =	vst v63;
	v52 =	vld.idx.msk [tilespmem:v40+s14+$0x0], $0xffff  }
0x221: {  	v9 =	vadd.s32 v9, v48;
	v32 =	vand.u32 $0x7, v32;
	v53 =	vadd.s32 v15, v50;
	v55 =	vld.idx.msk [tilespmem:v8+s9+$0x70 ss:$0x1], $0xffff  }
0x222: {  	v9 =	vor.u32 v24, v9;
	v51 =	vand.u32 $0xFFFFFFF8, v37;
	v15 =	vor.u32 v32, v53;
	[tilespmem:s12+$0xFFFFFFF0] =	vst v56;
	v56 =	vld.idx.msk [tilespmem:v45+s14+$0x0], $0xffff  }
0x223: {  	v10 =	vadd.s32 v10, v51;
	v26 =	vand.u32 $0x7, v58;
	v62 =	vand.u32 $0xFFFFFFF8, v42;
	v30 =	vld.idx.msk [tilespmem:v30+s14+$0x0], $0xffff  }
0x224: {  	v54 =	vand.u32 $0x7, v37;
	v32 =	vand.u32 $0x7, v42;
	v33 =	vadd.s32 v20, v62;
	v29 =	vld.idx.msk [tilespmem:v29+s14+$0x0], $0xffff  }
0x225: {  	v10 =	vor.u32 v54, v10;
	v60 =	vand.u32 $0x7, v61;
	v20 =	vor.u32 v32, v33;
	v49 =	vld.idx.msk [tilespmem:v8+s2+$0x70 ss:$0x1], $0xffff;
	[tilespmem:s20+$0xFFFFFF70] =	vst v52  }
0x226: {  	v38 =	vand.u32 $0x7, v44;
	v57 =	vand.u32 $0xFFFFFFF8, v58;
	v58 =	vand.u32 $0xFFFFFFF8, v61;
	v37 =	vld.idx.msk [tilespmem:v8+s25+$0x70 ss:$0x1], $0xffff  }
0x227: {  	v34 =	vand.u32 $0xFFFFFFF8, v44;
	v59 =	vadd.s32 v18, v57;
	v61 =	vadd.s32 v11, v58;
	v15 =	vld.idx.msk [tilespmem:v15+s14+$0x0], $0xffff;
	[tilespmem:s10+$0xFFFFFF70] =	vst v56  }
0x228: {  	v39 =	vadd.s32 v12, v34;
	v18 =	vor.u32 v26, v59;
	v42 =	vand.u32 $0xFFFFFFF8, v55;
	[tilespmem:s3+$0xFFFFFF70] =	vst v30;
	v43 =	vld.idx.msk [tilespmem:v8+s23+$0x70 ss:$0x1], $0xffff  }
0x229: {  	v11 =	vor.u32 v60, v61;
	v45 =	vand.u32 $0x7, v55;
	v46 =	vadd.s32 v13, v42;
	[tilespmem:s12+$0xFFFFFF70] =	vst v29;
	v63 =	vld.idx.msk [tilespmem:v8+s24+$0x70 ss:$0x1], $0xffff  }
0x22a: {  	v12 =	vor.u32 v38, v39;
	v13 =	vor.u32 v45, v46;
	v40 =	vand.u32 $0xFFFFFFF8, v49;
	v8 =	vld.idx.msk [tilespmem:v8+s2+$0x70 ss:$0x1], $0xffff  }
0x22b: {  	v9 =	vld.idx.msk [tilespmem:v9+s14+$0x0], $0xffff;
	v41 =	vand.u32 $0x7, v49;
	v44 =	vadd.s32 v22, v40;
	v49 =	vand.u32 $0xFFFFFFF8, v37  }
0x22c: {  	v10 =	vld.idx.msk [tilespmem:v10+s14+$0x0], $0xffff;
	v51 =	vand.u32 $0x7, v37;
	v22 =	vor.u32 v41, v44;
	v52 =	vadd.s32 v17, v49  }
0x22d: {  	[tilespmem:s7+$0x0] =	vst v23;
	v53 =	vld.idx.msk [tilespmem:v20+s14+$0x0], $0xffff;
	v17 =	vor.u32 v51, v52;
	v54 =	vand.u32 $0xFFFFFFF8, v43;
	v55 =	vand.u32 $0x7, v43  }
0x22e: {  	[tilespmem:s29+$0xFFFFFF80] =	vst v16;
	v18 =	vld.idx.msk [tilespmem:v18+s14+$0x0], $0xffff;
	v47 =	vand.u32 $0xFFFFFFF8, v63;
	v48 =	vand.u32 $0x7, v63;
	v56 =	vadd.s32 v19, v54  }
0x22f: {  	[tilespmem:s3+$0x0] =	vst v15;
	v11 =	vld.idx.msk [tilespmem:v11+s14+$0x0], $0xffff;
	v57 =	vand.u32 $0xFFFFFFF8, v8;
	v50 =	vadd.s32 v14, v47;
	v15 =	vor.u32 v55, v56  }
0x230: {  	[tilespmem:s30+$0xFFFFFF80] =	vst v9;
	v12 =	vld.idx.msk [tilespmem:v12+s14+$0x0], $0xffff;
	v8 =	vand.u32 $0x7, v8;
	v59 =	vadd.s32 v21, v57;
	v14 =	vor.u32 v48, v50  }
0x231: {  	[tilespmem:s31+$0xFFFFFF80] =	vst v10;
	v60 =	vld.idx.msk [tilespmem:v13+s14+$0x0], $0xffff;
	v8 =	vor.u32 v8, v59  }
0x232: {  	[tilespmem:s10+$0x0] =	vst v53;
	v58 =	vld.idx.msk [tilespmem:v22+s14+$0x0], $0xffff  }
0x233: {  	[tilespmem:s20+$0x0] =	vst v18;
	v62 =	vld.idx.msk [tilespmem:v17+s14+$0x0], $0xffff  }
0x234: {  	[tilespmem:s1+$0xFFFFFF80] =	vst v11;
	v63 =	vld.idx.msk [tilespmem:v15+s14+$0x0], $0xffff  }
0x235: {  	[tilespmem:s5+$0xFFFFFF80] =	vst v12;
	v61 =	vld.idx.msk [tilespmem:v14+s14+$0x0], $0xffff  }
0x236: {  	[tilespmem:s7+$0xFFFFFF80] =	vst v60;
	v8 =	vld.idx.msk [tilespmem:v8+s14+$0x0], $0xffff  }
0x237: {  	p1 =	sne.s32 s26, $0x18;
	s24 =	smul.u32 $0xE0000, s26;
	[tilespmem:s12+$0x0] =	vst v58  }
.Ltmp2:
0x238: {  	[tilespmem:s20+$0xFFFFFF80] =	vst v62;
	(pc) =	sbr.rel @p1 .LBB2_9-.Ltmp2, $4  }
0x239: {  	s0 =	sor.u32 s8, s24;
	[tilespmem:s10+$0xFFFFFF80] =	vst v63  }
0x23a: {  	s29 =	simm.s32 $0x400;
	s25 =	rddreg [dreg:$0x1];
	s0 =	sshrl.u32 s0, $0x3;
	[tilespmem:s3+$0xFFFFFF80] =	vst v61  }
0x23b: {  	s30 =	simm.s32 $0x8000;
	s31 =	simm.s32 $0x15F80;
	s0 =	sadd.s32 s25, s0;
	[tilespmem:s12+$0xFFFFFF80] =	vst v8  }
0x23c: {  	[hbm4b:s0+s29] =	stream.strided.scatter [tilespmem:s31], [sflag:$0x3], $0x3800, s30, s29, $0x38;
	[tilespmem:$0x1CF80] =	vst v63  }
.Ltmp3:
0x23d: {  	(pc) =	sbr.rel .LBB2_8-.Ltmp3, $4  }
0x23e: {  	_ = 	snop  }
0x23f: {  	_ =	swait.ge [sflag:s21], $0x2000  }
0x240: {  	[sflag:s21] =	ssyncset.done $0x0  }
0x241: {  	[sflag:s21] =	ssyncadd.s32 $0xFFFFE000  }
.LBB2_9:
0x242: {  	s0 =	sshll.u32 s26, $0x8  }
0x243: {  	s0 =	sand.u32 $0x3FFFFF00, s0  }
.Ltmp4:
0x244: {  	s1 =	simm.s32 $0x80;
	s0 =	sadd.s32 $0x100, s0;
	(pc) =	sbr.rel @!p0 .LBB2_10-.Ltmp4, $4  }
0x245: {  	[tilespmem:s15], [sflag:$0x1] =	stream.indirect.gather [hbm4b:s4+s1], $0x40, s0, s1, $0xb8;
	[tilespmem:$0x1CF80] =	vst v63  }
0x246: {  	_ =	swait.ge [sflag:s21], $0x2000  }
0x247: {  	[sflag:s21] =	ssyncset.done $0x0  }
0x248: {  	[sflag:s21] =	ssyncadd.s32 $0xFFFFE000  }
.LBB2_8:
0x249: {  	s0 =	simm.s32 $0x4  }
0x24a: {  	_ =	swait.ge [sflag:s0], $0x3800  }
0x24b: {  	[sflag:s0] =	ssyncset.done $0x0  }
0x24c: {  	[sflag:s0] =	ssyncadd.s32 $0xFFFFC800  }
.LBB2_10:
0x24d: {  	s1 =	simm.s32 $0x0  }
0x24e: {  	v8 =	vmov s1  }
0x24f: {  	v8 =	vand.u32 $0x3E, v8  }
0x250: {  	s19 =	simm.s32 $0x1;
	v14 =	vbroadcast v8, $0x0  }
0x251: {  	v8 =	vmov s19  }
0x252: {  	v8 =	vand.u32 $0x3F, v8;
	v9 =	vor.u32 v0, v14  }
0x253: {  	v15 =	vbroadcast v8, $0x0;
	_ =	sdelay $0x1  }
0x254: {  	v8 =	vor.u32 v0, v15;
	_ =	sdelay $0x1  }
0x255: {  	s20 =	simm.s32 $0x2;
	v10 =	vld.idx.msk [tilespmem:v9+s16+$0x0], $0xffff  }
0x256: {  	v11 =	vor.u32 v1, v14;
	v9 =	vmov s20  }
0x257: {  	v9 =	vand.u32 $0x3E, v9  }
0x258: {  	v9 =	vbroadcast v9, $0x0;
	v8 =	vld.idx.msk [tilespmem:v8+s16+$0x0], $0xffff  }
0x259: {  	s6 =	simm.s32 $0x197F0;
	v12 =	vor.u32 v1, v15  }
0x25a: {  	s0 =	simm.s32 $0x80;
	s22 =	simm.s32 $0x0;
	[tilespmem:s6+$0xFFFFFF90] =	vst v10;
	v10 =	vor.u32 v0, v9  }
0x25b: {  	s1 =	sand.u32 $0x1C00, s22;
	s0 =	sand.u32 $0x380, s0;
	v11 =	vld.idx.msk [tilespmem:v11+s16+$0x0], $0xffff  }
0x25c: {  	s23 =	simm.s32 $0x3;
	s0 =	sor.u32 s0, s1;
	v13 =	vor.u32 v2, v14  }
0x25d: {  	[tilespmem:s0+$0x19780] =	vst v8;
	v8 =	vmov s23  }
0x25e: {  	v12 =	vld.idx.msk [tilespmem:v12+s16+$0x0], $0xffff;
	v8 =	vand.u32 $0x3F, v8  }
0x25f: {  	s24 =	simm.s32 $0x4;
	v17 =	vor.u32 v2, v15;
	v16 =	vld.idx.msk [tilespmem:v10+s16+$0x0], $0xffff;
	v10 =	vbroadcast v8, $0x0  }
0x260: {  	v8 =	vmov s24;
	[tilespmem:s6+$0xFFFFFFA0] =	vst v11;
	v11 =	vor.u32 v1, v9  }
0x261: {  	v8 =	vand.u32 $0x3E, v8;
	v13 =	vld.idx.msk [tilespmem:v13+s16+$0x0], $0xffff;
	v18 =	vor.u32 v0, v10  }
0x262: {  	s3 =	sadd.s32 $0x19780, s0;
	v19 =	vor.u32 v3, v14;
	v8 =	vbroadcast v8, $0x0  }
0x263: {  	s1 =	simm.s32 $0x198F0;
	[tilespmem:s3+$0x10] =	vst v12  }
0x264: {  	v12 =	vor.u32 v0, v8;
	[tilespmem:s1+$0xFFFFFF90] =	vst v16;
	v16 =	vld.idx.msk [tilespmem:v17+s16+$0x0], $0xffff  }
0x265: {  	v17 =	vor.u32 v3, v15;
	v11 =	vld.idx.msk [tilespmem:v11+s16+$0x0], $0xffff  }
0x266: {  	[tilespmem:s6+$0xFFFFFFB0] =	vst v13;
	v13 =	vor.u32 v2, v9;
	v18 =	vld.idx.msk [tilespmem:v18+s16+$0x0], $0xffff  }
0x267: {  	v20 =	vor.u32 v1, v10;
	v19 =	vld.idx.msk [tilespmem:v19+s16+$0x0], $0xffff  }
0x268: {  	s25 =	simm.s32 $0x180;
	s2 =	simm.s32 $0x100;
	v21 =	vor.u32 v4, v14  }
0x269: {  	s2 =	sand.u32 $0x1C00, s2;
	s0 =	sand.u32 $0x380, s25;
	v12 =	vld.idx.msk [tilespmem:v12+s16+$0x0], $0xffff;
	[tilespmem:s3+$0x20] =	vst v16  }
0x26a: {  	s29 =	simm.s32 $0x5;
	s2 =	sor.u32 s0, s2;
	v16 =	vor.u32 v1, v8;
	[tilespmem:s1+$0xFFFFFFA0] =	vst v11;
	v17 =	vld.idx.msk [tilespmem:v17+s16+$0x0], $0xffff  }
0x26b: {  	s5 =	simm.s32 $0x6;
	v11 =	vmov s29;
	v13 =	vld.idx.msk [tilespmem:v13+s16+$0x0], $0xffff;
	[tilespmem:s2+$0x19780] =	vst v18;
	v18 =	vor.u32 v4, v15  }
0x26c: {  	v22 =	vmov s5;
	v11 =	vand.u32 $0x3F, v11;
	[tilespmem:s6+$0xFFFFFFC0] =	vst v19;
	v19 =	vor.u32 v3, v9;
	v20 =	vld.idx.msk [tilespmem:v20+s16+$0x0], $0xffff  }
0x26d: {  	v22 =	vand.u32 $0x3E, v22;
	s0 =	simm.s32 $0x199F0;
	v23 =	vor.u32 v2, v10;
	v11 =	vbroadcast v11, $0x0;
	v21 =	vld.idx.msk [tilespmem:v21+s16+$0x0], $0xffff  }
0x26e: {  	v24 =	vor.u32 v5, v14;
	[tilespmem:s0+$0xFFFFFF90] =	vst v12;
	v12 =	vbroadcast v22, $0x0  }
0x26f: {  	v16 =	vld.idx.msk [tilespmem:v16+s16+$0x0], $0xffff;
	v22 =	vor.u32 v0, v11;
	[tilespmem:s3+$0x30] =	vst v17  }
0x270: {  	s2 =	sadd.s32 $0x19780, s2;
	v17 =	vor.u32 v0, v12;
	[tilespmem:s1+$0xFFFFFFB0] =	vst v13;
	v13 =	vld.idx.msk [tilespmem:v18+s16+$0x0], $0xffff  }
0x271: {  	v18 =	vld.idx.msk [tilespmem:v19+s16+$0x0], $0xffff;
	[tilespmem:s2+$0x10] =	vst v20;
	v19 =	vor.u32 v5, v15  }
0x272: {  	[tilespmem:s6+$0xFFFFFFD0] =	vst v21;
	v20 =	vld.idx.msk [tilespmem:v23+s16+$0x0], $0xffff;
	v21 =	vor.u32 v2, v8  }
0x273: {  	v23 =	vld.idx.msk [tilespmem:v24+s16+$0x0], $0xffff;
	v24 =	vor.u32 v3, v10  }
0x274: {  	v25 =	vor.u32 v4, v9;
	v22 =	vld.idx.msk [tilespmem:v22+s16+$0x0], $0xffff  }
0x275: {  	v26 =	vor.u32 v1, v11;
	v17 =	vld.idx.msk [tilespmem:v17+s16+$0x0], $0xffff;
	[tilespmem:s3+$0x40] =	vst v13  }
0x276: {  	s30 =	simm.s32 $0x280;
	s7 =	simm.s32 $0x200;
	[tilespmem:s0+$0xFFFFFFA0] =	vst v16;
	v13 =	vor.u32 v6, v14;
	v16 =	vld.idx.msk [tilespmem:v19+s16+$0x0], $0xffff  }
0x277: {  	s7 =	sand.u32 $0x1C00, s7;
	s5 =	sand.u32 $0x380, s30;
	v19 =	vor.u32 v1, v12;
	v21 =	vld.idx.msk [tilespmem:v21+s16+$0x0], $0xffff;
	[tilespmem:s2+$0x20] =	vst v20  }
0x278: {  	s5 =	sor.u32 s5, s7;
	[tilespmem:s1+$0xFFFFFFC0] =	vst v18;
	v20 =	vor.u32 v6, v15;
	v18 =	vld.idx.msk [tilespmem:v24+s16+$0x0], $0xffff  }
0x279: {  	s31 =	simm.s32 $0x7;
	v24 =	vor.u32 v3, v8;
	[tilespmem:s5+$0x19780] =	vst v22;
	v22 =	vld.idx.msk [tilespmem:v25+s16+$0x0], $0xffff  }
0x27a: {  	s7 =	simm.s32 $0x19AF0;
	[tilespmem:s6+$0xFFFFFFE0] =	vst v23;
	v23 =	vmov s31;
	v25 =	vld.idx.msk [tilespmem:v26+s16+$0x0], $0xffff;
	v26 =	vor.u32 v4, v10  }
0x27b: {  	s9 =	simm.s32 $0x8;
	[tilespmem:s7+$0xFFFFFF90] =	vst v17;
	v17 =	vand.u32 $0x3F, v23;
	v23 =	vor.u32 v5, v9;
	v27 =	vld.idx.msk [tilespmem:v13+s16+$0x0], $0xffff  }
0x27c: {  	v28 =	vmov s9;
	v13 =	vbroadcast v17, $0x0;
	v17 =	vor.u32 v2, v11;
	v19 =	vld.idx.msk [tilespmem:v19+s16+$0x0], $0xffff;
	[tilespmem:s3+$0x50] =	vst v16  }
0x27d: {  	v16 =	vand.u32 $0x3E, v28;
	[tilespmem:s0+$0xFFFFFFB0] =	vst v21;
	v21 =	vor.u32 v7, v14;
	v20 =	vld.idx.msk [tilespmem:v20+s16+$0x0], $0xffff  }
0x27e: {  	v14 =	vbroadcast v16, $0x0;
	v16 =	vor.u32 v0, v13;
	v24 =	vld.idx.msk [tilespmem:v24+s16+$0x0], $0xffff;
	[tilespmem:s2+$0x30] =	vst v18  }
0x27f: {  	v15 =	vor.u32 v7, v15;
	s5 =	sadd.s32 $0x19780, s5;
	[tilespmem:s1+$0xFFFFFFD0] =	vst v22;
	v18 =	vld.idx.msk [tilespmem:v26+s16+$0x0], $0xffff  }
0x280: {  	v22 =	vor.u32 v0, v14;
	[tilespmem:s5+$0x10] =	vst v25;
	v23 =	vld.idx.msk [tilespmem:v23+s16+$0x0], $0xffff  }
0x281: {  	v25 =	vld.idx.msk [tilespmem:v17+s16+$0x0], $0xffff;
	v17 =	vor.u32 v5, v10;
	[tilespmem:s6+$0xFFFFFFF0] =	vst v27  }
0x282: {  	[tilespmem:s7+$0xFFFFFFA0] =	vst v19;
	v19 =	vor.u32 v2, v12;
	v21 =	vld.idx.msk [tilespmem:v21+s16+$0x0], $0xffff  }
0x283: {  	v27 =	vor.u32 v3, v11;
	v26 =	vld.idx.msk [tilespmem:v16+s16+$0x0], $0xffff;
	[tilespmem:s3+$0x60] =	vst v20  }
0x284: {  	v63 =	vor.u32 v4, v8;
	[tilespmem:s0+$0xFFFFFFC0] =	vst v24;
	v16 =	vld.idx.msk [tilespmem:v15+s16+$0x0], $0xffff  }
0x285: {  	v24 =	vor.u32 v1, v13;
	v22 =	vld.idx.msk [tilespmem:v22+s16+$0x0], $0xffff;
	[tilespmem:s2+$0x40] =	vst v18  }
0x286: {  	s10 =	simm.s32 $0x300;
	s9 =	simm.s32 $0x380;
	[tilespmem:s1+$0xFFFFFFE0] =	vst v23;
	v23 =	vor.u32 v6, v9;
	v17 =	vld.idx.msk [tilespmem:v17+s16+$0x0], $0xffff  }
0x287: {  	s10 =	sand.u32 $0x1C00, s10;
	s11 =	sand.u32 $0x380, s9;
	[tilespmem:s5+$0x20] =	vst v25;
	v25 =	vor.u32 v1, v14;
	v20 =	vld.idx.msk [tilespmem:v19+s16+$0x0], $0xffff  }
0x288: {  	s11 =	sor.u32 s11, s10;
	v18 =	vor.u32 v6, v10;
	v15 =	vld.idx.msk [tilespmem:v27+s16+$0x0], $0xffff;
	[tilespmem:s6+$0x0] =	vst v21  }
0x289: {  	s12 =	simm.s32 $0x9;
	s10 =	simm.s32 $0xA;
	v19 =	vor.u32 v3, v12;
	[tilespmem:s11+$0x19780] =	vst v26;
	v21 =	vld.idx.msk [tilespmem:v63+s16+$0x0], $0xffff;
	s6 =	simm.s32 $0x19AF0  }
.LBB2_11:
0x28a: {  	p0 =	slt.u32 s10, $0x3E;
	v26 =	vmov s12;
	v24 =	vld.idx.msk [tilespmem:v24+s16+$0x0], $0xffff;
	s7 =	sadd.s32 $0x100, s7;
	v27 =	vor.u32 v4, v11;
	[tilespmem:s3+$0x70] =	vst v16;
	s3 =	smov.u32 s2  }
0x28b: {  	s2 =	smov.u32 s5;
	[tilespmem:s7+$0xFFFFFF90] =	vst v22;
	v16 =	vand.u32 $0x3F, v26;
	v22 =	vor.u32 v5, v8;
	v23 =	vld.idx.msk [tilespmem:v23+s16+$0x0], $0xffff  }
0x28c: {  	v28 =	vor.u32 v2, v13;
	v26 =	vmov s10;
	v25 =	vld.idx.msk [tilespmem:v25+s16+$0x0], $0xffff;
	v16 =	vbroadcast v16, $0x0;
	[tilespmem:s3+$0x50] =	vst v17  }
0x28d: {  	v17 =	vand.u32 $0x3E, v26;
	[tilespmem:s6+$0xFFFFFFB0] =	vst v20;
	v20 =	vor.u32 v7, v9;
	v18 =	vld.idx.msk [tilespmem:v18+s16+$0x0], $0xffff;
	v9 =	vmovc v8;
	v8 =	vmov v12  }
0x28e: {  	v12 =	vmov v14;
	v14 =	vbroadcast v17, $0x0;
	v26 =	vor.u32 v0, v16;
	v19 =	vld.idx.msk [tilespmem:v19+s16+$0x0], $0xffff;
	[tilespmem:s2+$0x30] =	vst v15  }
0x28f: {  	s5 =	sadd.s32 $0x19780, s11;
	v17 =	vor.u32 v7, v10;
	v10 =	vmovc v11;
	v11 =	vmov v13;
	v13 =	vmov v16;
	[tilespmem:s0+$0xFFFFFFD0] =	vst v21;
	v15 =	vld.idx.msk [tilespmem:v27+s16+$0x0], $0xffff  }
0x290: {  	v21 =	vor.u32 v0, v14;
	[tilespmem:s5+$0x10] =	vst v24;
	v27 =	vld.idx.msk [tilespmem:v22+s16+$0x0], $0xffff  }
0x291: {  	v29 =	vor.u32 v5, v10;
	v28 =	vld.idx.msk [tilespmem:v28+s16+$0x0], $0xffff;
	[tilespmem:s1+$0xFFFFFFF0] =	vst v23  }
0x292: {  	v30 =	vor.u32 v2, v12;
	[tilespmem:s7+$0xFFFFFFA0] =	vst v25;
	v31 =	vld.idx.msk [tilespmem:v20+s16+$0x0], $0xffff  }
0x293: {  	v32 =	vor.u32 v3, v11;
	v26 =	vld.idx.msk [tilespmem:v26+s16+$0x0], $0xffff;
	[tilespmem:s3+$0x60] =	vst v18  }
0x294: {  	v33 =	vor.u32 v4, v8;
	[tilespmem:s6+$0xFFFFFFC0] =	vst v19;
	v16 =	vld.idx.msk [tilespmem:v17+s16+$0x0], $0xffff  }
.Ltmp5:
0x295: {  	s9 =	sadd.s32 $0x100, s9;
	v24 =	vor.u32 v1, v13;
	v22 =	vld.idx.msk [tilespmem:v21+s16+$0x0], $0xffff;
	[tilespmem:s2+$0x40] =	vst v15;
	(pc) =	sbr.rel @p0 .LBB2_11-.Ltmp5, $4  }
0x296: {  	s11 =	sadd.s32 $0xFFFFFF80, s9;
	v23 =	vor.u32 v6, v9;
	[tilespmem:s0+$0xFFFFFFE0] =	vst v27;
	v17 =	vld.idx.msk [tilespmem:v29+s16+$0x0], $0xffff  }
0x297: {  	s12 =	sand.u32 $0x380, s9;
	s11 =	sand.u32 $0x1C00, s11;
	v25 =	vor.u32 v1, v14;
	v20 =	vld.idx.msk [tilespmem:v30+s16+$0x0], $0xffff;
	[tilespmem:s5+$0x20] =	vst v28  }
0x298: {  	s11 =	sor.u32 s12, s11;
	v18 =	vor.u32 v6, v10;
	v15 =	vld.idx.msk [tilespmem:v32+s16+$0x0], $0xffff;
	[tilespmem:s1+$0x0] =	vst v31;
	s1 =	smov.u32 s0;
	s0 =	smov.u32 s6  }
0x299: {  	s12 =	sadd.s32 $0x1, s10;
	s10 =	sadd.s32 $0x2, s10;
	v19 =	vor.u32 v3, v12;
	s6 =	smov.u32 s7;
	[tilespmem:s11+$0x19780] =	vst v26;
	v21 =	vld.idx.msk [tilespmem:v33+s16+$0x0], $0xffff  }
0x29a: {  	v26 =	vmov s12  }
0x29b: {  	v26 =	vand.u32 $0x3F, v26  }
0x29c: {  	v26 =	vbroadcast v26, $0x0;
	_ =	sdelay $0x1  }
0x29d: {  	v27 =	vor.u32 v0, v26;
	_ =	sdelay $0x4  }
0x29e: {  	v27 =	vld.idx.msk [tilespmem:v27+s16+$0x0], $0xffff  }
0x29f: {  	s9 =	sadd.s32 $0x100, s9;
	v28 =	vor.u32 v1, v26  }
0x2a0: {  	s7 =	sadd.s32 $0x100, s7;
	s10 =	sadd.s32 $0xFFFFFF80, s9  }
0x2a1: {  	s9 =	sand.u32 $0x380, s9;
	[tilespmem:s7+$0xFFFFFF90] =	vst v22;
	v22 =	vld.idx.msk [tilespmem:v24+s16+$0x0], $0xffff;
	s10 =	sand.u32 $0x1C00, s10  }
0x2a2: {  	[tilespmem:s3+$0x70] =	vst v16;
	v24 =	vld.idx.msk [tilespmem:v25+s16+$0x0], $0xffff;
	s9 =	sor.u32 s9, s10  }
0x2a3: {  	v16 =	vor.u32 v2, v14;
	[tilespmem:s9+$0x19780] =	vst v27  }
0x2a4: {  	[tilespmem:s2+$0x50] =	vst v17;
	v27 =	vld.idx.msk [tilespmem:v28+s16+$0x0], $0xffff  }
0x2a5: {  	[tilespmem:s6+$0xFFFFFFB0] =	vst v20;
	v17 =	vor.u32 v2, v26  }
0x2a6: {  	v25 =	vor.u32 v2, v13;
	v20 =	vld.idx.msk [tilespmem:v23+s16+$0x0], $0xffff;
	[tilespmem:s5+$0x30] =	vst v15  }
0x2a7: {  	s25 =	sadd.s32 $0x19780, s11;
	v9 =	vor.u32 v7, v9;
	v18 =	vld.idx.msk [tilespmem:v18+s16+$0x0], $0xffff;
	[tilespmem:s7+$0xFFFFFFA0] =	vst v24  }
0x2a8: {  	[tilespmem:s25+$0x10] =	vst v22;
	v22 =	vor.u32 v4, v11;
	v16 =	vld.idx.msk [tilespmem:v16+s16+$0x0], $0xffff;
	s9 =	sadd.s32 $0x19780, s9  }
0x2a9: {  	v15 =	vor.u32 v3, v14;
	v19 =	vld.idx.msk [tilespmem:v19+s16+$0x0], $0xffff;
	[tilespmem:s9+$0x10] =	vst v27  }
0x2aa: {  	[tilespmem:s0+$0xFFFFFFD0] =	vst v21;
	v17 =	vld.idx.msk [tilespmem:v17+s16+$0x0], $0xffff  }
0x2ab: {  	v21 =	vor.u32 v3, v26;
	v23 =	vld.idx.msk [tilespmem:v25+s16+$0x0], $0xffff;
	[tilespmem:s1+$0xFFFFFFF0] =	vst v20  }
0x2ac: {  	v24 =	vor.u32 v3, v13;
	v9 =	vld.idx.msk [tilespmem:v9+s16+$0x0], $0xffff  }
0x2ad: {  	v10 =	vor.u32 v7, v10;
	v20 =	vld.idx.msk [tilespmem:v22+s16+$0x0], $0xffff;
	[tilespmem:s7+$0xFFFFFFB0] =	vst v16  }
0x2ae: {  	[tilespmem:s2+$0x60] =	vst v18;
	v22 =	vor.u32 v4, v12;
	v15 =	vld.idx.msk [tilespmem:v15+s16+$0x0], $0xffff  }
0x2af: {  	[tilespmem:s9+$0x20] =	vst v17;
	v17 =	vor.u32 v4, v14  }
0x2b0: {  	v25 =	vor.u32 v5, v8;
	[tilespmem:s25+$0x20] =	vst v23;
	v18 =	vld.idx.msk [tilespmem:v21+s16+$0x0], $0xffff  }
0x2b1: {  	[tilespmem:s6+$0xFFFFFFC0] =	vst v19;
	v19 =	vor.u32 v4, v26;
	v23 =	vld.idx.msk [tilespmem:v24+s16+$0x0], $0xffff  }
0x2b2: {  	v10 =	vld.idx.msk [tilespmem:v10+s16+$0x0], $0xffff;
	v16 =	vor.u32 v4, v13;
	[tilespmem:s1+$0x0] =	vst v9  }
0x2b3: {  	v22 =	vld.idx.msk [tilespmem:v22+s16+$0x0], $0xffff;
	[tilespmem:s7+$0xFFFFFFC0] =	vst v15  }
0x2b4: {  	[tilespmem:s5+$0x40] =	vst v20;
	v20 =	vor.u32 v5, v11;
	v17 =	vld.idx.msk [tilespmem:v17+s16+$0x0], $0xffff  }
0x2b5: {  	v21 =	vld.idx.msk [tilespmem:v25+s16+$0x0], $0xffff;
	[tilespmem:s9+$0x30] =	vst v18;
	v18 =	vor.u32 v5, v14  }
0x2b6: {  	[tilespmem:s25+$0x30] =	vst v23;
	v23 =	vor.u32 v5, v12;
	v19 =	vld.idx.msk [tilespmem:v19+s16+$0x0], $0xffff  }
0x2b7: {  	v9 =	vor.u32 v5, v26;
	[tilespmem:s2+$0x70] =	vst v10;
	v16 =	vld.idx.msk [tilespmem:v16+s16+$0x0], $0xffff  }
0x2b8: {  	v15 =	vor.u32 v5, v13;
	[tilespmem:s6+$0xFFFFFFD0] =	vst v22  }
0x2b9: {  	v20 =	vld.idx.msk [tilespmem:v20+s16+$0x0], $0xffff;
	[tilespmem:s7+$0xFFFFFFD0] =	vst v17  }
0x2ba: {  	[tilespmem:s0+$0xFFFFFFE0] =	vst v21;
	v21 =	vor.u32 v6, v8;
	v18 =	vld.idx.msk [tilespmem:v18+s16+$0x0], $0xffff  }
0x2bb: {  	v10 =	vor.u32 v6, v14;
	v23 =	vld.idx.msk [tilespmem:v23+s16+$0x0], $0xffff;
	[tilespmem:s9+$0x40] =	vst v19  }
0x2bc: {  	[tilespmem:s25+$0x40] =	vst v16;
	v9 =	vld.idx.msk [tilespmem:v9+s16+$0x0], $0xffff  }
0x2bd: {  	v16 =	vor.u32 v6, v12;
	v15 =	vld.idx.msk [tilespmem:v15+s16+$0x0], $0xffff  }
0x2be: {  	[tilespmem:s5+$0x50] =	vst v20;
	v17 =	vor.u32 v6, v13  }
0x2bf: {  	v20 =	vor.u32 v6, v26;
	v19 =	vld.idx.msk [tilespmem:v21+s16+$0x0], $0xffff;
	[tilespmem:s7+$0xFFFFFFE0] =	vst v18  }
0x2c0: {  	[tilespmem:s6+$0xFFFFFFE0] =	vst v23;
	v8 =	vor.u32 v7, v8;
	v10 =	vld.idx.msk [tilespmem:v10+s16+$0x0], $0xffff  }
0x2c1: {  	[tilespmem:s9+$0x50] =	vst v9;
	v9 =	vor.u32 v7, v14  }
0x2c2: {  	v22 =	vor.u32 v6, v11;
	v16 =	vld.idx.msk [tilespmem:v16+s16+$0x0], $0xffff;
	[tilespmem:s25+$0x50] =	vst v15  }
0x2c3: {  	v15 =	vld.idx.msk [tilespmem:v17+s16+$0x0], $0xffff  }
0x2c4: {  	[tilespmem:s0+$0xFFFFFFF0] =	vst v19;
	v14 =	vld.idx.msk [tilespmem:v20+s16+$0x0], $0xffff  }
0x2c5: {  	v17 =	vor.u32 v7, v26;
	v8 =	vld.idx.msk [tilespmem:v8+s16+$0x0], $0xffff;
	[tilespmem:s7+$0xFFFFFFF0] =	vst v10  }
0x2c6: {  	v9 =	vld.idx.msk [tilespmem:v9+s16+$0x0], $0xffff  }
0x2c7: {  	v12 =	vor.u32 v7, v12;
	v21 =	vld.idx.msk [tilespmem:v22+s16+$0x0], $0xffff  }
0x2c8: {  	v11 =	vor.u32 v7, v11;
	[tilespmem:s6+$0xFFFFFFF0] =	vst v16  }
0x2c9: {  	v13 =	vor.u32 v7, v13;
	[tilespmem:s9+$0x60] =	vst v14  }
0x2ca: {  	[tilespmem:s0+$0x0] =	vst v8;
	v8 =	vld.idx.msk [tilespmem:v17+s16+$0x0], $0xffff  }
0x2cb: {  	[tilespmem:s7+$0x0] =	vst v9;
	s7 =	smul.u32 $0x600, s28  }
0x2cc: {  	v12 =	vld.idx.msk [tilespmem:v12+s16+$0x0], $0xffff;
	[tilespmem:s5+$0x60] =	vst v21  }
0x2cd: {  	v11 =	vld.idx.msk [tilespmem:v11+s16+$0x0], $0xffff;
	[tilespmem:s25+$0x60] =	vst v15;
	s0 =	sshra.s32 s7, $0x2  }
0x2ce: {  	v13 =	vld.idx.msk [tilespmem:v13+s16+$0x0], $0xffff;
	s0 =	sadd.s32 $0x1900, s0  }
0x2cf: {  	[tilespmem:s9+$0x70] =	vst v8;
	v8 =	vmov s0;
	_ =	sdelay $0x1  }
0x2d0: {  	[tilespmem:s6+$0x0] =	vst v12;
	s9 =	simm.s32 $0x0  }
0x2d1: {  	s10 =	simm.s32 $0x0;
	[tilespmem:s5+$0x70] =	vst v11;
	s0 =	sand.u32 $0xE, s9  }
0x2d2: {  	s11 =	simm.s32 $0x0;
	s12 =	sand.u32 $0x3FFFFF80, s10;
	[tilespmem:s25+$0x70] =	vst v13;
	s13 =	sor.u32 $0x1, s0  }
0x2d3: {  	v10 =	vmov s11;
	v11 =	vmov s13;
	v9 =	vld.idx.msk [tilespmem:v8+s12+$0x0 ss:$0x1], $0xffff  }
0x2d4: {  	v10 =	vmul.u32 $0x3E8, v10;
	v11 =	vmul.u32 $0xBB8, v11;
	_ =	sdelay $0x1  }
0x2d5: {  	v11 =	vadd.s32 v10, v11  }
0x2d6: {  	v14 =	vbroadcast v11, $0x0  }
0x2d7: {  	v11 =	vand.u32 $0xFFFFFFF8, v9  }
0x2d8: {  	v9 =	vand.u32 $0x7, v9;
	v12 =	vadd.s32 v14, v11  }
0x2d9: {  	v12 =	vor.u32 v9, v12;
	_ =	sdelay $0x4  }
0x2da: {  	v12 =	vld.idx.msk [tilespmem:v12+s14+$0x0], $0xffff;
	_ =	sdelay $0x3  }
0x2db: {  	s29 =	simm.s32 $0x1B870  }
0x2dc: {  	[tilespmem:s29+$0xFFFFFF90] =	vst v12  }
0x2dd: {  	v12 =	vld.idx.msk [tilespmem:v8+s12+$0x10 ss:$0x1], $0xffff;
	_ =	sdelay $0x4  }
0x2de: {  	s17 =	simm.s32 $0x2;
	v13 =	vand.u32 $0xFFFFFFF8, v12  }
0x2df: {  	s18 =	simm.s32 $0x10;
	s1 =	sand.u32 $0xE, s17;
	v12 =	vand.u32 $0x7, v12;
	v13 =	vadd.s32 v14, v13  }
0x2e0: {  	s19 =	simm.s32 $0x0;
	s20 =	sor.u32 $0x1, s1;
	s5 =	sand.u32 $0x3FFFFF80, s18;
	v12 =	vor.u32 v12, v13  }
0x2e1: {  	v16 =	vmov s20;
	v15 =	vmov s19;
	v13 =	vld.idx.msk [tilespmem:v8+s5+$0x0 ss:$0x1], $0xffff  }
0x2e2: {  	v18 =	vmul.u32 $0x3E8, v15;
	v15 =	vmul.u32 $0xBB8, v16;
	_ =	sdelay $0x1  }
0x2e3: {  	v15 =	vadd.s32 v18, v15  }
0x2e4: {  	v15 =	vbroadcast v15, $0x0;
	v12 =	vld.idx.msk [tilespmem:v12+s14+$0x0], $0xffff  }
0x2e5: {  	v19 =	vand.u32 $0xFFFFFFF8, v13  }
0x2e6: {  	v13 =	vand.u32 $0x7, v13;
	v16 =	vadd.s32 v15, v19  }
0x2e7: {  	v17 =	vmov s0;
	v20 =	vor.u32 v13, v16  }
0x2e8: {  	v16 =	vmul.u32 $0xBB8, v17  }
0x2e9: {  	[tilespmem:s29+$0xFFFFFFA0] =	vst v12  }
0x2ea: {  	v10 =	vadd.s32 v10, v16;
	v12 =	vld.idx.msk [tilespmem:v8+s12+$0x20 ss:$0x1], $0xffff  }
0x2eb: {  	v16 =	vbroadcast v10, $0x0  }
0x2ec: {  	v10 =	vld.idx.msk [tilespmem:v20+s14+$0x0], $0xffff  }
0x2ed: {  	v11 =	vadd.s32 v16, v11  }
0x2ee: {  	v9 =	vor.u32 v9, v11  }
0x2ef: {  	v11 =	vand.u32 $0xFFFFFFF8, v12  }
0x2f0: {  	s30 =	simm.s32 $0x1B970;
	v12 =	vand.u32 $0x7, v12;
	v11 =	vadd.s32 v14, v11  }
0x2f1: {  	[tilespmem:s30+$0xFFFFFF90] =	vst v10;
	v11 =	vor.u32 v12, v11  }
0x2f2: {  	v10 =	vld.idx.msk [tilespmem:v8+s5+$0x10 ss:$0x1], $0xffff  }
0x2f3: {  	v9 =	vld.idx.msk [tilespmem:v9+s14+$0x0], $0xffff;
	_ =	sdelay $0x2  }
0x2f4: {  	v11 =	vld.idx.msk [tilespmem:v11+s14+$0x0], $0xffff  }
0x2f5: {  	v12 =	vand.u32 $0xFFFFFFF8, v10  }
0x2f6: {  	s22 =	simm.s32 $0x4;
	[tilespmem:s29+$0xFFFFFF10] =	vst v9;
	v9 =	vand.u32 $0x7, v10;
	v10 =	vadd.s32 v15, v12  }
0x2f7: {  	s23 =	simm.s32 $0x20;
	s0 =	sand.u32 $0xE, s22;
	v12 =	vld.idx.msk [tilespmem:v8+s12+$0x10 ss:$0x1], $0xffff;
	v9 =	vor.u32 v9, v10  }
0x2f8: {  	s24 =	simm.s32 $0x0;
	s11 =	sand.u32 $0x3FFFFF80, s23;
	s25 =	sor.u32 $0x1, s0  }
0x2f9: {  	v17 =	vmov s25;
	v10 =	vld.idx.msk [tilespmem:v8+s11+$0x0 ss:$0x1], $0xffff;
	[tilespmem:s29+$0xFFFFFFB0] =	vst v11;
	v11 =	vmov s24  }
0x2fa: {  	v17 =	vmul.u32 $0xBB8, v17;
	v20 =	vld.idx.msk [tilespmem:v8+s12+$0x30 ss:$0x1], $0xffff;
	v11 =	vmul.u32 $0x3E8, v11  }
0x2fb: {  	v21 =	vmov s1  }
0x2fc: {  	v21 =	vmul.u32 $0xBB8, v21;
	v22 =	vand.u32 $0xFFFFFFF8, v12;
	v23 =	vld.idx.msk [tilespmem:v9+s14+$0x0], $0xffff;
	v9 =	vadd.s32 v11, v17  }
0x2fd: {  	v12 =	vand.u32 $0x7, v12;
	v22 =	vadd.s32 v16, v22;
	v17 =	vbroadcast v9, $0x0  }
0x2fe: {  	v12 =	vor.u32 v12, v22;
	v9 =	vadd.s32 v18, v21;
	v18 =	vand.u32 $0xFFFFFFF8, v10  }
0x2ff: {  	v22 =	vand.u32 $0x7, v10;
	v21 =	vand.u32 $0xFFFFFFF8, v20;
	v10 =	vadd.s32 v17, v18  }
0x300: {  	v20 =	vand.u32 $0x7, v20;
	v21 =	vadd.s32 v14, v21;
	v10 =	vor.u32 v22, v10  }
0x301: {  	v9 =	vbroadcast v9, $0x0;
	[tilespmem:s30+$0xFFFFFFA0] =	vst v23;
	v20 =	vor.u32 v20, v21  }
0x302: {  	v21 =	vld.idx.msk [tilespmem:v8+s5+$0x20 ss:$0x1], $0xffff  }
0x303: {  	v19 =	vadd.s32 v9, v19  }
0x304: {  	v12 =	vld.idx.msk [tilespmem:v12+s14+$0x0], $0xffff;
	v13 =	vor.u32 v13, v19  }
0x305: {  	v10 =	vld.idx.msk [tilespmem:v10+s14+$0x0], $0xffff  }
0x306: {  	v19 =	vld.idx.msk [tilespmem:v20+s14+$0x0], $0xffff  }
0x307: {  	v20 =	vand.u32 $0xFFFFFFF8, v21  }
0x308: {  	v21 =	vand.u32 $0x7, v21;
	v20 =	vadd.s32 v15, v20  }
0x309: {  	s31 =	simm.s32 $0x1BA70;
	[tilespmem:s29+$0xFFFFFF20] =	vst v12;
	v12 =	vld.idx.msk [tilespmem:v13+s14+$0x0], $0xffff;
	v13 =	vor.u32 v21, v20  }
0x30a: {  	v20 =	vld.idx.msk [tilespmem:v8+s12+$0x20 ss:$0x1], $0xffff;
	[tilespmem:s31+$0xFFFFFF90] =	vst v10  }
0x30b: {  	[tilespmem:s29+$0xFFFFFFC0] =	vst v19;
	v19 =	vld.idx.msk [tilespmem:v8+s11+$0x10 ss:$0x1], $0xffff  }
0x30c: {  	v10 =	vmov s0;
	v21 =	vld.idx.msk [tilespmem:v8+s12+$0x40 ss:$0x1], $0xffff  }
0x30d: {  	v10 =	vmul.u32 $0xBB8, v10  }
0x30e: {  	[tilespmem:s30+$0xFFFFFF10] =	vst v12;
	v12 =	vld.idx.msk [tilespmem:v13+s14+$0x0], $0xffff  }
0x30f: {  	v13 =	vld.idx.msk [tilespmem:v8+s5+$0x10 ss:$0x1], $0xffff;
	v23 =	vand.u32 $0xFFFFFFF8, v20;
	v10 =	vadd.s32 v11, v10  }
0x310: {  	s6 =	simm.s32 $0x6;
	v11 =	vand.u32 $0x7, v20;
	v10 =	vbroadcast v10, $0x0;
	v20 =	vand.u32 $0xFFFFFFF8, v19  }
0x311: {  	s9 =	sand.u32 $0xE, s6;
	v19 =	vand.u32 $0x7, v19;
	v24 =	vand.u32 $0xFFFFFFF8, v21;
	v20 =	vadd.s32 v17, v20  }
0x312: {  	s13 =	sor.u32 $0x1, s9;
	v21 =	vand.u32 $0x7, v21;
	v24 =	vadd.s32 v14, v24;
	v19 =	vor.u32 v19, v20  }
0x313: {  	s7 =	simm.s32 $0x30;
	v25 =	vmov s13;
	v18 =	vadd.s32 v10, v18;
	[tilespmem:s30+$0xFFFFFFB0] =	vst v12;
	v21 =	vor.u32 v21, v24  }
0x314: {  	s10 =	simm.s32 $0x0;
	s0 =	sand.u32 $0x3FFFFF80, s7;
	v18 =	vor.u32 v22, v18;
	v20 =	vadd.s32 v16, v23;
	v12 =	vand.u32 $0xFFFFFFF8, v13;
	v22 =	vld.idx.msk [tilespmem:v8+s5+$0x30 ss:$0x1], $0xffff  }
0x315: {  	v13 =	vand.u32 $0x7, v13;
	v23 =	vld.idx.msk [tilespmem:v8+s0+$0x0 ss:$0x1], $0xffff;
	v12 =	vadd.s32 v9, v12;
	v24 =	vmov s10  }
0x316: {  	v12 =	vor.u32 v13, v12;
	v13 =	vmul.u32 $0x3E8, v24;
	v24 =	vmul.u32 $0xBB8, v25  }
0x317: {  	v11 =	vor.u32 v11, v20;
	v20 =	vld.idx.msk [tilespmem:v19+s14+$0x0], $0xffff  }
0x318: {  	v19 =	vadd.s32 v13, v24;
	v21 =	vld.idx.msk [tilespmem:v21+s14+$0x0], $0xffff  }
0x319: {  	v18 =	vld.idx.msk [tilespmem:v18+s14+$0x0], $0xffff;
	v24 =	vmov s9;
	v19 =	vbroadcast v19, $0x0;
	v25 =	vand.u32 $0xFFFFFFF8, v22  }
0x31a: {  	v26 =	vand.u32 $0xFFFFFFF8, v23;
	v22 =	vand.u32 $0x7, v22;
	v25 =	vadd.s32 v15, v25  }
0x31b: {  	v23 =	vand.u32 $0x7, v23;
	v12 =	vld.idx.msk [tilespmem:v12+s14+$0x0], $0xffff;
	v27 =	vadd.s32 v19, v26;
	v22 =	vor.u32 v22, v25  }
0x31c: {  	v25 =	vld.idx.msk [tilespmem:v11+s14+$0x0], $0xffff;
	v11 =	vmul.u32 $0xBB8, v24;
	v24 =	vor.u32 v23, v27;
	[tilespmem:s31+$0xFFFFFFA0] =	vst v20  }
0x31d: {  	[tilespmem:s29+$0xFFFFFFD0] =	vst v21;
	v20 =	vld.idx.msk [tilespmem:v8+s11+$0x20 ss:$0x1], $0xffff  }
0x31e: {  	[tilespmem:s31+$0xFFFFFF10] =	vst v18;
	v11 =	vadd.s32 v13, v11;
	v13 =	vld.idx.msk [tilespmem:v8+s12+$0x50 ss:$0x1], $0xffff  }
0x31f: {  	v18 =	vld.idx.msk [tilespmem:v8+s11+$0x10 ss:$0x1], $0xffff;
	v11 =	vbroadcast v11, $0x0  }
0x320: {  	v21 =	vld.idx.msk [tilespmem:v22+s14+$0x0], $0xffff  }
0x321: {  	v22 =	vadd.s32 v11, v26;
	v24 =	vld.idx.msk [tilespmem:v24+s14+$0x0], $0xffff  }
0x322: {  	v22 =	vor.u32 v23, v22;
	v23 =	vand.u32 $0xFFFFFFF8, v20  }
0x323: {  	[tilespmem:s30+$0xFFFFFF20] =	vst v12;
	v20 =	vand.u32 $0x7, v20;
	v12 =	vand.u32 $0xFFFFFFF8, v13;
	v23 =	vadd.s32 v17, v23  }
0x324: {  	[tilespmem:s29+$0xFFFFFF30] =	vst v25;
	v25 =	vld.idx.msk [tilespmem:v8+s5+$0x20 ss:$0x1], $0xffff;
	v13 =	vand.u32 $0x7, v13;
	v12 =	vadd.s32 v14, v12;
	v20 =	vor.u32 v20, v23  }
0x325: {  	s1 =	simm.s32 $0x1BB70;
	v23 =	vld.idx.msk [tilespmem:v8+s12+$0x30 ss:$0x1], $0xffff;
	[tilespmem:s30+$0xFFFFFFC0] =	vst v21;
	v12 =	vor.u32 v13, v12  }
0x326: {  	v13 =	vand.u32 $0xFFFFFFF8, v18;
	[tilespmem:s1+$0xFFFFFF90] =	vst v24;
	v21 =	vld.idx.msk [tilespmem:v8+s5+$0x40 ss:$0x1], $0xffff  }
0x327: {  	v18 =	vand.u32 $0x7, v18;
	v13 =	vadd.s32 v10, v13;
	v24 =	vld.idx.msk [tilespmem:v8+s0+$0x10 ss:$0x1], $0xffff  }
0x328: {  	v13 =	vor.u32 v18, v13;
	v18 =	vld.idx.msk [tilespmem:v22+s14+$0x0], $0xffff  }
0x329: {  	v22 =	vand.u32 $0xFFFFFFF8, v25;
	v20 =	vld.idx.msk [tilespmem:v20+s14+$0x0], $0xffff  }
0x32a: {  	v25 =	vand.u32 $0x7, v25;
	v22 =	vadd.s32 v9, v22;
	v12 =	vld.idx.msk [tilespmem:v12+s14+$0x0], $0xffff  }
0x32b: {  	v22 =	vor.u32 v25, v22;
	v26 =	vand.u32 $0xFFFFFFF8, v21  }
0x32c: {  	v21 =	vand.u32 $0x7, v21;
	v27 =	vand.u32 $0xFFFFFFF8, v24;
	v26 =	vadd.s32 v15, v26  }
0x32d: {  	v13 =	vld.idx.msk [tilespmem:v13+s14+$0x0], $0xffff;
	[tilespmem:s1+$0xFFFFFF10] =	vst v18;
	v18 =	vand.u32 $0x7, v24;
	v24 =	vadd.s32 v19, v27;
	v21 =	vor.u32 v21, v26  }
0x32e: {  	s17 =	simm.s32 $0x8;
	v26 =	vld.idx.msk [tilespmem:v8+s0+$0x10 ss:$0x1], $0xffff;
	v18 =	vor.u32 v18, v24;
	[tilespmem:s31+$0xFFFFFFB0] =	vst v20  }
0x32f: {  	s2 =	sand.u32 $0xE, s17;
	s18 =	simm.s32 $0x40;
	v20 =	vand.u32 $0xFFFFFFF8, v23;
	[tilespmem:s29+$0xFFFFFFE0] =	vst v12;
	v12 =	vld.idx.msk [tilespmem:v8+s11+$0x30 ss:$0x1], $0xffff  }
0x330: {  	s20 =	sor.u32 $0x1, s2;
	s19 =	simm.s32 $0x0;
	s6 =	sand.u32 $0x3FFFFF80, s18;
	v23 =	vand.u32 $0x7, v23;
	v22 =	vld.idx.msk [tilespmem:v22+s14+$0x0], $0xffff;
	v20 =	vadd.s32 v16, v20  }
0x331: {  	v25 =	vmov s19;
	v27 =	vmov s20;
	v20 =	vor.u32 v23, v20;
	v23 =	vld.idx.msk [tilespmem:v8+s6+$0x0 ss:$0x1], $0xffff  }
0x332: {  	v25 =	vmul.u32 $0x3E8, v25;
	v28 =	vld.idx.msk [tilespmem:v21+s14+$0x0], $0xffff;
	v21 =	vmul.u32 $0xBB8, v27  }
0x333: {  	v18 =	vld.idx.msk [tilespmem:v18+s14+$0x0], $0xffff  }
0x334: {  	v24 =	vld.idx.msk [tilespmem:v8+s12+$0x60 ss:$0x1], $0xffff;
	v27 =	vmov s2;
	v21 =	vadd.s32 v25, v21;
	v29 =	vand.u32 $0xFFFFFFF8, v12  }
0x335: {  	[tilespmem:s31+$0xFFFFFF20] =	vst v13;
	v21 =	vbroadcast v21, $0x0;
	v12 =	vand.u32 $0x7, v12;
	v29 =	vadd.s32 v17, v29  }
0x336: {  	v13 =	vand.u32 $0xFFFFFFF8, v26;
	v31 =	vld.idx.msk [tilespmem:v8+s11+$0x20 ss:$0x1], $0xffff;
	v30 =	vand.u32 $0xFFFFFFF8, v23;
	v29 =	vor.u32 v12, v29  }
0x337: {  	v20 =	vld.idx.msk [tilespmem:v20+s14+$0x0], $0xffff;
	v23 =	vand.u32 $0x7, v23;
	v12 =	vmul.u32 $0xBB8, v27;
	v27 =	vadd.s32 v21, v30;
	[tilespmem:s30+$0xFFFFFFD0] =	vst v28  }
0x338: {  	v26 =	vand.u32 $0x7, v26;
	v13 =	vadd.s32 v11, v13;
	v27 =	vor.u32 v23, v27;
	[tilespmem:s1+$0xFFFFFFA0] =	vst v18;
	v18 =	vld.idx.msk [tilespmem:v8+s5+$0x50 ss:$0x1], $0xffff  }
0x339: {  	[tilespmem:s30+$0xFFFFFF30] =	vst v22;
	v13 =	vor.u32 v26, v13;
	v28 =	vand.u32 $0xFFFFFFF8, v24;
	v12 =	vadd.s32 v25, v12;
	v25 =	vld.idx.msk [tilespmem:v8+s0+$0x20 ss:$0x1], $0xffff  }
0x33a: {  	v22 =	vand.u32 $0x7, v24;
	v24 =	vadd.s32 v14, v28;
	v28 =	vld.idx.msk [tilespmem:v8+s5+$0x30 ss:$0x1], $0xffff;
	v12 =	vbroadcast v12, $0x0  }
0x33b: {  	v22 =	vor.u32 v22, v24;
	v24 =	vld.idx.msk [tilespmem:v29+s14+$0x0], $0xffff  }
0x33c: {  	v26 =	vand.u32 $0xFFFFFFF8, v31;
	v29 =	vadd.s32 v12, v30  }
0x33d: {  	[tilespmem:s29+$0xFFFFFF40] =	vst v20;
	v20 =	vand.u32 $0x7, v31;
	v23 =	vor.u32 v23, v29;
	v27 =	vld.idx.msk [tilespmem:v27+s14+$0x0], $0xffff;
	v29 =	vand.u32 $0xFFFFFFF8, v18  }
0x33e: {  	v13 =	vld.idx.msk [tilespmem:v13+s14+$0x0], $0xffff;
	v18 =	vand.u32 $0x7, v18;
	v31 =	vand.u32 $0xFFFFFFF8, v25;
	v29 =	vadd.s32 v15, v29  }
0x33f: {  	v30 =	vld.idx.msk [tilespmem:v8+s12+$0x40 ss:$0x1], $0xffff;
	v25 =	vand.u32 $0x7, v25;
	v31 =	vadd.s32 v19, v31;
	v18 =	vor.u32 v18, v29  }
0x340: {  	v26 =	vadd.s32 v10, v26;
	v22 =	vld.idx.msk [tilespmem:v22+s14+$0x0], $0xffff;
	v29 =	vand.u32 $0xFFFFFFF8, v28;
	v25 =	vor.u32 v25, v31;
	[tilespmem:s31+$0xFFFFFFC0] =	vst v24  }
0x341: {  	s13 =	simm.s32 $0x1BC70;
	v20 =	vor.u32 v20, v26;
	v26 =	vadd.s32 v9, v29;
	v24 =	vand.u32 $0x7, v28;
	v28 =	vld.idx.msk [tilespmem:v8+s11+$0x40 ss:$0x1], $0xffff  }
0x342: {  	v24 =	vor.u32 v24, v26;
	v23 =	vld.idx.msk [tilespmem:v23+s14+$0x0], $0xffff;
	[tilespmem:s13+$0xFFFFFF90] =	vst v27  }
0x343: {  	v26 =	vld.idx.msk [tilespmem:v8+s6+$0x10 ss:$0x1], $0xffff  }
0x344: {  	v18 =	vld.idx.msk [tilespmem:v18+s14+$0x0], $0xffff  }
0x345: {  	v25 =	vld.idx.msk [tilespmem:v25+s14+$0x0], $0xffff  }
0x346: {  	[tilespmem:s1+$0xFFFFFF20] =	vst v13;
	v20 =	vld.idx.msk [tilespmem:v20+s14+$0x0], $0xffff;
	v27 =	vand.u32 $0xFFFFFFF8, v28  }
0x347: {  	v24 =	vld.idx.msk [tilespmem:v24+s14+$0x0], $0xffff;
	v13 =	vand.u32 $0x7, v28;
	[tilespmem:s13+$0xFFFFFF10] =	vst v23;
	v27 =	vadd.s32 v17, v27  }
0x348: {  	v23 =	vand.u32 $0xFFFFFFF8, v26;
	v29 =	vld.idx.msk [tilespmem:v8+s6+$0x10 ss:$0x1], $0xffff;
	v13 =	vor.u32 v13, v27  }
0x349: {  	s22 =	simm.s32 $0xA;
	v28 =	vld.idx.msk [tilespmem:v8+s0+$0x20 ss:$0x1], $0xffff;
	v26 =	vand.u32 $0x7, v26;
	v23 =	vadd.s32 v21, v23;
	[tilespmem:s30+$0xFFFFFFE0] =	vst v18  }
0x34a: {  	s23 =	simm.s32 $0x50;
	s2 =	sand.u32 $0xE, s22;
	v27 =	vand.u32 $0xFFFFFFF8, v30;
	v23 =	vor.u32 v26, v23;
	[tilespmem:s1+$0xFFFFFFB0] =	vst v25;
	v25 =	vld.idx.msk [tilespmem:v8+s5+$0x60 ss:$0x1], $0xffff  }
0x34b: {  	s24 =	simm.s32 $0x0;
	s9 =	sand.u32 $0x3FFFFF80, s23;
	s25 =	sor.u32 $0x1, s2;
	v33 =	vmov s2;
	v18 =	vadd.s32 v16, v27;
	v27 =	vand.u32 $0x7, v30;
	v26 =	vld.idx.msk [tilespmem:v8+s0+$0x30 ss:$0x1], $0xffff  }
0x34c: {  	v31 =	vmov s25;
	v30 =	vmov s24;
	v18 =	vor.u32 v27, v18;
	v27 =	vld.idx.msk [tilespmem:v8+s9+$0x0 ss:$0x1], $0xffff  }
0x34d: {  	v31 =	vmul.u32 $0xBB8, v31;
	[tilespmem:s31+$0xFFFFFF30] =	vst v20;
	v30 =	vmul.u32 $0x3E8, v30;
	v34 =	vand.u32 $0xFFFFFFF8, v29;
	v13 =	vld.idx.msk [tilespmem:v13+s14+$0x0], $0xffff  }
0x34e: {  	s17 =	simm.s32 $0x60;
	[tilespmem:s29+$0xFFFFFFF0] =	vst v22;
	v22 =	vmul.u32 $0xBB8, v33;
	v36 =	vld.idx.msk [tilespmem:v8+s11+$0x30 ss:$0x1], $0xffff;
	v29 =	vand.u32 $0x7, v29;
	v34 =	vadd.s32 v12, v34  }
0x34f: {  	s24 =	sand.u32 $0x3FFFFF80, s17;
	v48 =	vld.idx.msk [tilespmem:v23+s14+$0x0], $0xffff;
	v35 =	vand.u32 $0xFFFFFFF8, v25;
	v23 =	vadd.s32 v30, v31;
	v29 =	vor.u32 v29, v34  }
0x350: {  	v58 =	vld.idx.msk [tilespmem:v8+s24+$0x0 ss:$0x1], $0xffff;
	[tilespmem:s30+$0xFFFFFF40] =	vst v24;
	v20 =	vand.u32 $0x7, v25;
	v23 =	vbroadcast v23, $0x0;
	v25 =	vand.u32 $0xFFFFFFF8, v26  }
0x351: {  	v49 =	vld.idx.msk [tilespmem:v8+s5+$0x40 ss:$0x1], $0xffff;
	v24 =	vand.u32 $0xFFFFFFF8, v27;
	v26 =	vand.u32 $0x7, v26;
	v25 =	vadd.s32 v19, v25  }
0x352: {  	v18 =	vld.idx.msk [tilespmem:v18+s14+$0x0], $0xffff;
	v27 =	vand.u32 $0x7, v27;
	v37 =	vadd.s32 v23, v24;
	v25 =	vor.u32 v26, v25;
	[tilespmem:s31+$0xFFFFFFD0] =	vst v13  }
0x353: {  	v22 =	vadd.s32 v30, v22;
	v13 =	vadd.s32 v15, v35;
	v26 =	vor.u32 v27, v37;
	v30 =	vld.idx.msk [tilespmem:v8+s11+$0x50 ss:$0x1], $0xffff  }
0x354: {  	v20 =	vor.u32 v20, v13;
	[tilespmem:s13+$0xFFFFFFA0] =	vst v48;
	v13 =	vbroadcast v22, $0x0;
	v29 =	vld.idx.msk [tilespmem:v29+s14+$0x0], $0xffff  }
0x355: {  	v50 =	vld.idx.msk [tilespmem:v8+s6+$0x20 ss:$0x1], $0xffff  }
0x356: {  	v31 =	vld.idx.msk [tilespmem:v8+s12+$0x70 ss:$0x1], $0xffff;
	v24 =	vadd.s32 v13, v24  }
0x357: {  	v32 =	vand.u32 $0xFFFFFFF8, v28;
	v24 =	vor.u32 v27, v24;
	v25 =	vld.idx.msk [tilespmem:v25+s14+$0x0], $0xffff  }
0x358: {  	v22 =	vand.u32 $0x7, v28;
	v28 =	vadd.s32 v11, v32;
	[tilespmem:s29+$0xFFFFFF50] =	vst v18;
	v26 =	vld.idx.msk [tilespmem:v26+s14+$0x0], $0xffff;
	v27 =	vand.u32 $0xFFFFFFF8, v30  }
0x359: {  	v22 =	vor.u32 v22, v28;
	v18 =	vld.idx.msk [tilespmem:v8+s12+$0x50 ss:$0x1], $0xffff;
	v28 =	vand.u32 $0x7, v30;
	v27 =	vadd.s32 v17, v27  }
0x35a: {  	v20 =	vld.idx.msk [tilespmem:v20+s14+$0x0], $0xffff;
	[tilespmem:s13+$0xFFFFFF20] =	vst v29;
	v30 =	vand.u32 $0xFFFFFFF8, v50;
	v27 =	vor.u32 v28, v27  }
0x35b: {  	v55 =	vld.idx.msk [tilespmem:v8+s6+$0x20 ss:$0x1], $0xffff;
	v28 =	vand.u32 $0x7, v50;
	v30 =	vadd.s32 v21, v30  }
0x35c: {  	s7 =	simm.s32 $0x1BD70;
	v51 =	vand.u32 $0xFFFFFFF8, v36;
	v28 =	vor.u32 v28, v30;
	v24 =	vld.idx.msk [tilespmem:v24+s14+$0x0], $0xffff;
	[tilespmem:s1+$0xFFFFFFC0] =	vst v25  }
0x35d: {  	v25 =	vand.u32 $0x7, v36;
	v30 =	vadd.s32 v10, v51;
	[tilespmem:s7+$0xFFFFFF90] =	vst v26;
	v26 =	vld.idx.msk [tilespmem:v8+s0+$0x40 ss:$0x1], $0xffff  }
0x35e: {  	s10 =	simm.s32 $0xC;
	v25 =	vor.u32 v25, v30;
	v30 =	vld.idx.msk [tilespmem:v8+s9+$0x10 ss:$0x1], $0xffff  }
0x35f: {  	s18 =	simm.s32 $0x0;
	s2 =	sand.u32 $0xE, s10;
	v52 =	vand.u32 $0xFFFFFFF8, v49;
	[tilespmem:s30+$0xFFFFFFF0] =	vst v20;
	v20 =	vld.idx.msk [tilespmem:v27+s14+$0x0], $0xffff  }
0x360: {  	v59 =	vmov s18;
	s19 =	sor.u32 $0x1, s2;
	v53 =	vand.u32 $0x7, v49;
	v54 =	vld.idx.msk [tilespmem:v8+s5+$0x70 ss:$0x1], $0xffff;
	v27 =	vadd.s32 v9, v52  }
0x361: {  	v60 =	vmov s19;
	v33 =	vmul.u32 $0x3E8, v59;
	v27 =	vor.u32 v53, v27;
	v28 =	vld.idx.msk [tilespmem:v28+s14+$0x0], $0xffff  }
0x362: {  	v32 =	vand.u32 $0x7, v58;
	v29 =	vand.u32 $0xFFFFFFF8, v31;
	v22 =	vld.idx.msk [tilespmem:v22+s14+$0x0], $0xffff;
	v56 =	vand.u32 $0xFFFFFFF8, v26  }
0x363: {  	[tilespmem:s7+$0xFFFFFF10] =	vst v24;
	v25 =	vld.idx.msk [tilespmem:v25+s14+$0x0], $0xffff;
	v26 =	vand.u32 $0x7, v26;
	v24 =	vand.u32 $0xFFFFFFF8, v30;
	v34 =	vadd.s32 v19, v56  }
0x364: {  	v57 =	vld.idx.msk [tilespmem:v8+s9+$0x10 ss:$0x1], $0xffff;
	v30 =	vand.u32 $0x7, v30;
	v24 =	vadd.s32 v23, v24;
	v26 =	vor.u32 v26, v34;
	[tilespmem:s31+$0xFFFFFFE0] =	vst v20  }
0x365: {  	v31 =	vand.u32 $0x7, v31;
	v14 =	vadd.s32 v14, v29;
	v24 =	vor.u32 v30, v24;
	v29 =	vld.idx.msk [tilespmem:v8+s11+$0x60 ss:$0x1], $0xffff  }
0x366: {  	v14 =	vor.u32 v31, v14;
	v31 =	vand.u32 $0x7, v55;
	v20 =	vand.u32 $0xFFFFFFF8, v54;
	v27 =	vld.idx.msk [tilespmem:v27+s14+$0x0], $0xffff;
	[tilespmem:s13+$0xFFFFFFB0] =	vst v28  }
0x367: {  	[tilespmem:s1+$0xFFFFFF30] =	vst v22;
	v34 =	vmul.u32 $0xBB8, v60;
	v30 =	vand.u32 $0x7, v54;
	v15 =	vadd.s32 v15, v20;
	v20 =	vld.idx.msk [tilespmem:v8+s6+$0x30 ss:$0x1], $0xffff  }
0x368: {  	v63 =	vld.idx.msk [tilespmem:v8+s0+$0x30 ss:$0x1], $0xffff;
	v28 =	vor.u32 v30, v15;
	v30 =	vand.u32 $0xFFFFFFF8, v55;
	v15 =	vmov s2  }
0x369: {  	v61 =	vand.u32 $0xFFFFFFF8, v57;
	v62 =	vmul.u32 $0xBB8, v15;
	v30 =	vadd.s32 v12, v30;
	v26 =	vld.idx.msk [tilespmem:v26+s14+$0x0], $0xffff  }
0x36a: {  	v36 =	vadd.s32 v13, v61;
	v30 =	vor.u32 v31, v30;
	v38 =	vld.idx.msk [tilespmem:v24+s14+$0x0], $0xffff;
	v15 =	vand.u32 $0xFFFFFFF8, v29  }
0x36b: {  	s22 =	simm.s32 $0x70;
	[tilespmem:s31+$0xFFFFFF40] =	vst v25;
	v24 =	vld.idx.msk [tilespmem:v14+s14+$0x0], $0xffff;
	v14 =	vadd.s32 v33, v34;
	v22 =	vand.u32 $0x7, v29;
	v29 =	vadd.s32 v17, v15  }
0x36c: {  	s25 =	sand.u32 $0x3FFFFF80, s22;
	[tilespmem:s30+$0xFFFFFF50] =	vst v27;
	v27 =	vld.idx.msk [tilespmem:v8+s11+$0x40 ss:$0x1], $0xffff;
	v15 =	vbroadcast v14, $0x0;
	v14 =	vand.u32 $0xFFFFFFF8, v20;
	v25 =	vand.u32 $0x7, v20  }
0x36d: {  	v60 =	vld.idx.msk [tilespmem:v8+s25+$0x0 ss:$0x1], $0xffff;
	v22 =	vor.u32 v22, v29;
	v29 =	vand.u32 $0xFFFFFFF8, v58;
	v14 =	vadd.s32 v21, v14  }
0x36e: {  	v20 =	vld.idx.msk [tilespmem:v8+s5+$0x50 ss:$0x1], $0xffff;
	v40 =	vor.u32 v25, v14;
	v14 =	vand.u32 $0x7, v57;
	v25 =	vadd.s32 v33, v62  }
0x36f: {  	v39 =	vadd.s32 v15, v29;
	[tilespmem:s1+$0xFFFFFFD0] =	vst v26;
	v30 =	vld.idx.msk [tilespmem:v30+s14+$0x0], $0xffff;
	v35 =	vor.u32 v14, v36;
	v14 =	vbroadcast v25, $0x0  }
0x370: {  	v26 =	vor.u32 v32, v39;
	v41 =	vld.idx.msk [tilespmem:v8+s0+$0x50 ss:$0x1], $0xffff  }
0x371: {  	[tilespmem:s7+$0xFFFFFFA0] =	vst v38;
	v25 =	vld.idx.msk [tilespmem:v28+s14+$0x0], $0xffff;
	v49 =	vand.u32 $0xFFFFFFF8, v27;
	v28 =	vadd.s32 v14, v29  }
0x372: {  	v42 =	vld.idx.msk [tilespmem:v8+s9+$0x20 ss:$0x1], $0xffff;
	v27 =	vand.u32 $0x7, v27;
	v50 =	vadd.s32 v10, v49;
	v28 =	vor.u32 v32, v28  }
0x373: {  	v22 =	vld.idx.msk [tilespmem:v22+s14+$0x0], $0xffff;
	v27 =	vor.u32 v27, v50  }
0x374: {  	v29 =	vld.idx.msk [tilespmem:v40+s14+$0x0], $0xffff  }
0x375: {  	v26 =	vld.idx.msk [tilespmem:v26+s14+$0x0], $0xffff  }
0x376: {  	v31 =	vand.u32 $0xFFFFFFF8, v41;
	v43 =	vld.idx.msk [tilespmem:v35+s14+$0x0], $0xffff  }
0x377: {  	v33 =	vand.u32 $0x7, v41;
	v44 =	vand.u32 $0xFFFFFFF8, v42;
	v31 =	vadd.s32 v19, v31;
	v28 =	vld.idx.msk [tilespmem:v28+s14+$0x0], $0xffff  }
0x378: {  	v36 =	vand.u32 $0x7, v42;
	v35 =	vadd.s32 v23, v44;
	v31 =	vor.u32 v33, v31;
	[tilespmem:s31+$0xFFFFFFF0] =	vst v22;
	v27 =	vld.idx.msk [tilespmem:v27+s14+$0x0], $0xffff  }
0x379: {  	s3 =	simm.s32 $0x1BE70;
	v22 =	vor.u32 v36, v35;
	v45 =	vld.idx.msk [tilespmem:v8+s11+$0x70 ss:$0x1], $0xffff;
	[tilespmem:s13+$0xFFFFFFC0] =	vst v29  }
0x37a: {  	v29 =	vand.u32 $0xFFFFFFF8, v18;
	[tilespmem:s3+$0xFFFFFF90] =	vst v26;
	v26 =	vld.idx.msk [tilespmem:v8+s6+$0x40 ss:$0x1], $0xffff  }
0x37b: {  	v18 =	vand.u32 $0x7, v18;
	v29 =	vadd.s32 v16, v29;
	[tilespmem:s7+$0xFFFFFF20] =	vst v43;
	v47 =	vld.idx.msk [tilespmem:v8+s24+$0x10 ss:$0x1], $0xffff  }
0x37c: {  	s20 =	simm.s32 $0xE;
	v46 =	vand.u32 $0xFFFFFFF8, v63;
	[tilespmem:s13+$0xFFFFFF30] =	vst v30;
	v18 =	vor.u32 v18, v29;
	v30 =	vld.idx.msk [tilespmem:v8+s9+$0x20 ss:$0x1], $0xffff  }
0x37d: {  	s23 =	simm.s32 $0x0;
	v48 =	vadd.s32 v11, v46;
	s2 =	sand.u32 $0xE, s20;
	v29 =	vand.u32 $0x7, v63;
	v31 =	vld.idx.msk [tilespmem:v31+s14+$0x0], $0xffff  }
0x37e: {  	v61 =	vmov s23;
	v58 =	vmov s2;
	s2 =	sor.u32 $0x1, s2;
	v29 =	vor.u32 v29, v48;
	v22 =	vld.idx.msk [tilespmem:v22+s14+$0x0], $0xffff  }
0x37f: {  	v62 =	vmov s2;
	v39 =	vmul.u32 $0x3E8, v61;
	[tilespmem:s3+$0xFFFFFF10] =	vst v28;
	v28 =	vld.idx.msk [tilespmem:v8+s6+$0x30 ss:$0x1], $0xffff;
	v53 =	vand.u32 $0xFFFFFFF8, v26  }
0x380: {  	v51 =	vand.u32 $0xFFFFFFF8, v45;
	v52 =	vld.idx.msk [tilespmem:v8+s24+$0x10 ss:$0x1], $0xffff;
	v26 =	vand.u32 $0x7, v26;
	v34 =	vadd.s32 v21, v53  }
0x381: {  	[tilespmem:s31+$0xFFFFFF50] =	vst v27;
	v33 =	vand.u32 $0x7, v45;
	v54 =	vld.idx.msk [tilespmem:v18+s14+$0x0], $0xffff;
	v18 =	vand.u32 $0xFFFFFFF8, v47;
	v26 =	vor.u32 v26, v34  }
0x382: {  	v63 =	vld.idx.msk [tilespmem:v8+s11+$0x50 ss:$0x1], $0xffff;
	v17 =	vadd.s32 v17, v51;
	v36 =	vand.u32 $0x7, v47;
	v18 =	vadd.s32 v15, v18  }
0x383: {  	v17 =	vor.u32 v33, v17;
	v55 =	vand.u32 $0xFFFFFFF8, v30;
	v29 =	vld.idx.msk [tilespmem:v29+s14+$0x0], $0xffff;
	[tilespmem:s1+$0xFFFFFFE0] =	vst v31;
	v18 =	vor.u32 v36, v18  }
0x384: {  	v31 =	vld.idx.msk [tilespmem:v8+s0+$0x60 ss:$0x1], $0xffff;
	[tilespmem:s7+$0xFFFFFFB0] =	vst v22;
	v22 =	vand.u32 $0x7, v30;
	v30 =	vadd.s32 v13, v55;
	v56 =	vand.u32 $0xFFFFFFF8, v28  }
0x385: {  	v28 =	vand.u32 $0x7, v28;
	v57 =	vld.idx.msk [tilespmem:v8+s9+$0x30 ss:$0x1], $0xffff;
	v59 =	vand.u32 $0xFFFFFFF8, v52;
	v22 =	vor.u32 v22, v30  }
0x386: {  	v32 =	vand.u32 $0x7, v52;
	v33 =	vadd.s32 v12, v56;
	v56 =	vand.u32 $0xFFFFFFF8, v20;
	[tilespmem:s29+$0xFFFFFF60] =	vst v54;
	v41 =	vld.idx.msk [tilespmem:v26+s14+$0x0], $0xffff  }
0x387: {  	v20 =	vand.u32 $0x7, v20;
	v37 =	vadd.s32 v14, v59;
	v28 =	vor.u32 v28, v33;
	v35 =	vld.idx.msk [tilespmem:v8+s12+$0x60 ss:$0x1], $0xffff  }
0x388: {  	v33 =	vadd.s32 v9, v56;
	v32 =	vor.u32 v32, v37;
	v26 =	vmul.u32 $0xBB8, v62;
	[tilespmem:s1+$0xFFFFFF40] =	vst v29;
	v29 =	vld.idx.msk [tilespmem:v18+s14+$0x0], $0xffff  }
0x389: {  	v36 =	vmul.u32 $0xBB8, v58;
	v20 =	vor.u32 v20, v33;
	v27 =	vld.idx.msk [tilespmem:v8+s0+$0x40 ss:$0x1], $0xffff  }
0x38a: {  	v18 =	vand.u32 $0xFFFFFFF8, v31;
	v30 =	vand.u32 $0x7, v31;
	v26 =	vadd.s32 v39, v26;
	v22 =	vld.idx.msk [tilespmem:v22+s14+$0x0], $0xffff  }
0x38b: {  	v31 =	vadd.s32 v19, v18;
	v44 =	vand.u32 $0xFFFFFFF8, v57;
	v18 =	vbroadcast v26, $0x0;
	v26 =	vld.idx.msk [tilespmem:v17+s14+$0x0], $0xffff  }
0x38c: {  	v30 =	vor.u32 v30, v31;
	v17 =	vand.u32 $0x7, v57;
	v45 =	vadd.s32 v23, v44;
	v28 =	vld.idx.msk [tilespmem:v28+s14+$0x0], $0xffff  }
0x38d: {  	v31 =	vand.u32 $0xFFFFFFF8, v60;
	v34 =	vor.u32 v17, v45;
	v32 =	vld.idx.msk [tilespmem:v32+s14+$0x0], $0xffff  }
0x38e: {  	v38 =	vand.u32 $0x7, v60;
	v17 =	vadd.s32 v39, v36;
	v20 =	vld.idx.msk [tilespmem:v20+s14+$0x0], $0xffff;
	v46 =	vadd.s32 v18, v31;
	[tilespmem:s13+$0xFFFFFFD0] =	vst v41  }
0x38f: {  	v17 =	vbroadcast v17, $0x0;
	v60 =	vand.u32 $0xFFFFFFF8, v35;
	v47 =	vor.u32 v38, v46;
	[tilespmem:s3+$0xFFFFFFA0] =	vst v29;
	v29 =	vld.idx.msk [tilespmem:v8+s6+$0x50 ss:$0x1], $0xffff  }
0x390: {  	v61 =	vand.u32 $0x7, v63;
	v35 =	vand.u32 $0x7, v35;
	v62 =	vadd.s32 v16, v60;
	v49 =	vld.idx.msk [tilespmem:v8+s24+$0x20 ss:$0x1], $0xffff  }
0x391: {  	v59 =	vand.u32 $0xFFFFFFF8, v63;
	v31 =	vadd.s32 v17, v31;
	v63 =	vor.u32 v35, v62;
	v30 =	vld.idx.msk [tilespmem:v30+s14+$0x0], $0xffff  }
0x392: {  	v48 =	vand.u32 $0xFFFFFFF8, v27;
	v31 =	vor.u32 v38, v31;
	v50 =	vld.idx.msk [tilespmem:v34+s14+$0x0], $0xffff;
	[tilespmem:s3+$0xFFFFFF20] =	vst v32  }
0x393: {  	v27 =	vand.u32 $0x7, v27;
	v39 =	vadd.s32 v11, v48;
	[tilespmem:s7+$0xFFFFFF30] =	vst v22;
	v22 =	vld.idx.msk [tilespmem:v8+s24+$0x20 ss:$0x1], $0xffff  }
0x394: {  	v33 =	vadd.s32 v10, v59;
	v27 =	vor.u32 v27, v39;
	[tilespmem:s13+$0xFFFFFF40] =	vst v28;
	v51 =	vld.idx.msk [tilespmem:v47+s14+$0x0], $0xffff  }
0x395: {  	v52 =	vand.u32 $0xFFFFFFF8, v29;
	v53 =	vand.u32 $0xFFFFFFF8, v49;
	v54 =	vand.u32 $0x7, v49;
	v49 =	vld.idx.msk [tilespmem:v8+s6+$0x40 ss:$0x1], $0xffff  }
0x396: {  	v32 =	vor.u32 v61, v33;
	v29 =	vand.u32 $0x7, v29;
	v36 =	vadd.s32 v21, v52;
	v33 =	vld.idx.msk [tilespmem:v63+s14+$0x0], $0xffff  }
0x397: {  	v29 =	vor.u32 v29, v36;
	[tilespmem:s1+$0xFFFFFFF0] =	vst v30;
	v31 =	vld.idx.msk [tilespmem:v31+s14+$0x0], $0xffff  }
0x398: {  	s20 =	simm.s32 $0x1BF70;
	v38 =	vadd.s32 v15, v53;
	v55 =	vld.idx.msk [tilespmem:v8+s0+$0x70 ss:$0x1], $0xffff;
	[tilespmem:s7+$0xFFFFFFC0] =	vst v50  }
0x399: {  	v30 =	vor.u32 v54, v38;
	v57 =	vld.idx.msk [tilespmem:v8+s9+$0x40 ss:$0x1], $0xffff;
	[tilespmem:s20+$0xFFFFFF90] =	vst v51  }
0x39a: {  	v58 =	vld.idx.msk [tilespmem:v8+s25+$0x10 ss:$0x1], $0xffff  }
0x39b: {  	s17 =	simm.s32 $0x10;
	v27 =	vld.idx.msk [tilespmem:v27+s14+$0x0], $0xffff  }
0x39c: {  	s19 =	simm.s32 $0x1;
	s2 =	sand.u32 $0xE, s17;
	v29 =	vld.idx.msk [tilespmem:v29+s14+$0x0], $0xffff  }
0x39d: {  	v42 =	vmov s19;
	v52 =	vmov s2;
	[tilespmem:s20+$0xFFFFFF10] =	vst v31;
	v31 =	vld.idx.msk [tilespmem:v8+s9+$0x30 ss:$0x1], $0xffff  }
0x39e: {  	s18 =	simm.s32 $0x80;
	v30 =	vld.idx.msk [tilespmem:v30+s14+$0x0], $0xffff;
	v46 =	vand.u32 $0xFFFFFFF8, v55;
	v36 =	vand.u32 $0x7, v55;
	v48 =	vand.u32 $0xFFFFFFF8, v57  }
0x39f: {  	s23 =	sand.u32 $0x3FFFFF80, s18;
	v47 =	vld.idx.msk [tilespmem:v8+s25+$0x10 ss:$0x1], $0xffff;
	v34 =	vand.u32 $0x7, v57;
	v37 =	vadd.s32 v23, v48;
	v28 =	vand.u32 $0xFFFFFFF8, v58  }
0x3a0: {  	v54 =	vld.idx.msk [tilespmem:v8+s23+$0x0 ss:$0x1], $0xffff;
	[tilespmem:s1+$0xFFFFFF50] =	vst v27;
	v38 =	vand.u32 $0x7, v58;
	v34 =	vor.u32 v34, v37;
	v28 =	vadd.s32 v18, v28  }
0x3a1: {  	v32 =	vld.idx.msk [tilespmem:v32+s14+$0x0], $0xffff;
	v19 =	vadd.s32 v19, v46;
	[tilespmem:s13+$0xFFFFFFE0] =	vst v29;
	v29 =	vand.u32 $0xFFFFFFF8, v22;
	v27 =	vor.u32 v38, v28  }
0x3a2: {  	s2 =	sor.u32 $0x1, s2;
	v19 =	vor.u32 v36, v19;
	v22 =	vand.u32 $0x7, v22;
	v28 =	vld.idx.msk [tilespmem:v8+s6+$0x60 ss:$0x1], $0xffff;
	v29 =	vadd.s32 v14, v29  }
0x3a3: {  	v43 =	vmov s2;
	v50 =	vld.idx.msk [tilespmem:v8+s0+$0x50 ss:$0x1], $0xffff;
	[tilespmem:s3+$0xFFFFFFB0] =	vst v30;
	v30 =	vand.u32 $0xFFFFFFF8, v31;
	v22 =	vor.u32 v22, v29  }
0x3a4: {  	v53 =	vand.u32 $0xFFFFFFF8, v47;
	v31 =	vand.u32 $0x7, v31;
	v51 =	vld.idx.msk [tilespmem:v8+s24+$0x30 ss:$0x1], $0xffff;
	v30 =	vadd.s32 v13, v30  }
0x3a5: {  	v35 =	vand.u32 $0x7, v47;
	v40 =	vadd.s32 v17, v53;
	v30 =	vor.u32 v31, v30;
	v34 =	vld.idx.msk [tilespmem:v34+s14+$0x0], $0xffff  }
0x3a6: {  	v42 =	vmul.u32 $0x3E8, v42;
	v43 =	vmul.u32 $0xBB8, v43;
	v35 =	vor.u32 v35, v40;
	v44 =	vld.idx.msk [tilespmem:v27+s14+$0x0], $0xffff  }
0x3a7: {  	v59 =	vand.u32 $0xFFFFFFF8, v49;
	v29 =	vand.u32 $0xFFFFFFF8, v28;
	v27 =	vld.idx.msk [tilespmem:v19+s14+$0x0], $0xffff  }
0x3a8: {  	[tilespmem:s30+$0xFFFFFF60] =	vst v20;
	v19 =	vadd.s32 v42, v43;
	v28 =	vand.u32 $0x7, v28;
	v29 =	vadd.s32 v21, v29;
	v22 =	vld.idx.msk [tilespmem:v22+s14+$0x0], $0xffff  }
0x3a9: {  	v20 =	vbroadcast v19, $0x0;
	v19 =	vand.u32 $0xFFFFFFF8, v51;
	v28 =	vor.u32 v28, v29;
	v29 =	vld.idx.msk [tilespmem:v8+s5+$0x60 ss:$0x1], $0xffff  }
0x3aa: {  	v38 =	vmul.u32 $0xBB8, v52;
	v37 =	vand.u32 $0x7, v51;
	v19 =	vadd.s32 v15, v19;
	v30 =	vld.idx.msk [tilespmem:v30+s14+$0x0], $0xffff  }
0x3ab: {  	v55 =	vand.u32 $0xFFFFFFF8, v54;
	v41 =	vand.u32 $0x7, v54;
	v35 =	vld.idx.msk [tilespmem:v35+s14+$0x0], $0xffff;
	v37 =	vor.u32 v37, v19;
	[tilespmem:s7+$0xFFFFFFD0] =	vst v34  }
0x3ac: {  	v31 =	vand.u32 $0x7, v49;
	v56 =	vadd.s32 v20, v55;
	v19 =	vadd.s32 v42, v38;
	v58 =	vld.idx.msk [tilespmem:v8+s9+$0x50 ss:$0x1], $0xffff;
	[tilespmem:s20+$0xFFFFFFA0] =	vst v44  }
0x3ad: {  	v42 =	vadd.s32 v12, v59;
	v57 =	vor.u32 v41, v56;
	v19 =	vbroadcast v19, $0x0;
	v60 =	vld.idx.msk [tilespmem:v8+s25+$0x20 ss:$0x1], $0xffff  }
0x3ae: {  	v31 =	vor.u32 v31, v42;
	[tilespmem:s3+$0xFFFFFF30] =	vst v22;
	v28 =	vld.idx.msk [tilespmem:v28+s14+$0x0], $0xffff  }
0x3af: {  	v61 =	vadd.s32 v19, v55;
	[tilespmem:s7+$0xFFFFFF40] =	vst v30;
	v30 =	vld.idx.msk [tilespmem:v8+s24+$0x30 ss:$0x1], $0xffff  }
0x3b0: {  	v39 =	vor.u32 v41, v61;
	[tilespmem:s20+$0xFFFFFF20] =	vst v35;
	v37 =	vld.idx.msk [tilespmem:v37+s14+$0x0], $0xffff  }
0x3b1: {  	v51 =	vld.idx.msk [tilespmem:v8+s25+$0x20 ss:$0x1], $0xffff  }
0x3b2: {  	v34 =	vld.idx.msk [tilespmem:v57+s14+$0x0], $0xffff;
	v62 =	vand.u32 $0xFFFFFFF8, v58  }
0x3b3: {  	v38 =	vand.u32 $0x7, v58;
	v31 =	vld.idx.msk [tilespmem:v31+s14+$0x0], $0xffff;
	v40 =	vadd.s32 v23, v62;
	v63 =	vand.u32 $0xFFFFFFF8, v60  }
0x3b4: {  	v45 =	vand.u32 $0x7, v60;
	v38 =	vor.u32 v38, v40;
	v40 =	vld.idx.msk [tilespmem:v8+s9+$0x40 ss:$0x1], $0xffff;
	v41 =	vadd.s32 v18, v63  }
0x3b5: {  	[tilespmem:s13+$0xFFFFFFF0] =	vst v28;
	v39 =	vld.idx.msk [tilespmem:v39+s14+$0x0], $0xffff;
	v28 =	vor.u32 v45, v41  }
0x3b6: {  	s10 =	simm.s32 $0x1C070;
	v46 =	vld.idx.msk [tilespmem:v8+s6+$0x70 ss:$0x1], $0xffff;
	[tilespmem:s3+$0xFFFFFFC0] =	vst v37  }
0x3b7: {  	s18 =	simm.s32 $0x12;
	v36 =	vand.u32 $0x7, v50;
	v49 =	vand.u32 $0xFFFFFFF8, v50;
	v50 =	vand.u32 $0xFFFFFFF8, v29;
	[tilespmem:s10+$0xFFFFFF90] =	vst v34;
	v47 =	vld.idx.msk [tilespmem:v8+s24+$0x40 ss:$0x1], $0xffff  }
0x3b8: {  	s17 =	sand.u32 $0xE, s18;
	v29 =	vand.u32 $0x7, v29;
	v35 =	vadd.s32 v9, v50;
	v48 =	vld.idx.msk [tilespmem:v8+s23+$0x10 ss:$0x1], $0xffff  }
0x3b9: {  	s22 =	simm.s32 $0x90;
	v61 =	vmov s17;
	v29 =	vor.u32 v29, v35;
	v59 =	vand.u32 $0xFFFFFFF8, v30;
	v38 =	vld.idx.msk [tilespmem:v38+s14+$0x0], $0xffff  }
0x3ba: {  	s2 =	sand.u32 $0x3FFFFF80, s22;
	[tilespmem:s29+$0xFFFFFF70] =	vst v33;
	v41 =	vadd.s32 v11, v49;
	v55 =	vand.u32 $0xFFFFFFF8, v51;
	v56 =	vand.u32 $0x7, v51;
	v28 =	vld.idx.msk [tilespmem:v28+s14+$0x0], $0xffff  }
0x3bb: {  	v60 =	vld.idx.msk [tilespmem:v8+s2+$0x0 ss:$0x1], $0xffff;
	v36 =	vor.u32 v36, v41;
	[tilespmem:s10+$0xFFFFFF10] =	vst v39;
	v52 =	vand.u32 $0xFFFFFFF8, v46;
	v22 =	vand.u32 $0x7, v46  }
0x3bc: {  	[tilespmem:s13+$0xFFFFFF50] =	vst v31;
	v39 =	vld.idx.msk [tilespmem:v8+s23+$0x10 ss:$0x1], $0xffff;
	v21 =	vadd.s32 v21, v52;
	v53 =	vand.u32 $0xFFFFFFF8, v47;
	v31 =	vand.u32 $0x7, v47  }
0x3bd: {  	v51 =	vld.idx.msk [tilespmem:v8+s12+$0x70 ss:$0x1], $0xffff;
	v21 =	vor.u32 v22, v21;
	v22 =	vand.u32 $0xFFFFFFF8, v48;
	v54 =	vadd.s32 v15, v53  }
0x3be: {  	s22 =	sor.u32 $0x1, s17;
	v29 =	vld.idx.msk [tilespmem:v29+s14+$0x0], $0xffff;
	v37 =	vand.u32 $0x7, v48;
	v22 =	vadd.s32 v20, v22;
	v31 =	vor.u32 v31, v54;
	[tilespmem:s7+$0xFFFFFFE0] =	vst v38  }
0x3bf: {  	v45 =	vmov s22;
	v35 =	vadd.s32 v17, v55;
	v22 =	vor.u32 v37, v22;
	[tilespmem:s20+$0xFFFFFFB0] =	vst v28;
	v28 =	vld.idx.msk [tilespmem:v8+s9+$0x60 ss:$0x1], $0xffff  }
0x3c0: {  	v34 =	vld.idx.msk [tilespmem:v8+s6+$0x50 ss:$0x1], $0xffff;
	v35 =	vor.u32 v56, v35;
	v50 =	vand.u32 $0xFFFFFFF8, v60;
	v53 =	vand.u32 $0xFFFFFFF8, v40  }
0x3c1: {  	s19 =	simm.s32 $0x1;
	v40 =	vand.u32 $0x7, v40;
	v55 =	vadd.s32 v13, v53;
	v58 =	vand.u32 $0xFFFFFFF8, v39;
	v57 =	vld.idx.msk [tilespmem:v8+s25+$0x30 ss:$0x1], $0xffff  }
0x3c2: {  	v39 =	vand.u32 $0x7, v39;
	v41 =	vadd.s32 v19, v58;
	v42 =	vld.idx.msk [tilespmem:v21+s14+$0x0], $0xffff;
	v21 =	vmov s19  }
0x3c3: {  	v39 =	vor.u32 v39, v41;
	v31 =	vld.idx.msk [tilespmem:v31+s14+$0x0], $0xffff;
	v46 =	vmul.u32 $0x3E8, v21;
	v21 =	vmul.u32 $0xBB8, v45  }
0x3c4: {  	v40 =	vor.u32 v40, v55;
	v41 =	vmul.u32 $0xBB8, v61;
	v22 =	vld.idx.msk [tilespmem:v22+s14+$0x0], $0xffff;
	v62 =	vand.u32 $0xFFFFFFF8, v28  }
0x3c5: {  	[tilespmem:s31+$0xFFFFFF60] =	vst v32;
	v63 =	vld.idx.msk [tilespmem:v36+s14+$0x0], $0xffff;
	v21 =	vadd.s32 v46, v21;
	v28 =	vand.u32 $0x7, v28;
	v47 =	vadd.s32 v23, v62  }
0x3c6: {  	v48 =	vld.idx.msk [tilespmem:v8+s11+$0x60 ss:$0x1], $0xffff;
	v21 =	vbroadcast v21, $0x0;
	v49 =	vand.u32 $0xFFFFFFF8, v57;
	v28 =	vor.u32 v28, v47  }
0x3c7: {  	[tilespmem:s31+$0x0] =	vst v26;
	v26 =	vld.idx.msk [tilespmem:v35+s14+$0x0], $0xffff;
	v41 =	vadd.s32 v46, v41;
	v38 =	vand.u32 $0x7, v57;
	v36 =	vadd.s32 v18, v49  }
0x3c8: {  	v44 =	vand.u32 $0x7, v60;
	v39 =	vld.idx.msk [tilespmem:v39+s14+$0x0], $0xffff;
	v36 =	vor.u32 v38, v36;
	[tilespmem:s3+$0xFFFFFFD0] =	vst v31;
	v31 =	vadd.s32 v21, v50  }
0x3c9: {  	v30 =	vand.u32 $0x7, v30;
	v31 =	vor.u32 v44, v31;
	[tilespmem:s10+$0xFFFFFFA0] =	vst v22;
	v52 =	vld.idx.msk [tilespmem:v8+s24+$0x50 ss:$0x1], $0xffff;
	v22 =	vadd.s32 v14, v59  }
0x3ca: {  	v30 =	vor.u32 v30, v22;
	v54 =	vld.idx.msk [tilespmem:v8+s23+$0x20 ss:$0x1], $0xffff;
	v22 =	vbroadcast v41, $0x0  }
0x3cb: {  	v28 =	vld.idx.msk [tilespmem:v28+s14+$0x0], $0xffff  }
0x3cc: {  	[tilespmem:s29+$0x0] =	vst v24;
	v40 =	vld.idx.msk [tilespmem:v40+s14+$0x0], $0xffff;
	v24 =	vadd.s32 v22, v50  }
0x3cd: {  	[tilespmem:s30+$0x0] =	vst v25;
	v56 =	vld.idx.msk [tilespmem:v36+s14+$0x0], $0xffff;
	v24 =	vor.u32 v44, v24  }
0x3ce: {  	[tilespmem:s1+$0x0] =	vst v27;
	v25 =	vld.idx.msk [tilespmem:v31+s14+$0x0], $0xffff;
	v31 =	vand.u32 $0xFFFFFFF8, v52  }
0x3cf: {  	[tilespmem:s10+$0xFFFFFF20] =	vst v39;
	v27 =	vand.u32 $0xFFFFFFF8, v54;
	v57 =	vld.idx.msk [tilespmem:v30+s14+$0x0], $0xffff;
	v30 =	vand.u32 $0x7, v52;
	v31 =	vadd.s32 v15, v31  }
0x3d0: {  	v32 =	vld.idx.msk [tilespmem:v8+s23+$0x20 ss:$0x1], $0xffff;
	v58 =	vand.u32 $0x7, v54;
	v27 =	vadd.s32 v20, v27;
	v30 =	vor.u32 v30, v31;
	[tilespmem:s7+$0xFFFFFFF0] =	vst v28  }
0x3d1: {  	[tilespmem:s30+$0xFFFFFF70] =	vst v29;
	v27 =	vor.u32 v58, v27;
	v28 =	vld.idx.msk [tilespmem:v8+s9+$0x70 ss:$0x1], $0xffff  }
0x3d2: {  	s12 =	simm.s32 $0x1C170;
	v59 =	vld.idx.msk [tilespmem:v24+s14+$0x0], $0xffff;
	[tilespmem:s20+$0xFFFFFFC0] =	vst v56  }
0x3d3: {  	v29 =	vand.u32 $0x7, v48;
	v24 =	vand.u32 $0xFFFFFFF8, v34;
	[tilespmem:s12+$0xFFFFFF90] =	vst v25;
	v60 =	vld.idx.msk [tilespmem:v8+s25+$0x40 ss:$0x1], $0xffff;
	v25 =	vand.u32 $0xFFFFFFF8, v48  }
0x3d4: {  	[tilespmem:s1+$0xFFFFFF60] =	vst v63;
	v31 =	vand.u32 $0x7, v34;
	v24 =	vadd.s32 v12, v24;
	v61 =	vld.idx.msk [tilespmem:v8+s2+$0x10 ss:$0x1], $0xffff;
	v25 =	vadd.s32 v10, v25  }
0x3d5: {  	[tilespmem:s20+$0xFFFFFF30] =	vst v26;
	v24 =	vor.u32 v31, v24;
	v62 =	vld.idx.msk [tilespmem:v30+s14+$0x0], $0xffff;
	v25 =	vor.u32 v29, v25  }
0x3d6: {  	[tilespmem:s13+$0x0] =	vst v42;
	v29 =	vand.u32 $0x7, v51;
	v31 =	vld.idx.msk [tilespmem:v27+s14+$0x0], $0xffff;
	v27 =	vand.u32 $0xFFFFFFF8, v51;
	v26 =	vand.u32 $0xFFFFFFF8, v28  }
0x3d7: {  	[tilespmem:s3+$0xFFFFFF40] =	vst v57;
	v30 =	vld.idx.msk [tilespmem:v8+s25+$0x30 ss:$0x1], $0xffff;
	v16 =	vadd.s32 v16, v27;
	v27 =	vand.u32 $0x7, v28;
	v23 =	vadd.s32 v23, v26  }
0x3d8: {  	[tilespmem:s12+$0xFFFFFF10] =	vst v59;
	v28 =	vld.idx.msk [tilespmem:v8+s24+$0x40 ss:$0x1], $0xffff;
	v16 =	vor.u32 v29, v16;
	v26 =	vand.u32 $0xFFFFFFF8, v60;
	v23 =	vor.u32 v27, v23  }
0x3d9: {  	[tilespmem:s7+$0xFFFFFF50] =	vst v40;
	v33 =	vld.idx.msk [tilespmem:v8+s2+$0x10 ss:$0x1], $0xffff;
	v63 =	vand.u32 $0x7, v60;
	v29 =	vand.u32 $0xFFFFFFF8, v61;
	v26 =	vadd.s32 v18, v26  }
0x3da: {  	v27 =	vand.u32 $0x7, v61;
	v34 =	vadd.s32 v21, v29;
	v29 =	vor.u32 v63, v26;
	[tilespmem:s3+$0xFFFFFFE0] =	vst v62;
	v26 =	vld.idx.msk [tilespmem:v8+s9+$0x50 ss:$0x1], $0xffff  }
.LBB2_13:
0x3db: {  	s18 =	sadd.s32 $0x2, s18;
	v27 =	vor.u32 v27, v34;
	[tilespmem:s10+$0xFFFFFFB0] =	vst v31;
	v31 =	vld.idx.msk [tilespmem:v8+s24+$0x60 ss:$0x1], $0xffff  }
0x3dc: {  	v34 =	vand.u32 $0xFFFFFFF8, v32;
	v32 =	vand.u32 $0x7, v32;
	s17 =	sshll.u32 s18, $0x3;
	p0 =	slt.u32 s18, $0x2E;
	v35 =	vld.idx.msk [tilespmem:v8+s23+$0x30 ss:$0x1], $0xffff  }
0x3dd: {  	s22 =	sand.u32 $0xE, s18;
	v34 =	vadd.s32 v19, v34;
	v36 =	vand.u32 $0xFFFFFFF8, v30;
	v30 =	vand.u32 $0x7, v30;
	s19 =	sand.u32 $0x3FFFFF80, s17;
	v23 =	vld.idx.msk [tilespmem:v23+s14+$0x0], $0xffff  }
0x3de: {  	s17 =	sshrl.u32 s18, $0x4;
	v37 =	vmov s22;
	s22 =	sor.u32 $0x1, s22;
	v39 =	vand.u32 $0xFFFFFFF8, v33;
	v33 =	vand.u32 $0x7, v33;
	v38 =	vld.idx.msk [tilespmem:v8+s19+$0x0 ss:$0x1], $0xffff  }
0x3df: {  	v40 =	vmov s17;
	v37 =	vmul.u32 $0xBB8, v37;
	v41 =	vmov s22;
	v29 =	vld.idx.msk [tilespmem:v29+s14+$0x0], $0xffff  }
0x3e0: {  	v39 =	vadd.s32 v22, v39;
	v40 =	vmul.u32 $0x3E8, v40;
	v41 =	vmul.u32 $0xBB8, v41;
	v42 =	vld.idx.msk [tilespmem:v27+s14+$0x0], $0xffff  }
0x3e1: {  	v32 =	vor.u32 v32, v34;
	v33 =	vor.u32 v33, v39;
	v27 =	vand.u32 $0xFFFFFFF8, v31;
	v24 =	vld.idx.msk [tilespmem:v24+s14+$0x0], $0xffff  }
0x3e2: {  	v31 =	vand.u32 $0x7, v31;
	v34 =	vadd.s32 v40, v41;
	v39 =	vadd.s32 v15, v27;
	v41 =	vld.idx.msk [tilespmem:v8+s0+$0x60 ss:$0x1], $0xffff  }
0x3e3: {  	v27 =	vbroadcast v34, $0x0;
	v34 =	vand.u32 $0xFFFFFFF8, v35;
	v31 =	vor.u32 v31, v39;
	[tilespmem:s7+$0x0] =	vst v23;
	v23 =	vld.idx.msk [tilespmem:v25+s14+$0x0], $0xffff  }
0x3e4: {  	v35 =	vand.u32 $0x7, v35;
	v25 =	vand.u32 $0xFFFFFFF8, v38;
	v34 =	vadd.s32 v20, v34;
	v39 =	vld.idx.msk [tilespmem:v8+s5+$0x70 ss:$0x1], $0xffff;
	s5 =	smov.u32 s11;
	s11 =	smov.u32 s0;
	s0 =	smov.u32 s6  }
0x3e5: {  	v38 =	vand.u32 $0x7, v38;
	v43 =	vadd.s32 v27, v25;
	v34 =	vor.u32 v35, v34;
	s6 =	smov.u32 s9;
	s9 =	smov.u32 s24;
	s24 =	smov.u32 s25;
	[tilespmem:s20+$0xFFFFFFD0] =	vst v29;
	v16 =	vld.idx.msk [tilespmem:v16+s14+$0x0], $0xffff  }
0x3e6: {  	s25 =	smov.u32 s23;
	s23 =	smov.u32 s2;
	s2 =	smov.u32 s19;
	v29 =	vadd.s32 v40, v37;
	v35 =	vor.u32 v38, v43;
	v40 =	vand.u32 $0xFFFFFFF8, v28;
	[tilespmem:s12+$0xFFFFFFA0] =	vst v42;
	v37 =	vld.idx.msk [tilespmem:v8+s24+$0x50 ss:$0x1], $0xffff  }
0x3e7: {  	v36 =	vadd.s32 v17, v36;
	v29 =	vbroadcast v29, $0x0;
	v40 =	vadd.s32 v14, v40;
	v42 =	vld.idx.msk [tilespmem:v8+s23+$0x20 ss:$0x1], $0xffff;
	[tilespmem:s13+$0xFFFFFF60] =	vst v24  }
0x3e8: {  	v30 =	vor.u32 v30, v36;
	v24 =	vand.u32 $0x7, v28;
	v28 =	vld.idx.msk [tilespmem:v31+s14+$0x0], $0xffff;
	v31 =	vand.u32 $0xFFFFFFF8, v26  }
0x3e9: {  	v25 =	vadd.s32 v29, v25;
	v36 =	vor.u32 v24, v40;
	v33 =	vld.idx.msk [tilespmem:v33+s14+$0x0], $0xffff;
	v24 =	vadd.s32 v13, v31  }
0x3ea: {  	v31 =	vor.u32 v38, v25;
	v25 =	vand.u32 $0x7, v26;
	v26 =	vand.u32 $0xFFFFFFF8, v41;
	v34 =	vld.idx.msk [tilespmem:v34+s14+$0x0], $0xffff;
	[tilespmem:s31+$0xFFFFFF70] =	vst v23  }
0x3eb: {  	v24 =	vor.u32 v25, v24;
	v25 =	vand.u32 $0x7, v41;
	v26 =	vadd.s32 v11, v26;
	v23 =	vld.idx.msk [tilespmem:v35+s14+$0x0], $0xffff;
	[tilespmem:s29+$0xFFFFFF80] =	vst v16;
	s29 =	smov.u32 s30;
	s30 =	smov.u32 s31;
	s31 =	smov.u32 s1  }
0x3ec: {  	v16 =	vand.u32 $0xFFFFFFF8, v37;
	v25 =	vor.u32 v25, v26;
	v26 =	vand.u32 $0xFFFFFFF8, v39;
	s1 =	smov.u32 s13;
	s13 =	smov.u32 s7;
	s7 =	smov.u32 s3;
	v32 =	vld.idx.msk [tilespmem:v32+s14+$0x0], $0xffff  }
0x3ed: {  	v37 =	vand.u32 $0x7, v37;
	s3 =	smov.u32 s20;
	s20 =	smov.u32 s10;
	s10 =	smov.u32 s12;
	v35 =	vand.u32 $0xFFFFFFF8, v42;
	v16 =	vadd.s32 v18, v16;
	v30 =	vld.idx.msk [tilespmem:v30+s14+$0x0], $0xffff  }
0x3ee: {  	v38 =	vand.u32 $0x7, v42;
	v35 =	vadd.s32 v21, v35;
	v37 =	vor.u32 v37, v16;
	v36 =	vld.idx.msk [tilespmem:v36+s14+$0x0], $0xffff;
	[tilespmem:s7+$0xFFFFFFF0] =	vst v28  }
0x3ef: {  	v16 =	vand.u32 $0x7, v39;
	v28 =	vor.u32 v38, v35;
	v35 =	vadd.s32 v9, v26;
	[tilespmem:s12+$0xFFFFFF20] =	vst v33;
	v33 =	vld.idx.msk [tilespmem:v8+s9+$0x70 ss:$0x1], $0xffff  }
0x3f0: {  	v9 =	vmovc v10;
	v10 =	vmov v11;
	v11 =	vmov v12;
	s12 =	sadd.s32 $0x100, s12;
	v16 =	vor.u32 v16, v35;
	v26 =	vld.idx.msk [tilespmem:v31+s14+$0x0], $0xffff;
	[tilespmem:s20+$0xFFFFFFC0] =	vst v34  }
0x3f1: {  	v12 =	vmovc v13;
	v13 =	vmovc v14;
	v14 =	vmov v17;
	v17 =	vmov v19;
	v19 =	vmov v22;
	[tilespmem:s12+$0xFFFFFF90] =	vst v23;
	v34 =	vld.idx.msk [tilespmem:v8+s25+$0x40 ss:$0x1], $0xffff  }
0x3f2: {  	v22 =	vmov v29;
	v35 =	vld.idx.msk [tilespmem:v8+s2+$0x10 ss:$0x1], $0xffff;
	[tilespmem:s20+$0xFFFFFF30] =	vst v32  }
0x3f3: {  	[tilespmem:s3+$0xFFFFFF40] =	vst v30;
	v37 =	vld.idx.msk [tilespmem:v37+s14+$0x0], $0xffff  }
0x3f4: {  	v31 =	vld.idx.msk [tilespmem:v28+s14+$0x0], $0xffff;
	[tilespmem:s7+$0xFFFFFF50] =	vst v36  }
.Ltmp6:
0x3f5: {  	v23 =	vand.u32 $0xFFFFFFF8, v33;
	v32 =	vld.idx.msk [tilespmem:v8+s23+$0x20 ss:$0x1], $0xffff;
	(pc) =	sbr.rel @p0 .LBB2_13-.Ltmp6, $4  }
0x3f6: {  	v23 =	vadd.s32 v15, v23;
	v15 =	vmovc v18;
	v18 =	vmov v20;
	[tilespmem:s12+$0xFFFFFF10] =	vst v26;
	v30 =	vld.idx.msk [tilespmem:v8+s25+$0x30 ss:$0x1], $0xffff;
	v26 =	vand.u32 $0x7, v33  }
0x3f7: {  	v20 =	vmovc v21;
	v21 =	vmov v27;
	v28 =	vand.u32 $0xFFFFFFF8, v34;
	v33 =	vld.idx.msk [tilespmem:v8+s2+$0x10 ss:$0x1], $0xffff;
	v23 =	vor.u32 v26, v23  }
0x3f8: {  	v29 =	vand.u32 $0x7, v34;
	v26 =	vand.u32 $0xFFFFFFF8, v35;
	v36 =	vadd.s32 v18, v28;
	v28 =	vld.idx.msk [tilespmem:v8+s24+$0x40 ss:$0x1], $0xffff  }
0x3f9: {  	v27 =	vand.u32 $0x7, v35;
	v34 =	vadd.s32 v21, v26;
	v29 =	vor.u32 v29, v36;
	[tilespmem:s3+$0xFFFFFFE0] =	vst v37;
	v26 =	vld.idx.msk [tilespmem:v8+s9+$0x50 ss:$0x1], $0xffff  }
0x3fa: {  	_ =	sdelay $0x1  }
0x3fb: {  	v36 =	vand.u32 $0xFFFFFFF8, v33  }
0x3fc: {  	v27 =	vor.u32 v27, v34;
	v37 =	vand.u32 $0x7, v33;
	v34 =	vadd.s32 v22, v36  }
0x3fd: {  	v33 =	vor.u32 v37, v34;
	_ =	sdelay $0x3  }
0x3fe: {  	v27 =	vld.idx.msk [tilespmem:v27+s14+$0x0], $0xffff  }
0x3ff: {  	v33 =	vld.idx.msk [tilespmem:v33+s14+$0x0], $0xffff;
	_ =	sdelay $0x3  }
0x400: {  	[tilespmem:s12+$0xFFFFFFA0] =	vst v27  }
0x401: {  	v27 =	vld.idx.msk [tilespmem:v8+s2+$0x20 ss:$0x1], $0xffff;
	[tilespmem:s12+$0xFFFFFF20] =	vst v33  }
0x402: {  	v33 =	vld.idx.msk [tilespmem:v8+s2+$0x20 ss:$0x1], $0xffff;
	_ =	sdelay $0x1  }
0x403: {  	v35 =	vand.u32 $0xFFFFFFF8, v32  }
0x404: {  	v39 =	vand.u32 $0x7, v32;
	v40 =	vadd.s32 v19, v35  }
0x405: {  	[tilespmem:s10+$0xFFFFFFB0] =	vst v31;
	v31 =	vor.u32 v39, v40;
	v38 =	vand.u32 $0xFFFFFFF8, v27  }
0x406: {  	v27 =	vand.u32 $0x7, v27;
	v34 =	vadd.s32 v21, v38;
	v42 =	vand.u32 $0xFFFFFFF8, v33  }
0x407: {  	v27 =	vor.u32 v27, v34;
	v33 =	vand.u32 $0x7, v33;
	v32 =	vadd.s32 v22, v42  }
0x408: {  	v41 =	vld.idx.msk [tilespmem:v8+s23+$0x30 ss:$0x1], $0xffff;
	v32 =	vor.u32 v33, v32;
	_ =	sdelay $0x1  }
0x409: {  	v31 =	vld.idx.msk [tilespmem:v31+s14+$0x0], $0xffff;
	_ =	sdelay $0x1  }
0x40a: {  	v27 =	vld.idx.msk [tilespmem:v27+s14+$0x0], $0xffff  }
0x40b: {  	v43 =	vand.u32 $0xFFFFFFF8, v41;
	v32 =	vld.idx.msk [tilespmem:v32+s14+$0x0], $0xffff  }
0x40c: {  	v34 =	vand.u32 $0x7, v41;
	v33 =	vadd.s32 v20, v43  }
0x40d: {  	[tilespmem:s10+$0xFFFFFF30] =	vst v31;
	v33 =	vor.u32 v34, v33  }
0x40e: {  	v44 =	vand.u32 $0xFFFFFFF8, v30;
	v47 =	vld.idx.msk [tilespmem:v8+s23+$0x30 ss:$0x1], $0xffff  }
0x40f: {  	v45 =	vand.u32 $0x7, v30;
	v46 =	vadd.s32 v17, v44;
	[tilespmem:s12+$0xFFFFFFB0] =	vst v27  }
0x410: {  	v30 =	vor.u32 v45, v46;
	v27 =	vld.idx.msk [tilespmem:v8+s2+$0x30 ss:$0x1], $0xffff;
	[tilespmem:s12+$0xFFFFFF30] =	vst v32  }
0x411: {  	v32 =	vld.idx.msk [tilespmem:v8+s2+$0x30 ss:$0x1], $0xffff  }
0x412: {  	v48 =	vld.idx.msk [tilespmem:v33+s14+$0x0], $0xffff  }
0x413: {  	v29 =	vld.idx.msk [tilespmem:v29+s14+$0x0], $0xffff;
	v50 =	vand.u32 $0xFFFFFFF8, v47  }
0x414: {  	v25 =	vld.idx.msk [tilespmem:v25+s14+$0x0], $0xffff;
	v51 =	vand.u32 $0x7, v47;
	v52 =	vadd.s32 v19, v50  }
0x415: {  	v30 =	vld.idx.msk [tilespmem:v30+s14+$0x0], $0xffff;
	v31 =	vor.u32 v51, v52;
	v49 =	vand.u32 $0xFFFFFFF8, v27  }
0x416: {  	v24 =	vld.idx.msk [tilespmem:v24+s14+$0x0], $0xffff;
	v27 =	vand.u32 $0x7, v27;
	v33 =	vadd.s32 v21, v49;
	v54 =	vand.u32 $0xFFFFFFF8, v32  }
0x417: {  	v16 =	vld.idx.msk [tilespmem:v16+s14+$0x0], $0xffff;
	[tilespmem:s10+$0xFFFFFFC0] =	vst v48;
	v33 =	vor.u32 v27, v33;
	v32 =	vand.u32 $0x7, v32;
	v35 =	vadd.s32 v22, v54  }
0x418: {  	[tilespmem:s20+$0xFFFFFFD0] =	vst v29;
	v53 =	vld.idx.msk [tilespmem:v8+s23+$0x40 ss:$0x1], $0xffff;
	v32 =	vor.u32 v32, v35  }
0x419: {  	v61 =	vld.idx.msk [tilespmem:v8+s25+$0x50 ss:$0x1], $0xffff  }
0x41a: {  	v55 =	vand.u32 $0xFFFFFFF8, v28;
	[tilespmem:s20+$0xFFFFFF40] =	vst v30;
	v31 =	vld.idx.msk [tilespmem:v31+s14+$0x0], $0xffff  }
0x41b: {  	v56 =	vand.u32 $0x7, v28;
	v58 =	vld.idx.msk [tilespmem:v8+s25+$0x40 ss:$0x1], $0xffff;
	v35 =	vadd.s32 v14, v55  }
0x41c: {  	v33 =	vld.idx.msk [tilespmem:v33+s14+$0x0], $0xffff;
	v28 =	vor.u32 v56, v35  }
0x41d: {  	[tilespmem:s31+$0xFFFFFF70] =	vst v25;
	v57 =	vand.u32 $0xFFFFFFF8, v53;
	v60 =	vld.idx.msk [tilespmem:v32+s14+$0x0], $0xffff  }
0x41e: {  	v25 =	vld.idx.msk [tilespmem:v8+s11+$0x70 ss:$0x1], $0xffff;
	v34 =	vand.u32 $0x7, v53;
	v30 =	vadd.s32 v20, v57  }
0x41f: {  	v38 =	vld.idx.msk [tilespmem:v8+s24+$0x60 ss:$0x1], $0xffff;
	[tilespmem:s10+$0xFFFFFF40] =	vst v31;
	v59 =	vor.u32 v34, v30  }
0x420: {  	v31 =	vld.idx.msk [tilespmem:v8+s23+$0x40 ss:$0x1], $0xffff  }
0x421: {  	v36 =	vand.u32 $0xFFFFFFF8, v58;
	[tilespmem:s12+$0xFFFFFFC0] =	vst v33;
	v28 =	vld.idx.msk [tilespmem:v28+s14+$0x0], $0xffff  }
0x422: {  	v62 =	vand.u32 $0xFFFFFFF8, v26;
	v36 =	vadd.s32 v17, v36;
	v35 =	vand.u32 $0x7, v58;
	v33 =	vld.idx.msk [tilespmem:v8+s2+$0x40 ss:$0x1], $0xffff;
	[tilespmem:s12+$0xFFFFFF40] =	vst v60  }
0x423: {  	v45 =	vand.u32 $0x7, v26;
	v34 =	vadd.s32 v13, v62;
	v35 =	vor.u32 v35, v36;
	v37 =	vld.idx.msk [tilespmem:v8+s2+$0x40 ss:$0x1], $0xffff  }
0x424: {  	v26 =	vor.u32 v45, v34;
	v29 =	vld.idx.msk [tilespmem:v59+s14+$0x0], $0xffff  }
0x425: {  	v63 =	vand.u32 $0xFFFFFFF8, v61;
	v43 =	vld.idx.msk [tilespmem:v8+s0+$0x60 ss:$0x1], $0xffff;
	v42 =	vand.u32 $0xFFFFFFF8, v31;
	v31 =	vand.u32 $0x7, v31  }
0x426: {  	v27 =	vld.idx.msk [tilespmem:v8+s5+$0x70 ss:$0x1], $0xffff;
	v44 =	vadd.s32 v19, v42;
	v30 =	vadd.s32 v18, v63;
	v32 =	vand.u32 $0x7, v61;
	[tilespmem:s3+$0xFFFFFF50] =	vst v28  }
0x427: {  	v30 =	vor.u32 v32, v30;
	v28 =	vor.u32 v31, v44;
	v40 =	vand.u32 $0xFFFFFFF8, v33;
	v46 =	vld.idx.msk [tilespmem:v8+s24+$0x50 ss:$0x1], $0xffff  }
0x428: {  	v35 =	vld.idx.msk [tilespmem:v35+s14+$0x0], $0xffff;
	v33 =	vand.u32 $0x7, v33;
	v36 =	vadd.s32 v21, v40;
	v47 =	vand.u32 $0xFFFFFFF8, v37  }
0x429: {  	v26 =	vld.idx.msk [tilespmem:v26+s14+$0x0], $0xffff;
	[tilespmem:s10+$0xFFFFFFD0] =	vst v29;
	v41 =	vor.u32 v33, v36;
	v49 =	vand.u32 $0x7, v37;
	v29 =	vadd.s32 v22, v47  }
0x42a: {  	[tilespmem:s13+$0xFFFFFF60] =	vst v24;
	v48 =	vld.idx.msk [tilespmem:v8+s23+$0x50 ss:$0x1], $0xffff;
	v29 =	vor.u32 v49, v29  }
0x42b: {  	v60 =	vld.idx.msk [tilespmem:v8+s6+$0x60 ss:$0x1], $0xffff  }
0x42c: {  	v28 =	vld.idx.msk [tilespmem:v28+s14+$0x0], $0xffff;
	v50 =	vand.u32 $0xFFFFFFF8, v46  }
0x42d: {  	v30 =	vld.idx.msk [tilespmem:v30+s14+$0x0], $0xffff;
	v33 =	vand.u32 $0x7, v46;
	v34 =	vadd.s32 v14, v50  }
0x42e: {  	v32 =	vld.idx.msk [tilespmem:v41+s14+$0x0], $0xffff;
	v33 =	vor.u32 v33, v34  }
0x42f: {  	[tilespmem:s20+$0xFFFFFF50] =	vst v35;
	v54 =	vand.u32 $0xFFFFFFF8, v48;
	v29 =	vld.idx.msk [tilespmem:v29+s14+$0x0], $0xffff  }
0x430: {  	[tilespmem:s7+$0xFFFFFF60] =	vst v26;
	v55 =	vld.idx.msk [tilespmem:v8+s25+$0x50 ss:$0x1], $0xffff;
	v57 =	vand.u32 $0x7, v48;
	v58 =	vadd.s32 v20, v54  }
0x431: {  	v51 =	vand.u32 $0xFFFFFFF8, v38;
	v47 =	vld.idx.msk [tilespmem:v8+s9+$0x60 ss:$0x1], $0xffff;
	v24 =	vor.u32 v57, v58;
	[tilespmem:s10+$0xFFFFFF50] =	vst v28  }
0x432: {  	v52 =	vand.u32 $0x7, v38;
	v53 =	vadd.s32 v15, v51;
	[tilespmem:s20+$0xFFFFFFE0] =	vst v30;
	v62 =	vld.idx.msk [tilespmem:v8+s23+$0x50 ss:$0x1], $0xffff  }
0x433: {  	v56 =	vor.u32 v52, v53;
	v46 =	vand.u32 $0xFFFFFFF8, v60;
	[tilespmem:s12+$0xFFFFFFD0] =	vst v32;
	v33 =	vld.idx.msk [tilespmem:v33+s14+$0x0], $0xffff  }
0x434: {  	v61 =	vand.u32 $0xFFFFFFF8, v43;
	v35 =	vand.u32 $0x7, v60;
	v30 =	vadd.s32 v12, v46;
	v59 =	vld.idx.msk [tilespmem:v8+s2+$0x50 ss:$0x1], $0xffff;
	[tilespmem:s12+$0xFFFFFF50] =	vst v29  }
0x435: {  	v36 =	vand.u32 $0x7, v43;
	v30 =	vor.u32 v35, v30;
	v28 =	vadd.s32 v11, v61;
	v40 =	vld.idx.msk [tilespmem:v8+s2+$0x50 ss:$0x1], $0xffff  }
0x436: {  	v63 =	vand.u32 $0xFFFFFFF8, v55;
	v28 =	vor.u32 v36, v28;
	v24 =	vld.idx.msk [tilespmem:v24+s14+$0x0], $0xffff  }
0x437: {  	v49 =	vld.idx.msk [tilespmem:v8+s25+$0x60 ss:$0x1], $0xffff;
	v41 =	vand.u32 $0x7, v55;
	v48 =	vand.u32 $0xFFFFFFF8, v62;
	v29 =	vadd.s32 v17, v63  }
0x438: {  	v32 =	vld.idx.msk [tilespmem:v56+s14+$0x0], $0xffff;
	v31 =	vand.u32 $0x7, v62;
	v50 =	vadd.s32 v19, v48;
	v43 =	vor.u32 v41, v29;
	[tilespmem:s3+$0xFFFFFF60] =	vst v33  }
0x439: {  	v54 =	vand.u32 $0xFFFFFFF8, v47;
	v31 =	vor.u32 v31, v50;
	v42 =	vand.u32 $0xFFFFFFF8, v59;
	v51 =	vld.idx.msk [tilespmem:v8+s24+$0x60 ss:$0x1], $0xffff  }
0x43a: {  	v30 =	vld.idx.msk [tilespmem:v30+s14+$0x0], $0xffff;
	v44 =	vand.u32 $0x7, v59;
	v45 =	vadd.s32 v21, v42;
	v52 =	vand.u32 $0xFFFFFFF8, v40  }
0x43b: {  	v28 =	vld.idx.msk [tilespmem:v28+s14+$0x0], $0xffff;
	[tilespmem:s10+$0xFFFFFFE0] =	vst v24;
	v29 =	vor.u32 v44, v45;
	v53 =	vand.u32 $0x7, v40;
	v33 =	vadd.s32 v22, v52  }
0x43c: {  	v56 =	vand.u32 $0x7, v47;
	v24 =	vadd.s32 v13, v54;
	v55 =	vld.idx.msk [tilespmem:v8+s23+$0x60 ss:$0x1], $0xffff;
	v33 =	vor.u32 v53, v33  }
0x43d: {  	v24 =	vor.u32 v56, v24;
	v26 =	vld.idx.msk [tilespmem:v43+s14+$0x0], $0xffff  }
0x43e: {  	[tilespmem:s3+$0xFFFFFFF0] =	vst v32;
	v31 =	vld.idx.msk [tilespmem:v31+s14+$0x0], $0xffff;
	v57 =	vand.u32 $0xFFFFFFF8, v51  }
0x43f: {  	v48 =	vld.idx.msk [tilespmem:v8+s24+$0x70 ss:$0x1], $0xffff;
	v34 =	vand.u32 $0x7, v51;
	v36 =	vadd.s32 v14, v57  }
0x440: {  	v29 =	vld.idx.msk [tilespmem:v29+s14+$0x0], $0xffff;
	v58 =	vor.u32 v34, v36  }
0x441: {  	v41 =	vand.u32 $0xFFFFFFF8, v55;
	v33 =	vld.idx.msk [tilespmem:v33+s14+$0x0], $0xffff  }
0x442: {  	v24 =	vld.idx.msk [tilespmem:v24+s14+$0x0], $0xffff;
	v35 =	vand.u32 $0x7, v55;
	v38 =	vadd.s32 v20, v41;
	[tilespmem:s20+$0xFFFFFF60] =	vst v26  }
0x443: {  	v43 =	vor.u32 v35, v38;
	[tilespmem:s10+$0xFFFFFF60] =	vst v31;
	v60 =	vld.idx.msk [tilespmem:v8+s25+$0x60 ss:$0x1], $0xffff  }
0x444: {  	v59 =	vand.u32 $0xFFFFFFF8, v49;
	v31 =	vld.idx.msk [tilespmem:v8+s23+$0x60 ss:$0x1], $0xffff  }
0x445: {  	v61 =	vand.u32 $0x7, v49;
	v34 =	vadd.s32 v18, v59;
	[tilespmem:s12+$0xFFFFFFE0] =	vst v29;
	v26 =	vld.idx.msk [tilespmem:v58+s14+$0x0], $0xffff  }
0x446: {  	v34 =	vor.u32 v61, v34;
	v62 =	vld.idx.msk [tilespmem:v8+s2+$0x60 ss:$0x1], $0xffff;
	[tilespmem:s12+$0xFFFFFF60] =	vst v33  }
0x447: {  	v33 =	vld.idx.msk [tilespmem:v8+s2+$0x60 ss:$0x1], $0xffff  }
0x448: {  	[tilespmem:s13+$0xFFFFFF70] =	vst v30;
	v30 =	vld.idx.msk [tilespmem:v43+s14+$0x0], $0xffff;
	v63 =	vand.u32 $0xFFFFFFF8, v60  }
0x449: {  	v42 =	vld.idx.msk [tilespmem:v8+s6+$0x70 ss:$0x1], $0xffff;
	[tilespmem:s1+$0xFFFFFF70] =	vst v28;
	v29 =	vand.u32 $0x7, v60;
	v45 =	vand.u32 $0xFFFFFFF8, v31;
	v28 =	vadd.s32 v17, v63  }
0x44a: {  	v40 =	vld.idx.msk [tilespmem:v8+s0+$0x70 ss:$0x1], $0xffff;
	[tilespmem:s7+$0xFFFFFF70] =	vst v24;
	v31 =	vand.u32 $0x7, v31;
	v24 =	vadd.s32 v19, v45;
	v28 =	vor.u32 v29, v28  }
0x44b: {  	v52 =	vand.u32 $0xFFFFFFF8, v27;
	v34 =	vld.idx.msk [tilespmem:v34+s14+$0x0], $0xffff;
	v24 =	vor.u32 v31, v24;
	v44 =	vand.u32 $0xFFFFFFF8, v62  }
0x44c: {  	v46 =	vld.idx.msk [tilespmem:v8+s9+$0x70 ss:$0x1], $0xffff;
	[tilespmem:s3+$0xFFFFFF70] =	vst v26;
	v47 =	vand.u32 $0x7, v62;
	v35 =	vadd.s32 v21, v44;
	v49 =	vand.u32 $0xFFFFFFF8, v33  }
0x44d: {  	[tilespmem:s10+$0xFFFFFFF0] =	vst v30;
	v50 =	vld.idx.msk [tilespmem:v8+s24+$0x70 ss:$0x1], $0xffff;
	v32 =	vor.u32 v47, v35;
	v33 =	vand.u32 $0x7, v33;
	v26 =	vadd.s32 v22, v49  }
0x44e: {  	v27 =	vand.u32 $0x7, v27;
	v9 =	vadd.s32 v9, v52;
	v60 =	vld.idx.msk [tilespmem:v8+s23+$0x70 ss:$0x1], $0xffff;
	v26 =	vor.u32 v33, v26  }
0x44f: {  	v9 =	vor.u32 v27, v9;
	v28 =	vld.idx.msk [tilespmem:v28+s14+$0x0], $0xffff  }
0x450: {  	v54 =	vand.u32 $0x7, v48;
	v55 =	vand.u32 $0xFFFFFFF8, v25;
	v53 =	vand.u32 $0xFFFFFFF8, v48;
	[tilespmem:s20+$0xFFFFFFF0] =	vst v34;
	v24 =	vld.idx.msk [tilespmem:v24+s14+$0x0], $0xffff  }
0x451: {  	v25 =	vand.u32 $0x7, v25;
	v10 =	vadd.s32 v10, v55;
	v56 =	vadd.s32 v15, v53;
	v51 =	vld.idx.msk [tilespmem:v8+s25+$0x70 ss:$0x1], $0xffff  }
0x452: {  	v10 =	vor.u32 v25, v10;
	v15 =	vor.u32 v54, v56;
	v32 =	vld.idx.msk [tilespmem:v32+s14+$0x0], $0xffff  }
0x453: {  	v59 =	vand.u32 $0xFFFFFFF8, v40;
	v61 =	vand.u32 $0x7, v40;
	v37 =	vand.u32 $0xFFFFFFF8, v46;
	v26 =	vld.idx.msk [tilespmem:v26+s14+$0x0], $0xffff  }
0x454: {  	v9 =	vld.idx.msk [tilespmem:v9+s14+$0x0], $0xffff;
	v63 =	vand.u32 $0xFFFFFFF8, v42;
	v39 =	vand.u32 $0x7, v46;
	v40 =	vadd.s32 v13, v37;
	[tilespmem:s20+$0xFFFFFF70] =	vst v28  }
0x455: {  	v29 =	vand.u32 $0x7, v42;
	v62 =	vadd.s32 v11, v59;
	v35 =	vadd.s32 v12, v63;
	[tilespmem:s10+$0xFFFFFF70] =	vst v24;
	v28 =	vld.idx.msk [tilespmem:v8+s25+$0x70 ss:$0x1], $0xffff  }
0x456: {  	v13 =	vor.u32 v39, v40;
	v11 =	vor.u32 v61, v62;
	v12 =	vor.u32 v29, v35;
	v24 =	vld.idx.msk [tilespmem:v8+s23+$0x70 ss:$0x1], $0xffff  }
0x457: {  	v10 =	vld.idx.msk [tilespmem:v10+s14+$0x0], $0xffff;
	v41 =	vand.u32 $0xFFFFFFF8, v60;
	v42 =	vand.u32 $0xFFFFFFF8, v50;
	v43 =	vand.u32 $0x7, v60;
	[tilespmem:s12+$0xFFFFFFF0] =	vst v32  }
0x458: {  	v44 =	vand.u32 $0x7, v50;
	v57 =	vand.u32 $0xFFFFFFF8, v51;
	v58 =	vand.u32 $0x7, v51;
	v32 =	vld.idx.msk [tilespmem:v8+s2+$0x70 ss:$0x1], $0xffff;
	[tilespmem:s12+$0xFFFFFF70] =	vst v26  }
0x459: {  	v45 =	vadd.s32 v14, v42;
	v46 =	vadd.s32 v20, v41;
	v36 =	vadd.s32 v18, v57;
	v8 =	vld.idx.msk [tilespmem:v8+s2+$0x70 ss:$0x1], $0xffff  }
0x45a: {  	v55 =	vld.idx.msk [tilespmem:v15+s14+$0x0], $0xffff;
	v14 =	vor.u32 v44, v45;
	v20 =	vor.u32 v43, v46;
	v18 =	vor.u32 v58, v36  }
0x45b: {  	v50 =	vld.idx.msk [tilespmem:v23+s14+$0x0], $0xffff;
	v47 =	vand.u32 $0xFFFFFFF8, v28;
	v48 =	vand.u32 $0x7, v28;
	v52 =	vand.u32 $0xFFFFFFF8, v24  }
0x45c: {  	[tilespmem:s29+$0xFFFFFF80] =	vst v16;
	v13 =	vld.idx.msk [tilespmem:v13+s14+$0x0], $0xffff;
	v24 =	vand.u32 $0x7, v24;
	v49 =	vadd.s32 v17, v47;
	v54 =	vadd.s32 v19, v52  }
0x45d: {  	[tilespmem:s30+$0xFFFFFF80] =	vst v9;
	v11 =	vld.idx.msk [tilespmem:v11+s14+$0x0], $0xffff;
	v17 =	vor.u32 v48, v49;
	v19 =	vor.u32 v24, v54;
	v51 =	vand.u32 $0xFFFFFFF8, v32  }
0x45e: {  	[tilespmem:s31+$0xFFFFFF80] =	vst v10;
	v12 =	vld.idx.msk [tilespmem:v12+s14+$0x0], $0xffff;
	v53 =	vand.u32 $0x7, v32;
	v56 =	vadd.s32 v21, v51;
	v57 =	vand.u32 $0xFFFFFFF8, v8  }
0x45f: {  	[tilespmem:s3+$0x0] =	vst v55;
	v58 =	vld.idx.msk [tilespmem:v14+s14+$0x0], $0xffff;
	v9 =	vor.u32 v53, v56;
	v8 =	vand.u32 $0x7, v8;
	v59 =	vadd.s32 v22, v57  }
0x460: {  	[tilespmem:s7+$0x0] =	vst v50;
	v62 =	vld.idx.msk [tilespmem:v20+s14+$0x0], $0xffff;
	v8 =	vor.u32 v8, v59  }
0x461: {  	[tilespmem:s7+$0xFFFFFF80] =	vst v13;
	v60 =	vld.idx.msk [tilespmem:v18+s14+$0x0], $0xffff  }
0x462: {  	[tilespmem:s1+$0xFFFFFF80] =	vst v11;
	v61 =	vld.idx.msk [tilespmem:v17+s14+$0x0], $0xffff  }
0x463: {  	[tilespmem:s13+$0xFFFFFF80] =	vst v12;
	v63 =	vld.idx.msk [tilespmem:v19+s14+$0x0], $0xffff  }
0x464: {  	[tilespmem:s3+$0xFFFFFF80] =	vst v58;
	v9 =	vld.idx.msk [tilespmem:v9+s14+$0x0], $0xffff  }
0x465: {  	s26 =	sadd.s32 $0x1, s26;
	[tilespmem:s10+$0x0] =	vst v62;
	v8 =	vld.idx.msk [tilespmem:v8+s14+$0x0], $0xffff  }
0x466: {  	p0 =	sne.s32 s26, $0x19;
	s25 =	smul.u32 $0x70000, s28;
	[tilespmem:s20+$0x0] =	vst v60  }
.Ltmp7:
0x467: {  	[tilespmem:s20+$0xFFFFFF80] =	vst v61;
	(pc) =	sbr.rel @p0 .LBB2_2-.Ltmp7, $4  }
0x468: {  	s0 =	sor.u32 s8, s25;
	[tilespmem:s10+$0xFFFFFF80] =	vst v63  }
0x469: {  	s29 =	simm.s32 $0x400;
	s28 =	rddreg [dreg:$0x1];
	s0 =	sshrl.u32 s0, $0x3;
	[tilespmem:s12+$0x0] =	vst v9  }
0x46a: {  	s30 =	simm.s32 $0x8000;
	s31 =	simm.s32 $0x19780;
	s0 =	sadd.s32 s28, s0;
	[tilespmem:s12+$0xFFFFFF80] =	vst v8  }
0x46b: {  	[hbm4b:s0+s29] =	stream.strided.scatter [tilespmem:s31], [sflag:$0x4], $0x3800, s30, s29, $0x38;
	[tilespmem:$0x1CF80] =	vst v63  }
0x46c: {  	s0 =	simm.s32 $0x3  }
0x46d: {  	_ =	swait.ge [sflag:s0], $0x3800  }
0x46e: {  	[sflag:s0] =	ssyncset.done $0x0  }
0x46f: {  	s1 =	simm.s32 $0x4;
	[sflag:s0] =	ssyncadd.s32 $0xFFFFC800  }
0x470: {  	_ =	swait.ge [sflag:s1], $0x3800  }
0x471: {  	s2 =	rddreg [dreg:$0x7]  }
0x472: {  	s31 =	rddreg [dreg:$0x6];
	s2 =	sadd.s32 $0x1, s2  }
0x473: {  	p0 =	sne.s32 s2, s31  }
.Ltmp8:
0x474: {  	_ = 	snop;
	(pc) =	sbr.rel @p0 .LBB2_1-.Ltmp8, $3  }
0x475: {  	_ =	sdelay $0x1  }
0x476: {  	[sflag:s1] =	ssyncset.done $0x0  }
0x477: {  	[sflag:s1] =	ssyncadd.s32 $0xFFFFC800  }
0x478: {  	_ =	sfence.sel $0x180000  }
0x479: {  	[bflag:$0x0] =	sbarrier.arrive $0xFFFF  }
0x47a: {  	_ =	strace $0x90000047  }
0x47b: {  	s0 =	stileid.u32;
	[bflag:$0x2] =	sbarrier.arrive $0xFFFF  }
0x47c: {  	p0 =	sne.s32 s0, $0x0;
	s0 =	rddreg [dreg:$0x2]  }
0x47d: {  	s0 =	sadd.s32 @!p0 $0x100000, s0  }
0x47e: {  	[sflag:s0] =	ssyncadd.tile.s32 @!p0 $0x1;
	_ =	shalt  }
.Lfunc_end2:
_tile_overlayer_lowered:
.L_overlay_start_2:
0x47f: {  	(tag) =	ssettag $0x2  }
0x480: {  	s0 =	rddreg [dreg:$0x0];
	s2 =	stileid.u32  }
0x481: {  	s1 =	rddreg [dreg:$0x1];
	p0 =	sne.s32 s2, $0x0  }
0x482: {  	s3 =	rddreg [dreg:$0x2];
	[bflag:$0x3] =	sbarrier.arrive $0xFFFF;
	s2 =	simm.s32 @!p0 $0x1C05  }
0x483: {  	[timem:s3], [sflag:s2] =	dma.local @!p0 [hbm:s0], s1  }
0x484: {  	s0 =	simm.s32 @!p0 $0x5  }
0x485: {  	_ =	swait.ge @!p0 [sflag:s0], s1  }
0x486: {  	s1 =	ssub.s32 @!p0 $0x0, s1;
	[sflag:s0] =	ssyncset.done @!p0 $0x0  }
0x487: {  	[sflag:s0] =	ssyncadd.s32 @!p0 s1  }
0x488: {  	[bflag:$0x3] =	sbarrier.arrive $0xFFFF  }
0x489: {  	_ =	shalt  }

</sc_bundles>
